<compile_context>
chip_gen: v7x
topology: tpu7x:2x2x1
jax: 0.10.2.dev20260603
libtpu: 0.0.44.dev20260713+nightly
codegen_flags: <defaults>
</compile_context>

<pallas_src>
import functools

import jax
import jax.numpy as jnp
from jax import lax
from jax.experimental import pallas as pl
from jax.experimental.pallas import tpu as pltpu
from jax.experimental.pallas import tpu_sc as plsc

_NC = 2
_NS = 16
_NW = _NC * _NS


def _sc_edge_sums(feats, eidx, zeros128, chunk, nbuf, f_out=None):
    n, f = feats.shape
    dt = feats.dtype
    f_out = f if f_out is None else f_out
    e = eidx.shape[1] * eidx.shape[2] * eidx.shape[3]
    per_w = e // _NW
    steps = per_w // chunk
    assert steps % nbuf == 0 and per_w % chunk == 0 and e % _NW == 0
    outer = steps // nbuf
    rows_per_tile = ((n // _NS) + 7) // 8 * 8
    n_pad = rows_per_tile * _NS
    mesh = plsc.VectorSubcoreMesh(core_axis_name="c", subcore_axis_name="s")

    @functools.partial(
        pl.kernel,
        out_type=[jax.ShapeDtypeStruct((n_pad, f_out), dt),
                  jax.ShapeDtypeStruct((n_pad, f_out), dt)],
        mesh=mesh,
        scratch_types=(
            [pltpu.VMEM((steps, chunk), jnp.int32),
             pltpu.VMEM((steps, chunk), jnp.int32)]
            + [pltpu.VMEM((chunk, f), dt)] * nbuf
            + [pltpu.VMEM_SHARED((n_pad, f_out), dt)]
            + [pltpu.SemaphoreType.DMA] * (2 * nbuf)
        ),
        compiler_params=pltpu.CompilerParams(use_tc_tiling_on_sc=False),
    )
    def k(x_hbm, eidx_hbm, zero_hbm, out0_hbm, out1_hbm,
          row2d, col2d, *rest):
        bufs = rest[:nbuf]
        acc_sh = rest[nbuf]
        sg = rest[nbuf + 1:2 * nbuf + 1]
        ss = rest[2 * nbuf + 1:]
        cid = lax.axis_index("c")
        sid = lax.axis_index("s")
        wid = sid * _NC + cid
        r0 = sid * rows_per_tile
        for z0 in range(0, rows_per_tile, 128):
            zr = min(128, rows_per_tile - z0)
            pltpu.sync_copy(zero_hbm.at[pl.ds(0, zr), pl.ds(0, f_out)],
                            acc_sh.at[pl.ds(r0 + z0, zr)])
        pltpu.sync_copy(eidx_hbm.at[0, wid], row2d)
        pltpu.sync_copy(eidx_hbm.at[1, wid], col2d)
        plsc.subcore_barrier()

        def src(b):
            if f_out == f:
                return bufs[b]
            return bufs[b].at[pl.ds(0, chunk), pl.ds(0, f_out)]

        def wait_gather(b):
            pltpu.make_async_copy(x_hbm.at[pl.ds(0, chunk)], bufs[b], sg[b]).wait()

        def wait_scatter(b):
            pltpu.make_async_copy(src(b), acc_sh.at[pl.ds(0, chunk)], ss[b]).wait()

        for b in range(nbuf):
            pltpu.async_copy(x_hbm.at[row2d.at[b]], bufs[b], sg[b])

        def body(g, carry):
            t0 = g * nbuf
            for b in range(nbuf):
                wait_gather(b)
                pltpu.async_copy(src(b), acc_sh.at[col2d.at[t0 + b]], ss[b],
                                 add=True)
            for b in range(nbuf):
                @pl.when(g < outer - 1)
                def _():
                    wait_scatter(b)
                    pltpu.async_copy(x_hbm.at[row2d.at[t0 + nbuf + b]],
                                     bufs[b], sg[b])
            return carry

        lax.fori_loop(0, outer, body, 0)
        for b in range(nbuf):
            wait_scatter(b)
        plsc.subcore_barrier()

        @pl.when(cid == 0)
        def _():
            pltpu.sync_copy(acc_sh.at[pl.ds(r0, rows_per_tile)],
                            out0_hbm.at[pl.ds(r0, rows_per_tile)])

        @pl.when(cid == 1)
        def _():
            pltpu.sync_copy(acc_sh.at[pl.ds(r0, rows_per_tile)],
                            out1_hbm.at[pl.ds(r0, rows_per_tile)])

    return k(feats, eidx, zeros128)


def _dot(a, b):
    return lax.dot_general(a, b, (((1,), (0,)), ((), ())),
                           preferred_element_type=jnp.float32)


def _tc_h1(x, s1a, s1b, wl1t, wr1t, bl1, block):
    n, m = x.shape
    h = wl1t.shape[1]
    f = s1a.shape[1]

    def body(x_ref, sa_ref, sb_ref, wl_ref, wr_ref, b_ref,
             deg_ref, h1b_ref):
        s = sa_ref[...].astype(jnp.float32) + sb_ref[...].astype(jnp.float32)
        deg = jnp.maximum(s[:, m:m + 1], 1.0)
        frac = s[:, :m] / deg
        xb = x_ref[...]
        h1 = jnp.maximum(_dot(frac, wl_ref[...]) + _dot(xb, wr_ref[...])
                         + b_ref[...], 0.0)
        deg_ref[...] = deg
        h1b_ref[...] = h1.astype(jnp.bfloat16)

    grid = (n // block,)
    return pl.pallas_call(
        body,
        grid=grid,
        in_specs=[
            pl.BlockSpec((block, m), lambda i: (i, 0)),
            pl.BlockSpec((block, f), lambda i: (i, 0)),
            pl.BlockSpec((block, f), lambda i: (i, 0)),
            pl.BlockSpec((m, h), lambda i: (0, 0)),
            pl.BlockSpec((m, h), lambda i: (0, 0)),
            pl.BlockSpec((1, h), lambda i: (0, 0)),
        ],
        out_specs=[
            pl.BlockSpec((block, 1), lambda i: (i, 0)),
            pl.BlockSpec((block, h), lambda i: (i, 0)),
        ],
        out_shape=[
            jax.ShapeDtypeStruct((n, 1), jnp.float32),
            jax.ShapeDtypeStruct((n, h), jnp.bfloat16),
        ],
    )(x, s1a, s1b, wl1t, wr1t, bl1)


def _tc_zmain(x, s1a, s1b, wht, bh, g, block):
    n, m = x.shape
    f = s1a.shape[1]
    zdim = 3 * m + g

    def body(x_ref, sa_ref, sb_ref, wh_ref, bh_ref, z_ref, y_ref):
        s = sa_ref[...].astype(jnp.float32) + sb_ref[...].astype(jnp.float32)
        deg = jnp.maximum(s[:, m:m + 1], 1.0)
        fr = s[:, :m] / deg
        xb = x_ref[...]
        z = jnp.concatenate(
            [xb, fr, xb * fr, jnp.zeros((block, g), jnp.float32)], axis=1)
        z_ref[...] = z
        y_ref[...] = _dot(z, wh_ref[...]) + bh_ref[...]

    grid = (n // block,)
    return pl.pallas_call(
        body,
        grid=grid,
        in_specs=[
            pl.BlockSpec((block, m), lambda i: (i, 0)),
            pl.BlockSpec((block, f), lambda i: (i, 0)),
            pl.BlockSpec((block, f), lambda i: (i, 0)),
            pl.BlockSpec((zdim, 1), lambda i: (0, 0)),
            pl.BlockSpec((1, 1), lambda i: (0, 0)),
        ],
        out_specs=[
            pl.BlockSpec((block, zdim), lambda i: (i, 0)),
            pl.BlockSpec((block, 1), lambda i: (i, 0)),
        ],
        out_shape=[
            jax.ShapeDtypeStruct((n, zdim), jnp.float32),
            jax.ShapeDtypeStruct((n, 1), jnp.float32),
        ],
    )(x, s1a, s1b, wht, bh)


def _tc_tail(z_main, ypart, s2a, s2b, degc, h1, wl2t, wr2t, bl2, wh2t, block):
    n, zdim = z_main.shape
    h = h1.shape[1]
    g = wl2t.shape[1]
    assert zdim - g == 384 and g == 16

    def body(yp_ref, sa_ref, sb_ref, dg_ref, h1_ref,
             wl_ref, wr_ref, b2_ref, wh_ref, h2_ref, y_ref):
        m2 = (sa_ref[...].astype(jnp.float32)
              + sb_ref[...].astype(jnp.float32)) / dg_ref[...]
        h2 = jnp.maximum(_dot(m2, wl_ref[...])
                         + _dot(h1_ref[...].astype(jnp.float32), wr_ref[...])
                         + b2_ref[...], 0.0)
        h2_ref[...] = h2
        y_ref[...] = yp_ref[...] + _dot(h2, wh_ref[...])

    grid = (n // block,)
    h2z, yhat = pl.pallas_call(
        body,
        grid=grid,
        in_specs=[
            pl.BlockSpec((block, 1), lambda i: (i, 0)),
            pl.BlockSpec((block, h), lambda i: (i, 0)),
            pl.BlockSpec((block, h), lambda i: (i, 0)),
            pl.BlockSpec((block, 1), lambda i: (i, 0)),
            pl.BlockSpec((block, h), lambda i: (i, 0)),
            pl.BlockSpec((h, g), lambda i: (0, 0)),
            pl.BlockSpec((h, g), lambda i: (0, 0)),
            pl.BlockSpec((1, g), lambda i: (0, 0)),
            pl.BlockSpec((g, 1), lambda i: (0, 0)),
        ],
        out_specs=[
            pl.BlockSpec((block, g), lambda i: (i, 0)),
            pl.BlockSpec((block, 1), lambda i: (i, 0)),
        ],
        out_shape=[
            jax.ShapeDtypeStruct((n, g), jnp.float32),
            jax.ShapeDtypeStruct((n, 1), jnp.float32),
        ],
    )(ypart, s2a, s2b, degc, h1, wl2t, wr2t, bl2, wh2t)
    z = lax.dynamic_update_slice(z_main, h2z, (0, zdim - g))
    return z, yhat


def kernel(x_bin, edge_index, Wl1, bl1, Wr1, Wl2, bl2, Wr2, Wh, bh):
    n, m = x_bin.shape
    g = Wl2.shape[0]
    e = edge_index.shape[1]
    chunk = 125
    steps = e // _NW // chunk
    eidx = lax.optimization_barrier(
        edge_index.astype(jnp.int32).reshape(2, _NW, steps, chunk))

    f1 = 160
    x_ext = jnp.concatenate(
        [x_bin, jnp.ones((n, 1), jnp.float32), jnp.zeros((n, f1 - m - 1), jnp.float32)],
        axis=1).astype(jnp.bfloat16)
    zeros128 = jnp.zeros((128, f1), jnp.bfloat16)
    s1a, s1b = _sc_edge_sums(x_ext, eidx, zeros128, chunk=chunk, nbuf=5)

    degc, h1b = _tc_h1(x_bin, s1a, s1b, Wl1.T, Wr1.T,
                       bl1.reshape(1, -1), block=1000)

    s2a, s2b = _sc_edge_sums(h1b, eidx, zeros128, chunk=chunk, nbuf=8)

    z_main, ypart = _tc_zmain(x_bin, s1a, s1b, Wh.T, bh.reshape(1, 1), g,
                              block=1000)

    z, yhat = _tc_tail(z_main, ypart, s2a, s2b, degc, h1b, Wl2.T, Wr2.T,
                       bl2.reshape(1, -1), Wh.T[3 * m:], block=1000)
    return (yhat.reshape(-1), z)

# --- scband reference (transcript-rebuilt; emitter-appended) ---
"""Pipeline reference for scband-local-curvature-gnn-58428735095026 (READ-ONLY COPY).

The authoritative reference and input builder live on the scoring server;
editing this copy changes nothing except your own understanding.
"""

import jax, jax.numpy as jnp
import numpy as np

N = 10000
E = 320000
M = 128
H = 32
G = 16


def setup_inputs(seed: int = 0) -> dict:
    key = jax.random.key(seed)
    ks = jax.random.split(key, 12)
    x_bin = (jax.random.uniform(ks[0], (N, M)) < 0.5).astype(jnp.float32)
    edge_index = jax.random.randint(ks[1], (2, E), 0, N, dtype=jnp.int64)
    s = 0.05
    Wl1 = jax.random.normal(ks[2], (H, M), dtype=jnp.float32) * s
    bl1 = jnp.zeros((H,), dtype=jnp.float32)
    Wr1 = jax.random.normal(ks[3], (H, M), dtype=jnp.float32) * s
    Wl2 = jax.random.normal(ks[4], (G, H), dtype=jnp.float32) * s
    bl2 = jnp.zeros((G,), dtype=jnp.float32)
    Wr2 = jax.random.normal(ks[5], (G, H), dtype=jnp.float32) * s
    Wh = jax.random.normal(ks[6], (1, 3 * M + G), dtype=jnp.float32) * s
    bh = jnp.zeros((1,), dtype=jnp.float32)
    return {"x_bin": x_bin, "edge_index": edge_index, "Wl1": Wl1, "bl1": bl1, "Wr1": Wr1, "Wl2": Wl2, "bl2": bl2, "Wr2": Wr2, "Wh": Wh, "bh": bh}


def neighbor_mean(features, edge_index, num_nodes):
    row = edge_index[0]
    col = edge_index[1]
    sum_aggr = jnp.zeros_like(features).at[col].add(features[row])
    deg = jnp.zeros((num_nodes,), dtype=features.dtype).at[col].add(1.0)
    deg = jnp.clip(deg, 1.0, None).reshape(-1, 1)
    return sum_aggr / deg


def sage_conv(x, edge_index, Wl, bl, Wr, num_nodes):
    # PyG SAGEConv (aggr='mean'): lin_l(mean_neighbors) + lin_r(x); bias in lin_l
    neigh = neighbor_mean(x, edge_index, num_nodes)
    return neigh @ Wl.T + bl + x @ Wr.T


def reference(x_bin, edge_index, Wl1, bl1, Wr1, Wl2, bl2, Wr2, Wh, bh):
    n = x_bin.shape[0]
    # explicit branch
    frac1 = neighbor_mean(x_bin, edge_index, n)
    cross = x_bin * frac1
    feats = jnp.concatenate([x_bin, frac1, cross], axis=1)
    # GNN branch (eval mode: dropout is identity)
    h = jax.nn.relu(sage_conv(x_bin, edge_index, Wl1, bl1, Wr1, n))
    h = jax.nn.relu(sage_conv(h, edge_index, Wl2, bl2, Wr2, n))
    z = jnp.concatenate([feats, h], axis=1)
    yhat = (z @ Wh.T + bh).squeeze(-1)
    return (yhat, z)

if __name__ == "__main__":
    import jax
    _d = setup_inputs()
    print(jax.jit(kernel)(*tuple(_d.values())))

</pallas_src>

<mosaic_0001>
#map = affine_map<(d0, d1) -> (0, 0)>
#map1 = affine_map<(d0, d1) -> (0, 0, 0, 0)>
module attributes {stable_mosaic.version = 14 : i64} {
  func.func @k(%arg0: i32, %arg1: i32, %arg2: memref<10000x32xbf16, #tpu.memory_space<hbm>>, %arg3: memref<2x32x80x125xi32, #tpu.memory_space<hbm>>, %arg4: memref<128x160xbf16, #tpu.memory_space<hbm>>, %arg5: memref<10112x32xbf16, #tpu.memory_space<hbm>>, %arg6: memref<10112x32xbf16, #tpu.memory_space<hbm>>, %arg7: memref<80x125xi32, #tpu.memory_space<vmem>>, %arg8: memref<80x125xi32, #tpu.memory_space<vmem>>, %arg9: memref<125x32xbf16, #tpu.memory_space<vmem>>, %arg10: memref<125x32xbf16, #tpu.memory_space<vmem>>, %arg11: memref<125x32xbf16, #tpu.memory_space<vmem>>, %arg12: memref<125x32xbf16, #tpu.memory_space<vmem>>, %arg13: memref<125x32xbf16, #tpu.memory_space<vmem>>, %arg14: memref<125x32xbf16, #tpu.memory_space<vmem>>, %arg15: memref<125x32xbf16, #tpu.memory_space<vmem>>, %arg16: memref<125x32xbf16, #tpu.memory_space<vmem>>, %arg17: memref<10112x32xbf16, #tpu.memory_space<vmem_shared>>, %arg18: memref<!tpu.dma_semaphore, #tpu.memory_space<semaphore_mem>>, %arg19: memref<!tpu.dma_semaphore, #tpu.memory_space<semaphore_mem>>, %arg20: memref<!tpu.dma_semaphore, #tpu.memory_space<semaphore_mem>>, %arg21: memref<!tpu.dma_semaphore, #tpu.memory_space<semaphore_mem>>, %arg22: memref<!tpu.dma_semaphore, #tpu.memory_space<semaphore_mem>>, %arg23: memref<!tpu.dma_semaphore, #tpu.memory_space<semaphore_mem>>, %arg24: memref<!tpu.dma_semaphore, #tpu.memory_space<semaphore_mem>>, %arg25: memref<!tpu.dma_semaphore, #tpu.memory_space<semaphore_mem>>, %arg26: memref<!tpu.dma_semaphore, #tpu.memory_space<semaphore_mem>>, %arg27: memref<!tpu.dma_semaphore, #tpu.memory_space<semaphore_mem>>, %arg28: memref<!tpu.dma_semaphore, #tpu.memory_space<semaphore_mem>>, %arg29: memref<!tpu.dma_semaphore, #tpu.memory_space<semaphore_mem>>, %arg30: memref<!tpu.dma_semaphore, #tpu.memory_space<semaphore_mem>>, %arg31: memref<!tpu.dma_semaphore, #tpu.memory_space<semaphore_mem>>, %arg32: memref<!tpu.dma_semaphore, #tpu.memory_space<semaphore_mem>>, %arg33: memref<!tpu.dma_semaphore, #tpu.memory_space<semaphore_mem>>) attributes {dimension_semantics = [#tpu.dimension_semantics<core_parallel>, #tpu.dimension_semantics<subcore_parallel>], iteration_bounds = array<i64: 2, 16>, scalar_prefetch = 0 : i64, scratch_operands = 27 : i64, tpu.core_type = #tpu.core_type<sc_vector_subcore>, window_params = [{transform_indices = #map}, {transform_indices = #map1}, {transform_indices = #map}, {transform_indices = #map}, {transform_indices = #map}]} {
    %mul3A = arith.constant 2 : i32
    %mul3A_0 = arith.muli %arg1, %mul3A : i32
    %add3A = arith.addi %mul3A_0, %arg0 : i32
    %mul3A_1 = arith.constant 632 : i32
    %mul3A_2 = arith.muli %arg1, %mul3A_1 : i32
    %add3A_3 = arith.constant 0 : i32
    %add3A_4 = arith.addi %mul3A_2, %add3A_3 : i32
    "tpu.region"() ({
      %run_scoped3A_129 = tpu.sem_alloc : memref<!tpu.dma_semaphore, #tpu.memory_space<semaphore_mem>>
      %dma_start3A_130 = arith.constant 0 : i32
      %dma_start3A_131 = tpu.memref_slice %arg17[%add3A_4, %dma_start3A_130] : memref<10112x32xbf16, #tpu.memory_space<vmem_shared>> -> memref<128x32xbf16, #tpu.memory_space<vmem_shared>>
      %dma_start3A_132 = arith.constant 0 : i32
      %dma_start3A_133 = arith.constant 0 : i32
      %dma_start3A_134 = tpu.memref_slice %arg4[%dma_start3A_132, %dma_start3A_133] : memref<128x160xbf16, #tpu.memory_space<hbm>> -> memref<128x32xbf16, #tpu.memory_space<hbm>>
      tpu.enqueue_dma source(%dma_start3A_134 : memref<128x32xbf16, #tpu.memory_space<hbm>>) target(%dma_start3A_131 : memref<128x32xbf16, #tpu.memory_space<vmem_shared>>) target_semaphore(%run_scoped3A_129 : memref<!tpu.dma_semaphore, #tpu.memory_space<semaphore_mem>>)
      %dma_wait3A_135 = arith.constant 0 : i32
      %dma_wait3A_136 = tpu.memref_slice %arg17[%add3A_4, %dma_wait3A_135] : memref<10112x32xbf16, #tpu.memory_space<vmem_shared>> -> memref<128x32xbf16, #tpu.memory_space<vmem_shared>>
      %dma_wait3A_137 = arith.constant 0 : i32
      %dma_wait3A_138 = arith.constant 0 : i32
      %dma_wait3A_139 = tpu.memref_slice %arg4[%dma_wait3A_137, %dma_wait3A_138] : memref<128x160xbf16, #tpu.memory_space<hbm>> -> memref<128x32xbf16, #tpu.memory_space<hbm>>
      tpu.wait_dma2 semaphore(%run_scoped3A_129 : memref<!tpu.dma_semaphore, #tpu.memory_space<semaphore_mem>>) src(%dma_wait3A_139 : memref<128x32xbf16, #tpu.memory_space<hbm>>) dst(%dma_wait3A_136 : memref<128x32xbf16, #tpu.memory_space<vmem_shared>>)
      tpu.yield
    }) : () -> ()
    %add3A_5 = arith.constant 128 : i32
    %add3A_6 = arith.addi %mul3A_2, %add3A_5 : i32
    "tpu.region"() ({
      %run_scoped3A_129 = tpu.sem_alloc : memref<!tpu.dma_semaphore, #tpu.memory_space<semaphore_mem>>
      %dma_start3A_130 = arith.constant 0 : i32
      %dma_start3A_131 = tpu.memref_slice %arg17[%add3A_6, %dma_start3A_130] : memref<10112x32xbf16, #tpu.memory_space<vmem_shared>> -> memref<128x32xbf16, #tpu.memory_space<vmem_shared>>
      %dma_start3A_132 = arith.constant 0 : i32
      %dma_start3A_133 = arith.constant 0 : i32
      %dma_start3A_134 = tpu.memref_slice %arg4[%dma_start3A_132, %dma_start3A_133] : memref<128x160xbf16, #tpu.memory_space<hbm>> -> memref<128x32xbf16, #tpu.memory_space<hbm>>
      tpu.enqueue_dma source(%dma_start3A_134 : memref<128x32xbf16, #tpu.memory_space<hbm>>) target(%dma_start3A_131 : memref<128x32xbf16, #tpu.memory_space<vmem_shared>>) target_semaphore(%run_scoped3A_129 : memref<!tpu.dma_semaphore, #tpu.memory_space<semaphore_mem>>)
      %dma_wait3A_135 = arith.constant 0 : i32
      %dma_wait3A_136 = tpu.memref_slice %arg17[%add3A_6, %dma_wait3A_135] : memref<10112x32xbf16, #tpu.memory_space<vmem_shared>> -> memref<128x32xbf16, #tpu.memory_space<vmem_shared>>
      %dma_wait3A_137 = arith.constant 0 : i32
      %dma_wait3A_138 = arith.constant 0 : i32
      %dma_wait3A_139 = tpu.memref_slice %arg4[%dma_wait3A_137, %dma_wait3A_138] : memref<128x160xbf16, #tpu.memory_space<hbm>> -> memref<128x32xbf16, #tpu.memory_space<hbm>>
      tpu.wait_dma2 semaphore(%run_scoped3A_129 : memref<!tpu.dma_semaphore, #tpu.memory_space<semaphore_mem>>) src(%dma_wait3A_139 : memref<128x32xbf16, #tpu.memory_space<hbm>>) dst(%dma_wait3A_136 : memref<128x32xbf16, #tpu.memory_space<vmem_shared>>)
      tpu.yield
    }) : () -> ()
    %add3A_7 = arith.constant 256 : i32
    %add3A_8 = arith.addi %mul3A_2, %add3A_7 : i32
    "tpu.region"() ({
      %run_scoped3A_129 = tpu.sem_alloc : memref<!tpu.dma_semaphore, #tpu.memory_space<semaphore_mem>>
      %dma_start3A_130 = arith.constant 0 : i32
      %dma_start3A_131 = tpu.memref_slice %arg17[%add3A_8, %dma_start3A_130] : memref<10112x32xbf16, #tpu.memory_space<vmem_shared>> -> memref<128x32xbf16, #tpu.memory_space<vmem_shared>>
      %dma_start3A_132 = arith.constant 0 : i32
      %dma_start3A_133 = arith.constant 0 : i32
      %dma_start3A_134 = tpu.memref_slice %arg4[%dma_start3A_132, %dma_start3A_133] : memref<128x160xbf16, #tpu.memory_space<hbm>> -> memref<128x32xbf16, #tpu.memory_space<hbm>>
      tpu.enqueue_dma source(%dma_start3A_134 : memref<128x32xbf16, #tpu.memory_space<hbm>>) target(%dma_start3A_131 : memref<128x32xbf16, #tpu.memory_space<vmem_shared>>) target_semaphore(%run_scoped3A_129 : memref<!tpu.dma_semaphore, #tpu.memory_space<semaphore_mem>>)
      %dma_wait3A_135 = arith.constant 0 : i32
      %dma_wait3A_136 = tpu.memref_slice %arg17[%add3A_8, %dma_wait3A_135] : memref<10112x32xbf16, #tpu.memory_space<vmem_shared>> -> memref<128x32xbf16, #tpu.memory_space<vmem_shared>>
      %dma_wait3A_137 = arith.constant 0 : i32
      %dma_wait3A_138 = arith.constant 0 : i32
      %dma_wait3A_139 = tpu.memref_slice %arg4[%dma_wait3A_137, %dma_wait3A_138] : memref<128x160xbf16, #tpu.memory_space<hbm>> -> memref<128x32xbf16, #tpu.memory_space<hbm>>
      tpu.wait_dma2 semaphore(%run_scoped3A_129 : memref<!tpu.dma_semaphore, #tpu.memory_space<semaphore_mem>>) src(%dma_wait3A_139 : memref<128x32xbf16, #tpu.memory_space<hbm>>) dst(%dma_wait3A_136 : memref<128x32xbf16, #tpu.memory_space<vmem_shared>>)
      tpu.yield
    }) : () -> ()
    %add3A_9 = arith.constant 384 : i32
    %add3A_10 = arith.addi %mul3A_2, %add3A_9 : i32
    "tpu.region"() ({
      %run_scoped3A_129 = tpu.sem_alloc : memref<!tpu.dma_semaphore, #tpu.memory_space<semaphore_mem>>
      %dma_start3A_130 = arith.constant 0 : i32
      %dma_start3A_131 = tpu.memref_slice %arg17[%add3A_10, %dma_start3A_130] : memref<10112x32xbf16, #tpu.memory_space<vmem_shared>> -> memref<128x32xbf16, #tpu.memory_space<vmem_shared>>
      %dma_start3A_132 = arith.constant 0 : i32
      %dma_start3A_133 = arith.constant 0 : i32
      %dma_start3A_134 = tpu.memref_slice %arg4[%dma_start3A_132, %dma_start3A_133] : memref<128x160xbf16, #tpu.memory_space<hbm>> -> memref<128x32xbf16, #tpu.memory_space<hbm>>
      tpu.enqueue_dma source(%dma_start3A_134 : memref<128x32xbf16, #tpu.memory_space<hbm>>) target(%dma_start3A_131 : memref<128x32xbf16, #tpu.memory_space<vmem_shared>>) target_semaphore(%run_scoped3A_129 : memref<!tpu.dma_semaphore, #tpu.memory_space<semaphore_mem>>)
      %dma_wait3A_135 = arith.constant 0 : i32
      %dma_wait3A_136 = tpu.memref_slice %arg17[%add3A_10, %dma_wait3A_135] : memref<10112x32xbf16, #tpu.memory_space<vmem_shared>> -> memref<128x32xbf16, #tpu.memory_space<vmem_shared>>
      %dma_wait3A_137 = arith.constant 0 : i32
      %dma_wait3A_138 = arith.constant 0 : i32
      %dma_wait3A_139 = tpu.memref_slice %arg4[%dma_wait3A_137, %dma_wait3A_138] : memref<128x160xbf16, #tpu.memory_space<hbm>> -> memref<128x32xbf16, #tpu.memory_space<hbm>>
      tpu.wait_dma2 semaphore(%run_scoped3A_129 : memref<!tpu.dma_semaphore, #tpu.memory_space<semaphore_mem>>) src(%dma_wait3A_139 : memref<128x32xbf16, #tpu.memory_space<hbm>>) dst(%dma_wait3A_136 : memref<128x32xbf16, #tpu.memory_space<vmem_shared>>)
      tpu.yield
    }) : () -> ()
    %add3A_11 = arith.constant 512 : i32
    %add3A_12 = arith.addi %mul3A_2, %add3A_11 : i32
    "tpu.region"() ({
      %run_scoped3A_129 = tpu.sem_alloc : memref<!tpu.dma_semaphore, #tpu.memory_space<semaphore_mem>>
      %dma_start3A_130 = arith.constant 0 : i32
      %dma_start3A_131 = tpu.memref_slice %arg17[%add3A_12, %dma_start3A_130] : memref<10112x32xbf16, #tpu.memory_space<vmem_shared>> -> memref<120x32xbf16, #tpu.memory_space<vmem_shared>>
      %dma_start3A_132 = arith.constant 0 : i32
      %dma_start3A_133 = arith.constant 0 : i32
      %dma_start3A_134 = tpu.memref_slice %arg4[%dma_start3A_132, %dma_start3A_133] : memref<128x160xbf16, #tpu.memory_space<hbm>> -> memref<120x32xbf16, #tpu.memory_space<hbm>>
      tpu.enqueue_dma source(%dma_start3A_134 : memref<120x32xbf16, #tpu.memory_space<hbm>>) target(%dma_start3A_131 : memref<120x32xbf16, #tpu.memory_space<vmem_shared>>) target_semaphore(%run_scoped3A_129 : memref<!tpu.dma_semaphore, #tpu.memory_space<semaphore_mem>>)
      %dma_wait3A_135 = arith.constant 0 : i32
      %dma_wait3A_136 = tpu.memref_slice %arg17[%add3A_12, %dma_wait3A_135] : memref<10112x32xbf16, #tpu.memory_space<vmem_shared>> -> memref<120x32xbf16, #tpu.memory_space<vmem_shared>>
      %dma_wait3A_137 = arith.constant 0 : i32
      %dma_wait3A_138 = arith.constant 0 : i32
      %dma_wait3A_139 = tpu.memref_slice %arg4[%dma_wait3A_137, %dma_wait3A_138] : memref<128x160xbf16, #tpu.memory_space<hbm>> -> memref<120x32xbf16, #tpu.memory_space<hbm>>
      tpu.wait_dma2 semaphore(%run_scoped3A_129 : memref<!tpu.dma_semaphore, #tpu.memory_space<semaphore_mem>>) src(%dma_wait3A_139 : memref<120x32xbf16, #tpu.memory_space<hbm>>) dst(%dma_wait3A_136 : memref<120x32xbf16, #tpu.memory_space<vmem_shared>>)
      tpu.yield
    }) : () -> ()
    %run_scoped3A = arith.constant 0 : i32
    "tpu.region"() ({
      %run_scoped3A_129 = tpu.sem_alloc : memref<!tpu.dma_semaphore, #tpu.memory_space<semaphore_mem>>
      %dma_start3A_130 = arith.constant 0 : i32
      %dma_start3A_131 = arith.constant 0 : i32
      %dma_start3A_132 = tpu.memref_slice %arg3[%run_scoped3A, %add3A, %dma_start3A_130, %dma_start3A_131] : memref<2x32x80x125xi32, #tpu.memory_space<hbm>> -> memref<1x1x80x125xi32, #tpu.memory_space<hbm>>
      %dma_start3A_133 = tpu.memref_squeeze %dma_start3A_132 : memref<1x1x80x125xi32, #tpu.memory_space<hbm>> -> memref<80x125xi32, #tpu.memory_space<hbm>>
      %dma_start3A_134 = arith.constant 0 : i32
      %dma_start3A_135 = arith.constant 0 : i32
      %dma_start3A_136 = tpu.memref_slice %arg3[%run_scoped3A, %add3A, %dma_start3A_134, %dma_start3A_135] : memref<2x32x80x125xi32, #tpu.memory_space<hbm>> -> memref<1x1x80x125xi32, #tpu.memory_space<hbm>>
      %dma_start3A_137 = tpu.memref_squeeze %dma_start3A_136 : memref<1x1x80x125xi32, #tpu.memory_space<hbm>> -> memref<80x125xi32, #tpu.memory_space<hbm>>
      tpu.enqueue_dma source(%dma_start3A_137 : memref<80x125xi32, #tpu.memory_space<hbm>>) target(%arg7 : memref<80x125xi32, #tpu.memory_space<vmem>>) target_semaphore(%run_scoped3A_129 : memref<!tpu.dma_semaphore, #tpu.memory_space<semaphore_mem>>)
      %dma_wait3A_138 = arith.constant 0 : i32
      %dma_wait3A_139 = arith.constant 0 : i32
      %dma_wait3A_140 = tpu.memref_slice %arg3[%run_scoped3A, %add3A, %dma_wait3A_138, %dma_wait3A_139] : memref<2x32x80x125xi32, #tpu.memory_space<hbm>> -> memref<1x1x80x125xi32, #tpu.memory_space<hbm>>
      %dma_wait3A_141 = tpu.memref_squeeze %dma_wait3A_140 : memref<1x1x80x125xi32, #tpu.memory_space<hbm>> -> memref<80x125xi32, #tpu.memory_space<hbm>>
      %dma_wait3A_142 = arith.constant 0 : i32
      %dma_wait3A_143 = arith.constant 0 : i32
      %dma_wait3A_144 = tpu.memref_slice %arg3[%run_scoped3A, %add3A, %dma_wait3A_142, %dma_wait3A_143] : memref<2x32x80x125xi32, #tpu.memory_space<hbm>> -> memref<1x1x80x125xi32, #tpu.memory_space<hbm>>
      %dma_wait3A_145 = tpu.memref_squeeze %dma_wait3A_144 : memref<1x1x80x125xi32, #tpu.memory_space<hbm>> -> memref<80x125xi32, #tpu.memory_space<hbm>>
      tpu.wait_dma2 semaphore(%run_scoped3A_129 : memref<!tpu.dma_semaphore, #tpu.memory_space<semaphore_mem>>) src(%dma_wait3A_145 : memref<80x125xi32, #tpu.memory_space<hbm>>) dst(%arg7 : memref<80x125xi32, #tpu.memory_space<vmem>>)
      tpu.yield
    }) : () -> ()
    %run_scoped3A_13 = arith.constant 1 : i32
    "tpu.region"() ({
      %run_scoped3A_129 = tpu.sem_alloc : memref<!tpu.dma_semaphore, #tpu.memory_space<semaphore_mem>>
      %dma_start3A_130 = arith.constant 0 : i32
      %dma_start3A_131 = arith.constant 0 : i32
      %dma_start3A_132 = tpu.memref_slice %arg3[%run_scoped3A_13, %add3A, %dma_start3A_130, %dma_start3A_131] : memref<2x32x80x125xi32, #tpu.memory_space<hbm>> -> memref<1x1x80x125xi32, #tpu.memory_space<hbm>>
      %dma_start3A_133 = tpu.memref_squeeze %dma_start3A_132 : memref<1x1x80x125xi32, #tpu.memory_space<hbm>> -> memref<80x125xi32, #tpu.memory_space<hbm>>
      %dma_start3A_134 = arith.constant 0 : i32
      %dma_start3A_135 = arith.constant 0 : i32
      %dma_start3A_136 = tpu.memref_slice %arg3[%run_scoped3A_13, %add3A, %dma_start3A_134, %dma_start3A_135] : memref<2x32x80x125xi32, #tpu.memory_space<hbm>> -> memref<1x1x80x125xi32, #tpu.memory_space<hbm>>
      %dma_start3A_137 = tpu.memref_squeeze %dma_start3A_136 : memref<1x1x80x125xi32, #tpu.memory_space<hbm>> -> memref<80x125xi32, #tpu.memory_space<hbm>>
      tpu.enqueue_dma source(%dma_start3A_137 : memref<80x125xi32, #tpu.memory_space<hbm>>) target(%arg8 : memref<80x125xi32, #tpu.memory_space<vmem>>) target_semaphore(%run_scoped3A_129 : memref<!tpu.dma_semaphore, #tpu.memory_space<semaphore_mem>>)
      %dma_wait3A_138 = arith.constant 0 : i32
      %dma_wait3A_139 = arith.constant 0 : i32
      %dma_wait3A_140 = tpu.memref_slice %arg3[%run_scoped3A_13, %add3A, %dma_wait3A_138, %dma_wait3A_139] : memref<2x32x80x125xi32, #tpu.memory_space<hbm>> -> memref<1x1x80x125xi32, #tpu.memory_space<hbm>>
      %dma_wait3A_141 = tpu.memref_squeeze %dma_wait3A_140 : memref<1x1x80x125xi32, #tpu.memory_space<hbm>> -> memref<80x125xi32, #tpu.memory_space<hbm>>
      %dma_wait3A_142 = arith.constant 0 : i32
      %dma_wait3A_143 = arith.constant 0 : i32
      %dma_wait3A_144 = tpu.memref_slice %arg3[%run_scoped3A_13, %add3A, %dma_wait3A_142, %dma_wait3A_143] : memref<2x32x80x125xi32, #tpu.memory_space<hbm>> -> memref<1x1x80x125xi32, #tpu.memory_space<hbm>>
      %dma_wait3A_145 = tpu.memref_squeeze %dma_wait3A_144 : memref<1x1x80x125xi32, #tpu.memory_space<hbm>> -> memref<80x125xi32, #tpu.memory_space<hbm>>
      tpu.wait_dma2 semaphore(%run_scoped3A_129 : memref<!tpu.dma_semaphore, #tpu.memory_space<semaphore_mem>>) src(%dma_wait3A_145 : memref<80x125xi32, #tpu.memory_space<hbm>>) dst(%arg8 : memref<80x125xi32, #tpu.memory_space<vmem>>)
      tpu.yield
    }) : () -> ()
    %barrier3A = arith.constant 0 : index
    tpu.barrier barrier_id(%barrier3A)
    %dma_start3A = arith.constant 0 : i32
    %dma_start3A_14 = arith.constant 0 : i32
    %dma_start3A_15 = tpu.memref_slice %arg7[%dma_start3A, %dma_start3A_14] : memref<80x125xi32, #tpu.memory_space<vmem>> -> memref<1x125xi32, #tpu.memory_space<vmem>>
    %dma_start3A_16 = tpu.memref_squeeze %dma_start3A_15 : memref<1x125xi32, #tpu.memory_space<vmem>> -> memref<125xi32, #tpu.memory_space<vmem>>
    %dma_start3A_17 = arith.constant 0 : i32
    %dma_start3A_18 = arith.constant 0 : i32
    %dma_start3A_19 = tpu.memref_slice %arg2[%dma_start3A_17, %dma_start3A_18] : memref<10000x32xbf16, #tpu.memory_space<hbm>> -> memref<10000x32xbf16, #tpu.memory_space<hbm>>
    tpu.enqueue_indirect_dma source(%dma_start3A_19 : memref<10000x32xbf16, #tpu.memory_space<hbm>>) target(%arg9 : memref<125x32xbf16, #tpu.memory_space<vmem>>) offsets(%dma_start3A_16 : memref<125xi32, #tpu.memory_space<vmem>>) semaphore(%arg18 : memref<!tpu.dma_semaphore, #tpu.memory_space<semaphore_mem>>)
    %dma_start3A_20 = arith.constant 1 : i32
    %dma_start3A_21 = arith.constant 0 : i32
    %dma_start3A_22 = tpu.memref_slice %arg7[%dma_start3A_20, %dma_start3A_21] : memref<80x125xi32, #tpu.memory_space<vmem>> -> memref<1x125xi32, #tpu.memory_space<vmem>>
    %dma_start3A_23 = tpu.memref_squeeze %dma_start3A_22 : memref<1x125xi32, #tpu.memory_space<vmem>> -> memref<125xi32, #tpu.memory_space<vmem>>
    %dma_start3A_24 = arith.constant 0 : i32
    %dma_start3A_25 = arith.constant 0 : i32
    %dma_start3A_26 = tpu.memref_slice %arg2[%dma_start3A_24, %dma_start3A_25] : memref<10000x32xbf16, #tpu.memory_space<hbm>> -> memref<10000x32xbf16, #tpu.memory_space<hbm>>
    tpu.enqueue_indirect_dma source(%dma_start3A_26 : memref<10000x32xbf16, #tpu.memory_space<hbm>>) target(%arg10 : memref<125x32xbf16, #tpu.memory_space<vmem>>) offsets(%dma_start3A_23 : memref<125xi32, #tpu.memory_space<vmem>>) semaphore(%arg19 : memref<!tpu.dma_semaphore, #tpu.memory_space<semaphore_mem>>)
    %dma_start3A_27 = arith.constant 2 : i32
    %dma_start3A_28 = arith.constant 0 : i32
    %dma_start3A_29 = tpu.memref_slice %arg7[%dma_start3A_27, %dma_start3A_28] : memref<80x125xi32, #tpu.memory_space<vmem>> -> memref<1x125xi32, #tpu.memory_space<vmem>>
    %dma_start3A_30 = tpu.memref_squeeze %dma_start3A_29 : memref<1x125xi32, #tpu.memory_space<vmem>> -> memref<125xi32, #tpu.memory_space<vmem>>
    %dma_start3A_31 = arith.constant 0 : i32
    %dma_start3A_32 = arith.constant 0 : i32
    %dma_start3A_33 = tpu.memref_slice %arg2[%dma_start3A_31, %dma_start3A_32] : memref<10000x32xbf16, #tpu.memory_space<hbm>> -> memref<10000x32xbf16, #tpu.memory_space<hbm>>
    tpu.enqueue_indirect_dma source(%dma_start3A_33 : memref<10000x32xbf16, #tpu.memory_space<hbm>>) target(%arg11 : memref<125x32xbf16, #tpu.memory_space<vmem>>) offsets(%dma_start3A_30 : memref<125xi32, #tpu.memory_space<vmem>>) semaphore(%arg20 : memref<!tpu.dma_semaphore, #tpu.memory_space<semaphore_mem>>)
    %dma_start3A_34 = arith.constant 3 : i32
    %dma_start3A_35 = arith.constant 0 : i32
    %dma_start3A_36 = tpu.memref_slice %arg7[%dma_start3A_34, %dma_start3A_35] : memref<80x125xi32, #tpu.memory_space<vmem>> -> memref<1x125xi32, #tpu.memory_space<vmem>>
    %dma_start3A_37 = tpu.memref_squeeze %dma_start3A_36 : memref<1x125xi32, #tpu.memory_space<vmem>> -> memref<125xi32, #tpu.memory_space<vmem>>
    %dma_start3A_38 = arith.constant 0 : i32
    %dma_start3A_39 = arith.constant 0 : i32
    %dma_start3A_40 = tpu.memref_slice %arg2[%dma_start3A_38, %dma_start3A_39] : memref<10000x32xbf16, #tpu.memory_space<hbm>> -> memref<10000x32xbf16, #tpu.memory_space<hbm>>
    tpu.enqueue_indirect_dma source(%dma_start3A_40 : memref<10000x32xbf16, #tpu.memory_space<hbm>>) target(%arg12 : memref<125x32xbf16, #tpu.memory_space<vmem>>) offsets(%dma_start3A_37 : memref<125xi32, #tpu.memory_space<vmem>>) semaphore(%arg21 : memref<!tpu.dma_semaphore, #tpu.memory_space<semaphore_mem>>)
    %dma_start3A_41 = arith.constant 4 : i32
    %dma_start3A_42 = arith.constant 0 : i32
    %dma_start3A_43 = tpu.memref_slice %arg7[%dma_start3A_41, %dma_start3A_42] : memref<80x125xi32, #tpu.memory_space<vmem>> -> memref<1x125xi32, #tpu.memory_space<vmem>>
    %dma_start3A_44 = tpu.memref_squeeze %dma_start3A_43 : memref<1x125xi32, #tpu.memory_space<vmem>> -> memref<125xi32, #tpu.memory_space<vmem>>
    %dma_start3A_45 = arith.constant 0 : i32
    %dma_start3A_46 = arith.constant 0 : i32
    %dma_start3A_47 = tpu.memref_slice %arg2[%dma_start3A_45, %dma_start3A_46] : memref<10000x32xbf16, #tpu.memory_space<hbm>> -> memref<10000x32xbf16, #tpu.memory_space<hbm>>
    tpu.enqueue_indirect_dma source(%dma_start3A_47 : memref<10000x32xbf16, #tpu.memory_space<hbm>>) target(%arg13 : memref<125x32xbf16, #tpu.memory_space<vmem>>) offsets(%dma_start3A_44 : memref<125xi32, #tpu.memory_space<vmem>>) semaphore(%arg22 : memref<!tpu.dma_semaphore, #tpu.memory_space<semaphore_mem>>)
    %dma_start3A_48 = arith.constant 5 : i32
    %dma_start3A_49 = arith.constant 0 : i32
    %dma_start3A_50 = tpu.memref_slice %arg7[%dma_start3A_48, %dma_start3A_49] : memref<80x125xi32, #tpu.memory_space<vmem>> -> memref<1x125xi32, #tpu.memory_space<vmem>>
    %dma_start3A_51 = tpu.memref_squeeze %dma_start3A_50 : memref<1x125xi32, #tpu.memory_space<vmem>> -> memref<125xi32, #tpu.memory_space<vmem>>
    %dma_start3A_52 = arith.constant 0 : i32
    %dma_start3A_53 = arith.constant 0 : i32
    %dma_start3A_54 = tpu.memref_slice %arg2[%dma_start3A_52, %dma_start3A_53] : memref<10000x32xbf16, #tpu.memory_space<hbm>> -> memref<10000x32xbf16, #tpu.memory_space<hbm>>
    tpu.enqueue_indirect_dma source(%dma_start3A_54 : memref<10000x32xbf16, #tpu.memory_space<hbm>>) target(%arg14 : memref<125x32xbf16, #tpu.memory_space<vmem>>) offsets(%dma_start3A_51 : memref<125xi32, #tpu.memory_space<vmem>>) semaphore(%arg23 : memref<!tpu.dma_semaphore, #tpu.memory_space<semaphore_mem>>)
    %dma_start3A_55 = arith.constant 6 : i32
    %dma_start3A_56 = arith.constant 0 : i32
    %dma_start3A_57 = tpu.memref_slice %arg7[%dma_start3A_55, %dma_start3A_56] : memref<80x125xi32, #tpu.memory_space<vmem>> -> memref<1x125xi32, #tpu.memory_space<vmem>>
    %dma_start3A_58 = tpu.memref_squeeze %dma_start3A_57 : memref<1x125xi32, #tpu.memory_space<vmem>> -> memref<125xi32, #tpu.memory_space<vmem>>
    %dma_start3A_59 = arith.constant 0 : i32
    %dma_start3A_60 = arith.constant 0 : i32
    %dma_start3A_61 = tpu.memref_slice %arg2[%dma_start3A_59, %dma_start3A_60] : memref<10000x32xbf16, #tpu.memory_space<hbm>> -> memref<10000x32xbf16, #tpu.memory_space<hbm>>
    tpu.enqueue_indirect_dma source(%dma_start3A_61 : memref<10000x32xbf16, #tpu.memory_space<hbm>>) target(%arg15 : memref<125x32xbf16, #tpu.memory_space<vmem>>) offsets(%dma_start3A_58 : memref<125xi32, #tpu.memory_space<vmem>>) semaphore(%arg24 : memref<!tpu.dma_semaphore, #tpu.memory_space<semaphore_mem>>)
    %dma_start3A_62 = arith.constant 7 : i32
    %dma_start3A_63 = arith.constant 0 : i32
    %dma_start3A_64 = tpu.memref_slice %arg7[%dma_start3A_62, %dma_start3A_63] : memref<80x125xi32, #tpu.memory_space<vmem>> -> memref<1x125xi32, #tpu.memory_space<vmem>>
    %dma_start3A_65 = tpu.memref_squeeze %dma_start3A_64 : memref<1x125xi32, #tpu.memory_space<vmem>> -> memref<125xi32, #tpu.memory_space<vmem>>
    %dma_start3A_66 = arith.constant 0 : i32
    %dma_start3A_67 = arith.constant 0 : i32
    %dma_start3A_68 = tpu.memref_slice %arg2[%dma_start3A_66, %dma_start3A_67] : memref<10000x32xbf16, #tpu.memory_space<hbm>> -> memref<10000x32xbf16, #tpu.memory_space<hbm>>
    tpu.enqueue_indirect_dma source(%dma_start3A_68 : memref<10000x32xbf16, #tpu.memory_space<hbm>>) target(%arg16 : memref<125x32xbf16, #tpu.memory_space<vmem>>) offsets(%dma_start3A_65 : memref<125xi32, #tpu.memory_space<vmem>>) semaphore(%arg25 : memref<!tpu.dma_semaphore, #tpu.memory_space<semaphore_mem>>)
    %scan3A = arith.constant 0 : i32
    %scan3A_69 = arith.constant 0 : i32
    %scan3A_70 = arith.constant 10 : i32
    %scan3A_71 = arith.addi %scan3A_69, %scan3A_70 : i32
    %scan3A_72 = arith.constant 1 : i32
    scf.for %scan3A_129 = %scan3A_69 to %scan3A_71 step %scan3A_72  : i32 {
      %mul3A_130 = arith.constant 8 : i32
      %mul3A_131 = arith.muli %scan3A_129, %mul3A_130 : i32
      %dma_wait3A_132 = arith.constant 0 : i32
      %dma_wait3A_133 = arith.constant 0 : i32
      %dma_wait3A_134 = tpu.memref_slice %arg2[%dma_wait3A_132, %dma_wait3A_133] : memref<10000x32xbf16, #tpu.memory_space<hbm>> -> memref<125x32xbf16, #tpu.memory_space<hbm>>
      %dma_wait3A_135 = arith.constant 0 : i32
      %dma_wait3A_136 = arith.constant 0 : i32
      %dma_wait3A_137 = tpu.memref_slice %arg2[%dma_wait3A_135, %dma_wait3A_136] : memref<10000x32xbf16, #tpu.memory_space<hbm>> -> memref<125x32xbf16, #tpu.memory_space<hbm>>
      tpu.wait_dma2 semaphore(%arg18 : memref<!tpu.dma_semaphore, #tpu.memory_space<semaphore_mem>>) src(%dma_wait3A_137 : memref<125x32xbf16, #tpu.memory_space<hbm>>) dst(%arg9 : memref<125x32xbf16, #tpu.memory_space<vmem>>)
      %add3A_138 = arith.constant 0 : i32
      %add3A_139 = arith.addi %mul3A_131, %add3A_138 : i32
      %dma_start3A_140 = arith.constant 0 : i32
      %dma_start3A_141 = tpu.memref_slice %arg8[%add3A_139, %dma_start3A_140] : memref<80x125xi32, #tpu.memory_space<vmem>> -> memref<1x125xi32, #tpu.memory_space<vmem>>
      %dma_start3A_142 = tpu.memref_squeeze %dma_start3A_141 : memref<1x125xi32, #tpu.memory_space<vmem>> -> memref<125xi32, #tpu.memory_space<vmem>>
      %dma_start3A_143 = arith.constant 0 : i32
      %dma_start3A_144 = arith.constant 0 : i32
      %dma_start3A_145 = tpu.memref_slice %arg17[%dma_start3A_143, %dma_start3A_144] : memref<10112x32xbf16, #tpu.memory_space<vmem_shared>> -> memref<10112x32xbf16, #tpu.memory_space<vmem_shared>>
      tpu.enqueue_indirect_dma source(%arg9 : memref<125x32xbf16, #tpu.memory_space<vmem>>) target(%dma_start3A_145 : memref<10112x32xbf16, #tpu.memory_space<vmem_shared>>) offsets(%dma_start3A_142 : memref<125xi32, #tpu.memory_space<vmem>>) semaphore(%arg26 : memref<!tpu.dma_semaphore, #tpu.memory_space<semaphore_mem>>) {add = true}
      %dma_wait3A_146 = arith.constant 0 : i32
      %dma_wait3A_147 = arith.constant 0 : i32
      %dma_wait3A_148 = tpu.memref_slice %arg2[%dma_wait3A_146, %dma_wait3A_147] : memref<10000x32xbf16, #tpu.memory_space<hbm>> -> memref<125x32xbf16, #tpu.memory_space<hbm>>
      %dma_wait3A_149 = arith.constant 0 : i32
      %dma_wait3A_150 = arith.constant 0 : i32
      %dma_wait3A_151 = tpu.memref_slice %arg2[%dma_wait3A_149, %dma_wait3A_150] : memref<10000x32xbf16, #tpu.memory_space<hbm>> -> memref<125x32xbf16, #tpu.memory_space<hbm>>
      tpu.wait_dma2 semaphore(%arg19 : memref<!tpu.dma_semaphore, #tpu.memory_space<semaphore_mem>>) src(%dma_wait3A_151 : memref<125x32xbf16, #tpu.memory_space<hbm>>) dst(%arg10 : memref<125x32xbf16, #tpu.memory_space<vmem>>)
      %add3A_152 = arith.constant 1 : i32
      %add3A_153 = arith.addi %mul3A_131, %add3A_152 : i32
      %dma_start3A_154 = arith.constant 0 : i32
      %dma_start3A_155 = tpu.memref_slice %arg8[%add3A_153, %dma_start3A_154] : memref<80x125xi32, #tpu.memory_space<vmem>> -> memref<1x125xi32, #tpu.memory_space<vmem>>
      %dma_start3A_156 = tpu.memref_squeeze %dma_start3A_155 : memref<1x125xi32, #tpu.memory_space<vmem>> -> memref<125xi32, #tpu.memory_space<vmem>>
      %dma_start3A_157 = arith.constant 0 : i32
      %dma_start3A_158 = arith.constant 0 : i32
      %dma_start3A_159 = tpu.memref_slice %arg17[%dma_start3A_157, %dma_start3A_158] : memref<10112x32xbf16, #tpu.memory_space<vmem_shared>> -> memref<10112x32xbf16, #tpu.memory_space<vmem_shared>>
      tpu.enqueue_indirect_dma source(%arg10 : memref<125x32xbf16, #tpu.memory_space<vmem>>) target(%dma_start3A_159 : memref<10112x32xbf16, #tpu.memory_space<vmem_shared>>) offsets(%dma_start3A_156 : memref<125xi32, #tpu.memory_space<vmem>>) semaphore(%arg27 : memref<!tpu.dma_semaphore, #tpu.memory_space<semaphore_mem>>) {add = true}
      %dma_wait3A_160 = arith.constant 0 : i32
      %dma_wait3A_161 = arith.constant 0 : i32
      %dma_wait3A_162 = tpu.memref_slice %arg2[%dma_wait3A_160, %dma_wait3A_161] : memref<10000x32xbf16, #tpu.memory_space<hbm>> -> memref<125x32xbf16, #tpu.memory_space<hbm>>
      %dma_wait3A_163 = arith.constant 0 : i32
      %dma_wait3A_164 = arith.constant 0 : i32
      %dma_wait3A_165 = tpu.memref_slice %arg2[%dma_wait3A_163, %dma_wait3A_164] : memref<10000x32xbf16, #tpu.memory_space<hbm>> -> memref<125x32xbf16, #tpu.memory_space<hbm>>
      tpu.wait_dma2 semaphore(%arg20 : memref<!tpu.dma_semaphore, #tpu.memory_space<semaphore_mem>>) src(%dma_wait3A_165 : memref<125x32xbf16, #tpu.memory_space<hbm>>) dst(%arg11 : memref<125x32xbf16, #tpu.memory_space<vmem>>)
      %add3A_166 = arith.constant 2 : i32
      %add3A_167 = arith.addi %mul3A_131, %add3A_166 : i32
      %dma_start3A_168 = arith.constant 0 : i32
      %dma_start3A_169 = tpu.memref_slice %arg8[%add3A_167, %dma_start3A_168] : memref<80x125xi32, #tpu.memory_space<vmem>> -> memref<1x125xi32, #tpu.memory_space<vmem>>
      %dma_start3A_170 = tpu.memref_squeeze %dma_start3A_169 : memref<1x125xi32, #tpu.memory_space<vmem>> -> memref<125xi32, #tpu.memory_space<vmem>>
      %dma_start3A_171 = arith.constant 0 : i32
      %dma_start3A_172 = arith.constant 0 : i32
      %dma_start3A_173 = tpu.memref_slice %arg17[%dma_start3A_171, %dma_start3A_172] : memref<10112x32xbf16, #tpu.memory_space<vmem_shared>> -> memref<10112x32xbf16, #tpu.memory_space<vmem_shared>>
      tpu.enqueue_indirect_dma source(%arg11 : memref<125x32xbf16, #tpu.memory_space<vmem>>) target(%dma_start3A_173 : memref<10112x32xbf16, #tpu.memory_space<vmem_shared>>) offsets(%dma_start3A_170 : memref<125xi32, #tpu.memory_space<vmem>>) semaphore(%arg28 : memref<!tpu.dma_semaphore, #tpu.memory_space<semaphore_mem>>) {add = true}
      %dma_wait3A_174 = arith.constant 0 : i32
      %dma_wait3A_175 = arith.constant 0 : i32
      %dma_wait3A_176 = tpu.memref_slice %arg2[%dma_wait3A_174, %dma_wait3A_175] : memref<10000x32xbf16, #tpu.memory_space<hbm>> -> memref<125x32xbf16, #tpu.memory_space<hbm>>
      %dma_wait3A_177 = arith.constant 0 : i32
      %dma_wait3A_178 = arith.constant 0 : i32
      %dma_wait3A_179 = tpu.memref_slice %arg2[%dma_wait3A_177, %dma_wait3A_178] : memref<10000x32xbf16, #tpu.memory_space<hbm>> -> memref<125x32xbf16, #tpu.memory_space<hbm>>
      tpu.wait_dma2 semaphore(%arg21 : memref<!tpu.dma_semaphore, #tpu.memory_space<semaphore_mem>>) src(%dma_wait3A_179 : memref<125x32xbf16, #tpu.memory_space<hbm>>) dst(%arg12 : memref<125x32xbf16, #tpu.memory_space<vmem>>)
      %add3A_180 = arith.constant 3 : i32
      %add3A_181 = arith.addi %mul3A_131, %add3A_180 : i32
      %dma_start3A_182 = arith.constant 0 : i32
      %dma_start3A_183 = tpu.memref_slice %arg8[%add3A_181, %dma_start3A_182] : memref<80x125xi32, #tpu.memory_space<vmem>> -> memref<1x125xi32, #tpu.memory_space<vmem>>
      %dma_start3A_184 = tpu.memref_squeeze %dma_start3A_183 : memref<1x125xi32, #tpu.memory_space<vmem>> -> memref<125xi32, #tpu.memory_space<vmem>>
      %dma_start3A_185 = arith.constant 0 : i32
      %dma_start3A_186 = arith.constant 0 : i32
      %dma_start3A_187 = tpu.memref_slice %arg17[%dma_start3A_185, %dma_start3A_186] : memref<10112x32xbf16, #tpu.memory_space<vmem_shared>> -> memref<10112x32xbf16, #tpu.memory_space<vmem_shared>>
      tpu.enqueue_indirect_dma source(%arg12 : memref<125x32xbf16, #tpu.memory_space<vmem>>) target(%dma_start3A_187 : memref<10112x32xbf16, #tpu.memory_space<vmem_shared>>) offsets(%dma_start3A_184 : memref<125xi32, #tpu.memory_space<vmem>>) semaphore(%arg29 : memref<!tpu.dma_semaphore, #tpu.memory_space<semaphore_mem>>) {add = true}
      %dma_wait3A_188 = arith.constant 0 : i32
      %dma_wait3A_189 = arith.constant 0 : i32
      %dma_wait3A_190 = tpu.memref_slice %arg2[%dma_wait3A_188, %dma_wait3A_189] : memref<10000x32xbf16, #tpu.memory_space<hbm>> -> memref<125x32xbf16, #tpu.memory_space<hbm>>
      %dma_wait3A_191 = arith.constant 0 : i32
      %dma_wait3A_192 = arith.constant 0 : i32
      %dma_wait3A_193 = tpu.memref_slice %arg2[%dma_wait3A_191, %dma_wait3A_192] : memref<10000x32xbf16, #tpu.memory_space<hbm>> -> memref<125x32xbf16, #tpu.memory_space<hbm>>
      tpu.wait_dma2 semaphore(%arg22 : memref<!tpu.dma_semaphore, #tpu.memory_space<semaphore_mem>>) src(%dma_wait3A_193 : memref<125x32xbf16, #tpu.memory_space<hbm>>) dst(%arg13 : memref<125x32xbf16, #tpu.memory_space<vmem>>)
      %add3A_194 = arith.constant 4 : i32
      %add3A_195 = arith.addi %mul3A_131, %add3A_194 : i32
      %dma_start3A_196 = arith.constant 0 : i32
      %dma_start3A_197 = tpu.memref_slice %arg8[%add3A_195, %dma_start3A_196] : memref<80x125xi32, #tpu.memory_space<vmem>> -> memref<1x125xi32, #tpu.memory_space<vmem>>
      %dma_start3A_198 = tpu.memref_squeeze %dma_start3A_197 : memref<1x125xi32, #tpu.memory_space<vmem>> -> memref<125xi32, #tpu.memory_space<vmem>>
      %dma_start3A_199 = arith.constant 0 : i32
      %dma_start3A_200 = arith.constant 0 : i32
      %dma_start3A_201 = tpu.memref_slice %arg17[%dma_start3A_199, %dma_start3A_200] : memref<10112x32xbf16, #tpu.memory_space<vmem_shared>> -> memref<10112x32xbf16, #tpu.memory_space<vmem_shared>>
      tpu.enqueue_indirect_dma source(%arg13 : memref<125x32xbf16, #tpu.memory_space<vmem>>) target(%dma_start3A_201 : memref<10112x32xbf16, #tpu.memory_space<vmem_shared>>) offsets(%dma_start3A_198 : memref<125xi32, #tpu.memory_space<vmem>>) semaphore(%arg30 : memref<!tpu.dma_semaphore, #tpu.memory_space<semaphore_mem>>) {add = true}
      %dma_wait3A_202 = arith.constant 0 : i32
      %dma_wait3A_203 = arith.constant 0 : i32
      %dma_wait3A_204 = tpu.memref_slice %arg2[%dma_wait3A_202, %dma_wait3A_203] : memref<10000x32xbf16, #tpu.memory_space<hbm>> -> memref<125x32xbf16, #tpu.memory_space<hbm>>
      %dma_wait3A_205 = arith.constant 0 : i32
      %dma_wait3A_206 = arith.constant 0 : i32
      %dma_wait3A_207 = tpu.memref_slice %arg2[%dma_wait3A_205, %dma_wait3A_206] : memref<10000x32xbf16, #tpu.memory_space<hbm>> -> memref<125x32xbf16, #tpu.memory_space<hbm>>
      tpu.wait_dma2 semaphore(%arg23 : memref<!tpu.dma_semaphore, #tpu.memory_space<semaphore_mem>>) src(%dma_wait3A_207 : memref<125x32xbf16, #tpu.memory_space<hbm>>) dst(%arg14 : memref<125x32xbf16, #tpu.memory_space<vmem>>)
      %add3A_208 = arith.constant 5 : i32
      %add3A_209 = arith.addi %mul3A_131, %add3A_208 : i32
      %dma_start3A_210 = arith.constant 0 : i32
      %dma_start3A_211 = tpu.memref_slice %arg8[%add3A_209, %dma_start3A_210] : memref<80x125xi32, #tpu.memory_space<vmem>> -> memref<1x125xi32, #tpu.memory_space<vmem>>
      %dma_start3A_212 = tpu.memref_squeeze %dma_start3A_211 : memref<1x125xi32, #tpu.memory_space<vmem>> -> memref<125xi32, #tpu.memory_space<vmem>>
      %dma_start3A_213 = arith.constant 0 : i32
      %dma_start3A_214 = arith.constant 0 : i32
      %dma_start3A_215 = tpu.memref_slice %arg17[%dma_start3A_213, %dma_start3A_214] : memref<10112x32xbf16, #tpu.memory_space<vmem_shared>> -> memref<10112x32xbf16, #tpu.memory_space<vmem_shared>>
      tpu.enqueue_indirect_dma source(%arg14 : memref<125x32xbf16, #tpu.memory_space<vmem>>) target(%dma_start3A_215 : memref<10112x32xbf16, #tpu.memory_space<vmem_shared>>) offsets(%dma_start3A_212 : memref<125xi32, #tpu.memory_space<vmem>>) semaphore(%arg31 : memref<!tpu.dma_semaphore, #tpu.memory_space<semaphore_mem>>) {add = true}
      %dma_wait3A_216 = arith.constant 0 : i32
      %dma_wait3A_217 = arith.constant 0 : i32
      %dma_wait3A_218 = tpu.memref_slice %arg2[%dma_wait3A_216, %dma_wait3A_217] : memref<10000x32xbf16, #tpu.memory_space<hbm>> -> memref<125x32xbf16, #tpu.memory_space<hbm>>
      %dma_wait3A_219 = arith.constant 0 : i32
      %dma_wait3A_220 = arith.constant 0 : i32
      %dma_wait3A_221 = tpu.memref_slice %arg2[%dma_wait3A_219, %dma_wait3A_220] : memref<10000x32xbf16, #tpu.memory_space<hbm>> -> memref<125x32xbf16, #tpu.memory_space<hbm>>
      tpu.wait_dma2 semaphore(%arg24 : memref<!tpu.dma_semaphore, #tpu.memory_space<semaphore_mem>>) src(%dma_wait3A_221 : memref<125x32xbf16, #tpu.memory_space<hbm>>) dst(%arg15 : memref<125x32xbf16, #tpu.memory_space<vmem>>)
      %add3A_222 = arith.constant 6 : i32
      %add3A_223 = arith.addi %mul3A_131, %add3A_222 : i32
      %dma_start3A_224 = arith.constant 0 : i32
      %dma_start3A_225 = tpu.memref_slice %arg8[%add3A_223, %dma_start3A_224] : memref<80x125xi32, #tpu.memory_space<vmem>> -> memref<1x125xi32, #tpu.memory_space<vmem>>
      %dma_start3A_226 = tpu.memref_squeeze %dma_start3A_225 : memref<1x125xi32, #tpu.memory_space<vmem>> -> memref<125xi32, #tpu.memory_space<vmem>>
      %dma_start3A_227 = arith.constant 0 : i32
      %dma_start3A_228 = arith.constant 0 : i32
      %dma_start3A_229 = tpu.memref_slice %arg17[%dma_start3A_227, %dma_start3A_228] : memref<10112x32xbf16, #tpu.memory_space<vmem_shared>> -> memref<10112x32xbf16, #tpu.memory_space<vmem_shared>>
      tpu.enqueue_indirect_dma source(%arg15 : memref<125x32xbf16, #tpu.memory_space<vmem>>) target(%dma_start3A_229 : memref<10112x32xbf16, #tpu.memory_space<vmem_shared>>) offsets(%dma_start3A_226 : memref<125xi32, #tpu.memory_space<vmem>>) semaphore(%arg32 : memref<!tpu.dma_semaphore, #tpu.memory_space<semaphore_mem>>) {add = true}
      %dma_wait3A_230 = arith.constant 0 : i32
      %dma_wait3A_231 = arith.constant 0 : i32
      %dma_wait3A_232 = tpu.memref_slice %arg2[%dma_wait3A_230, %dma_wait3A_231] : memref<10000x32xbf16, #tpu.memory_space<hbm>> -> memref<125x32xbf16, #tpu.memory_space<hbm>>
      %dma_wait3A_233 = arith.constant 0 : i32
      %dma_wait3A_234 = arith.constant 0 : i32
      %dma_wait3A_235 = tpu.memref_slice %arg2[%dma_wait3A_233, %dma_wait3A_234] : memref<10000x32xbf16, #tpu.memory_space<hbm>> -> memref<125x32xbf16, #tpu.memory_space<hbm>>
      tpu.wait_dma2 semaphore(%arg25 : memref<!tpu.dma_semaphore, #tpu.memory_space<semaphore_mem>>) src(%dma_wait3A_235 : memref<125x32xbf16, #tpu.memory_space<hbm>>) dst(%arg16 : memref<125x32xbf16, #tpu.memory_space<vmem>>)
      %add3A_236 = arith.constant 7 : i32
      %add3A_237 = arith.addi %mul3A_131, %add3A_236 : i32
      %dma_start3A_238 = arith.constant 0 : i32
      %dma_start3A_239 = tpu.memref_slice %arg8[%add3A_237, %dma_start3A_238] : memref<80x125xi32, #tpu.memory_space<vmem>> -> memref<1x125xi32, #tpu.memory_space<vmem>>
      %dma_start3A_240 = tpu.memref_squeeze %dma_start3A_239 : memref<1x125xi32, #tpu.memory_space<vmem>> -> memref<125xi32, #tpu.memory_space<vmem>>
      %dma_start3A_241 = arith.constant 0 : i32
      %dma_start3A_242 = arith.constant 0 : i32
      %dma_start3A_243 = tpu.memref_slice %arg17[%dma_start3A_241, %dma_start3A_242] : memref<10112x32xbf16, #tpu.memory_space<vmem_shared>> -> memref<10112x32xbf16, #tpu.memory_space<vmem_shared>>
      tpu.enqueue_indirect_dma source(%arg16 : memref<125x32xbf16, #tpu.memory_space<vmem>>) target(%dma_start3A_243 : memref<10112x32xbf16, #tpu.memory_space<vmem_shared>>) offsets(%dma_start3A_240 : memref<125xi32, #tpu.memory_space<vmem>>) semaphore(%arg33 : memref<!tpu.dma_semaphore, #tpu.memory_space<semaphore_mem>>) {add = true}
      %lt3A = arith.constant 9 : i32
      %lt3A_244 = arith.cmpi slt, %scan3A_129, %lt3A : i32
      %convert_element_type3A_245 = arith.extui %lt3A_244 : i1 to i32
      %cond3A_246 = arith.constant 0 : i32
      %cond3A_247 = arith.cmpi ne, %convert_element_type3A_245, %cond3A_246 : i32
      scf.if %cond3A_247 {
        %dma_wait3A_283 = arith.constant 0 : i32
        %dma_wait3A_284 = arith.constant 0 : i32
        %dma_wait3A_285 = tpu.memref_slice %arg17[%dma_wait3A_283, %dma_wait3A_284] : memref<10112x32xbf16, #tpu.memory_space<vmem_shared>> -> memref<125x32xbf16, #tpu.memory_space<vmem_shared>>
        %dma_wait3A_286 = arith.constant 0 : i32
        %dma_wait3A_287 = arith.constant 0 : i32
        %dma_wait3A_288 = tpu.memref_slice %arg17[%dma_wait3A_286, %dma_wait3A_287] : memref<10112x32xbf16, #tpu.memory_space<vmem_shared>> -> memref<125x32xbf16, #tpu.memory_space<vmem_shared>>
        tpu.wait_dma2 semaphore(%arg26 : memref<!tpu.dma_semaphore, #tpu.memory_space<semaphore_mem>>) src(%arg9 : memref<125x32xbf16, #tpu.memory_space<vmem>>) dst(%dma_wait3A_288 : memref<125x32xbf16, #tpu.memory_space<vmem_shared>>)
        %add3A_289 = arith.constant 8 : i32
        %add3A_290 = arith.addi %mul3A_131, %add3A_289 : i32
        %add3A_291 = arith.constant 0 : i32
        %add3A_292 = arith.addi %add3A_290, %add3A_291 : i32
        %dma_start3A_293 = arith.constant 0 : i32
        %dma_start3A_294 = tpu.memref_slice %arg7[%add3A_292, %dma_start3A_293] : memref<80x125xi32, #tpu.memory_space<vmem>> -> memref<1x125xi32, #tpu.memory_space<vmem>>
        %dma_start3A_295 = tpu.memref_squeeze %dma_start3A_294 : memref<1x125xi32, #tpu.memory_space<vmem>> -> memref<125xi32, #tpu.memory_space<vmem>>
        %dma_start3A_296 = arith.constant 0 : i32
        %dma_start3A_297 = arith.constant 0 : i32
        %dma_start3A_298 = tpu.memref_slice %arg2[%dma_start3A_296, %dma_start3A_297] : memref<10000x32xbf16, #tpu.memory_space<hbm>> -> memref<10000x32xbf16, #tpu.memory_space<hbm>>
        tpu.enqueue_indirect_dma source(%dma_start3A_298 : memref<10000x32xbf16, #tpu.memory_space<hbm>>) target(%arg9 : memref<125x32xbf16, #tpu.memory_space<vmem>>) offsets(%dma_start3A_295 : memref<125xi32, #tpu.memory_space<vmem>>) semaphore(%arg18 : memref<!tpu.dma_semaphore, #tpu.memory_space<semaphore_mem>>)
      } else {
      }
      %lt3A_248 = arith.constant 9 : i32
      %lt3A_249 = arith.cmpi slt, %scan3A_129, %lt3A_248 : i32
      %convert_element_type3A_250 = arith.extui %lt3A_249 : i1 to i32
      %cond3A_251 = arith.constant 0 : i32
      %cond3A_252 = arith.cmpi ne, %convert_element_type3A_250, %cond3A_251 : i32
      scf.if %cond3A_252 {
        %dma_wait3A_283 = arith.constant 0 : i32
        %dma_wait3A_284 = arith.constant 0 : i32
        %dma_wait3A_285 = tpu.memref_slice %arg17[%dma_wait3A_283, %dma_wait3A_284] : memref<10112x32xbf16, #tpu.memory_space<vmem_shared>> -> memref<125x32xbf16, #tpu.memory_space<vmem_shared>>
        %dma_wait3A_286 = arith.constant 0 : i32
        %dma_wait3A_287 = arith.constant 0 : i32
        %dma_wait3A_288 = tpu.memref_slice %arg17[%dma_wait3A_286, %dma_wait3A_287] : memref<10112x32xbf16, #tpu.memory_space<vmem_shared>> -> memref<125x32xbf16, #tpu.memory_space<vmem_shared>>
        tpu.wait_dma2 semaphore(%arg27 : memref<!tpu.dma_semaphore, #tpu.memory_space<semaphore_mem>>) src(%arg10 : memref<125x32xbf16, #tpu.memory_space<vmem>>) dst(%dma_wait3A_288 : memref<125x32xbf16, #tpu.memory_space<vmem_shared>>)
        %add3A_289 = arith.constant 8 : i32
        %add3A_290 = arith.addi %mul3A_131, %add3A_289 : i32
        %add3A_291 = arith.constant 1 : i32
        %add3A_292 = arith.addi %add3A_290, %add3A_291 : i32
        %dma_start3A_293 = arith.constant 0 : i32
        %dma_start3A_294 = tpu.memref_slice %arg7[%add3A_292, %dma_start3A_293] : memref<80x125xi32, #tpu.memory_space<vmem>> -> memref<1x125xi32, #tpu.memory_space<vmem>>
        %dma_start3A_295 = tpu.memref_squeeze %dma_start3A_294 : memref<1x125xi32, #tpu.memory_space<vmem>> -> memref<125xi32, #tpu.memory_space<vmem>>
        %dma_start3A_296 = arith.constant 0 : i32
        %dma_start3A_297 = arith.constant 0 : i32
        %dma_start3A_298 = tpu.memref_slice %arg2[%dma_start3A_296, %dma_start3A_297] : memref<10000x32xbf16, #tpu.memory_space<hbm>> -> memref<10000x32xbf16, #tpu.memory_space<hbm>>
        tpu.enqueue_indirect_dma source(%dma_start3A_298 : memref<10000x32xbf16, #tpu.memory_space<hbm>>) target(%arg10 : memref<125x32xbf16, #tpu.memory_space<vmem>>) offsets(%dma_start3A_295 : memref<125xi32, #tpu.memory_space<vmem>>) semaphore(%arg19 : memref<!tpu.dma_semaphore, #tpu.memory_space<semaphore_mem>>)
      } else {
      }
      %lt3A_253 = arith.constant 9 : i32
      %lt3A_254 = arith.cmpi slt, %scan3A_129, %lt3A_253 : i32
      %convert_element_type3A_255 = arith.extui %lt3A_254 : i1 to i32
      %cond3A_256 = arith.constant 0 : i32
      %cond3A_257 = arith.cmpi ne, %convert_element_type3A_255, %cond3A_256 : i32
      scf.if %cond3A_257 {
        %dma_wait3A_283 = arith.constant 0 : i32
        %dma_wait3A_284 = arith.constant 0 : i32
        %dma_wait3A_285 = tpu.memref_slice %arg17[%dma_wait3A_283, %dma_wait3A_284] : memref<10112x32xbf16, #tpu.memory_space<vmem_shared>> -> memref<125x32xbf16, #tpu.memory_space<vmem_shared>>
        %dma_wait3A_286 = arith.constant 0 : i32
        %dma_wait3A_287 = arith.constant 0 : i32
        %dma_wait3A_288 = tpu.memref_slice %arg17[%dma_wait3A_286, %dma_wait3A_287] : memref<10112x32xbf16, #tpu.memory_space<vmem_shared>> -> memref<125x32xbf16, #tpu.memory_space<vmem_shared>>
        tpu.wait_dma2 semaphore(%arg28 : memref<!tpu.dma_semaphore, #tpu.memory_space<semaphore_mem>>) src(%arg11 : memref<125x32xbf16, #tpu.memory_space<vmem>>) dst(%dma_wait3A_288 : memref<125x32xbf16, #tpu.memory_space<vmem_shared>>)
        %add3A_289 = arith.constant 8 : i32
        %add3A_290 = arith.addi %mul3A_131, %add3A_289 : i32
        %add3A_291 = arith.constant 2 : i32
        %add3A_292 = arith.addi %add3A_290, %add3A_291 : i32
        %dma_start3A_293 = arith.constant 0 : i32
        %dma_start3A_294 = tpu.memref_slice %arg7[%add3A_292, %dma_start3A_293] : memref<80x125xi32, #tpu.memory_space<vmem>> -> memref<1x125xi32, #tpu.memory_space<vmem>>
        %dma_start3A_295 = tpu.memref_squeeze %dma_start3A_294 : memref<1x125xi32, #tpu.memory_space<vmem>> -> memref<125xi32, #tpu.memory_space<vmem>>
        %dma_start3A_296 = arith.constant 0 : i32
        %dma_start3A_297 = arith.constant 0 : i32
        %dma_start3A_298 = tpu.memref_slice %arg2[%dma_start3A_296, %dma_start3A_297] : memref<10000x32xbf16, #tpu.memory_space<hbm>> -> memref<10000x32xbf16, #tpu.memory_space<hbm>>
        tpu.enqueue_indirect_dma source(%dma_start3A_298 : memref<10000x32xbf16, #tpu.memory_space<hbm>>) target(%arg11 : memref<125x32xbf16, #tpu.memory_space<vmem>>) offsets(%dma_start3A_295 : memref<125xi32, #tpu.memory_space<vmem>>) semaphore(%arg20 : memref<!tpu.dma_semaphore, #tpu.memory_space<semaphore_mem>>)
      } else {
      }
      %lt3A_258 = arith.constant 9 : i32
      %lt3A_259 = arith.cmpi slt, %scan3A_129, %lt3A_258 : i32
      %convert_element_type3A_260 = arith.extui %lt3A_259 : i1 to i32
      %cond3A_261 = arith.constant 0 : i32
      %cond3A_262 = arith.cmpi ne, %convert_element_type3A_260, %cond3A_261 : i32
      scf.if %cond3A_262 {
        %dma_wait3A_283 = arith.constant 0 : i32
        %dma_wait3A_284 = arith.constant 0 : i32
        %dma_wait3A_285 = tpu.memref_slice %arg17[%dma_wait3A_283, %dma_wait3A_284] : memref<10112x32xbf16, #tpu.memory_space<vmem_shared>> -> memref<125x32xbf16, #tpu.memory_space<vmem_shared>>
        %dma_wait3A_286 = arith.constant 0 : i32
        %dma_wait3A_287 = arith.constant 0 : i32
        %dma_wait3A_288 = tpu.memref_slice %arg17[%dma_wait3A_286, %dma_wait3A_287] : memref<10112x32xbf16, #tpu.memory_space<vmem_shared>> -> memref<125x32xbf16, #tpu.memory_space<vmem_shared>>
        tpu.wait_dma2 semaphore(%arg29 : memref<!tpu.dma_semaphore, #tpu.memory_space<semaphore_mem>>) src(%arg12 : memref<125x32xbf16, #tpu.memory_space<vmem>>) dst(%dma_wait3A_288 : memref<125x32xbf16, #tpu.memory_space<vmem_shared>>)
        %add3A_289 = arith.constant 8 : i32
        %add3A_290 = arith.addi %mul3A_131, %add3A_289 : i32
        %add3A_291 = arith.constant 3 : i32
        %add3A_292 = arith.addi %add3A_290, %add3A_291 : i32
        %dma_start3A_293 = arith.constant 0 : i32
        %dma_start3A_294 = tpu.memref_slice %arg7[%add3A_292, %dma_start3A_293] : memref<80x125xi32, #tpu.memory_space<vmem>> -> memref<1x125xi32, #tpu.memory_space<vmem>>
        %dma_start3A_295 = tpu.memref_squeeze %dma_start3A_294 : memref<1x125xi32, #tpu.memory_space<vmem>> -> memref<125xi32, #tpu.memory_space<vmem>>
        %dma_start3A_296 = arith.constant 0 : i32
        %dma_start3A_297 = arith.constant 0 : i32
        %dma_start3A_298 = tpu.memref_slice %arg2[%dma_start3A_296, %dma_start3A_297] : memref<10000x32xbf16, #tpu.memory_space<hbm>> -> memref<10000x32xbf16, #tpu.memory_space<hbm>>
        tpu.enqueue_indirect_dma source(%dma_start3A_298 : memref<10000x32xbf16, #tpu.memory_space<hbm>>) target(%arg12 : memref<125x32xbf16, #tpu.memory_space<vmem>>) offsets(%dma_start3A_295 : memref<125xi32, #tpu.memory_space<vmem>>) semaphore(%arg21 : memref<!tpu.dma_semaphore, #tpu.memory_space<semaphore_mem>>)
      } else {
      }
      %lt3A_263 = arith.constant 9 : i32
      %lt3A_264 = arith.cmpi slt, %scan3A_129, %lt3A_263 : i32
      %convert_element_type3A_265 = arith.extui %lt3A_264 : i1 to i32
      %cond3A_266 = arith.constant 0 : i32
      %cond3A_267 = arith.cmpi ne, %convert_element_type3A_265, %cond3A_266 : i32
      scf.if %cond3A_267 {
        %dma_wait3A_283 = arith.constant 0 : i32
        %dma_wait3A_284 = arith.constant 0 : i32
        %dma_wait3A_285 = tpu.memref_slice %arg17[%dma_wait3A_283, %dma_wait3A_284] : memref<10112x32xbf16, #tpu.memory_space<vmem_shared>> -> memref<125x32xbf16, #tpu.memory_space<vmem_shared>>
        %dma_wait3A_286 = arith.constant 0 : i32
        %dma_wait3A_287 = arith.constant 0 : i32
        %dma_wait3A_288 = tpu.memref_slice %arg17[%dma_wait3A_286, %dma_wait3A_287] : memref<10112x32xbf16, #tpu.memory_space<vmem_shared>> -> memref<125x32xbf16, #tpu.memory_space<vmem_shared>>
        tpu.wait_dma2 semaphore(%arg30 : memref<!tpu.dma_semaphore, #tpu.memory_space<semaphore_mem>>) src(%arg13 : memref<125x32xbf16, #tpu.memory_space<vmem>>) dst(%dma_wait3A_288 : memref<125x32xbf16, #tpu.memory_space<vmem_shared>>)
        %add3A_289 = arith.constant 8 : i32
        %add3A_290 = arith.addi %mul3A_131, %add3A_289 : i32
        %add3A_291 = arith.constant 4 : i32
        %add3A_292 = arith.addi %add3A_290, %add3A_291 : i32
        %dma_start3A_293 = arith.constant 0 : i32
        %dma_start3A_294 = tpu.memref_slice %arg7[%add3A_292, %dma_start3A_293] : memref<80x125xi32, #tpu.memory_space<vmem>> -> memref<1x125xi32, #tpu.memory_space<vmem>>
        %dma_start3A_295 = tpu.memref_squeeze %dma_start3A_294 : memref<1x125xi32, #tpu.memory_space<vmem>> -> memref<125xi32, #tpu.memory_space<vmem>>
        %dma_start3A_296 = arith.constant 0 : i32
        %dma_start3A_297 = arith.constant 0 : i32
        %dma_start3A_298 = tpu.memref_slice %arg2[%dma_start3A_296, %dma_start3A_297] : memref<10000x32xbf16, #tpu.memory_space<hbm>> -> memref<10000x32xbf16, #tpu.memory_space<hbm>>
        tpu.enqueue_indirect_dma source(%dma_start3A_298 : memref<10000x32xbf16, #tpu.memory_space<hbm>>) target(%arg13 : memref<125x32xbf16, #tpu.memory_space<vmem>>) offsets(%dma_start3A_295 : memref<125xi32, #tpu.memory_space<vmem>>) semaphore(%arg22 : memref<!tpu.dma_semaphore, #tpu.memory_space<semaphore_mem>>)
      } else {
      }
      %lt3A_268 = arith.constant 9 : i32
      %lt3A_269 = arith.cmpi slt, %scan3A_129, %lt3A_268 : i32
      %convert_element_type3A_270 = arith.extui %lt3A_269 : i1 to i32
      %cond3A_271 = arith.constant 0 : i32
      %cond3A_272 = arith.cmpi ne, %convert_element_type3A_270, %cond3A_271 : i32
      scf.if %cond3A_272 {
        %dma_wait3A_283 = arith.constant 0 : i32
        %dma_wait3A_284 = arith.constant 0 : i32
        %dma_wait3A_285 = tpu.memref_slice %arg17[%dma_wait3A_283, %dma_wait3A_284] : memref<10112x32xbf16, #tpu.memory_space<vmem_shared>> -> memref<125x32xbf16, #tpu.memory_space<vmem_shared>>
        %dma_wait3A_286 = arith.constant 0 : i32
        %dma_wait3A_287 = arith.constant 0 : i32
        %dma_wait3A_288 = tpu.memref_slice %arg17[%dma_wait3A_286, %dma_wait3A_287] : memref<10112x32xbf16, #tpu.memory_space<vmem_shared>> -> memref<125x32xbf16, #tpu.memory_space<vmem_shared>>
        tpu.wait_dma2 semaphore(%arg31 : memref<!tpu.dma_semaphore, #tpu.memory_space<semaphore_mem>>) src(%arg14 : memref<125x32xbf16, #tpu.memory_space<vmem>>) dst(%dma_wait3A_288 : memref<125x32xbf16, #tpu.memory_space<vmem_shared>>)
        %add3A_289 = arith.constant 8 : i32
        %add3A_290 = arith.addi %mul3A_131, %add3A_289 : i32
        %add3A_291 = arith.constant 5 : i32
        %add3A_292 = arith.addi %add3A_290, %add3A_291 : i32
        %dma_start3A_293 = arith.constant 0 : i32
        %dma_start3A_294 = tpu.memref_slice %arg7[%add3A_292, %dma_start3A_293] : memref<80x125xi32, #tpu.memory_space<vmem>> -> memref<1x125xi32, #tpu.memory_space<vmem>>
        %dma_start3A_295 = tpu.memref_squeeze %dma_start3A_294 : memref<1x125xi32, #tpu.memory_space<vmem>> -> memref<125xi32, #tpu.memory_space<vmem>>
        %dma_start3A_296 = arith.constant 0 : i32
        %dma_start3A_297 = arith.constant 0 : i32
        %dma_start3A_298 = tpu.memref_slice %arg2[%dma_start3A_296, %dma_start3A_297] : memref<10000x32xbf16, #tpu.memory_space<hbm>> -> memref<10000x32xbf16, #tpu.memory_space<hbm>>
        tpu.enqueue_indirect_dma source(%dma_start3A_298 : memref<10000x32xbf16, #tpu.memory_space<hbm>>) target(%arg14 : memref<125x32xbf16, #tpu.memory_space<vmem>>) offsets(%dma_start3A_295 : memref<125xi32, #tpu.memory_space<vmem>>) semaphore(%arg23 : memref<!tpu.dma_semaphore, #tpu.memory_space<semaphore_mem>>)
      } else {
      }
      %lt3A_273 = arith.constant 9 : i32
      %lt3A_274 = arith.cmpi slt, %scan3A_129, %lt3A_273 : i32
      %convert_element_type3A_275 = arith.extui %lt3A_274 : i1 to i32
      %cond3A_276 = arith.constant 0 : i32
      %cond3A_277 = arith.cmpi ne, %convert_element_type3A_275, %cond3A_276 : i32
      scf.if %cond3A_277 {
        %dma_wait3A_283 = arith.constant 0 : i32
        %dma_wait3A_284 = arith.constant 0 : i32
        %dma_wait3A_285 = tpu.memref_slice %arg17[%dma_wait3A_283, %dma_wait3A_284] : memref<10112x32xbf16, #tpu.memory_space<vmem_shared>> -> memref<125x32xbf16, #tpu.memory_space<vmem_shared>>
        %dma_wait3A_286 = arith.constant 0 : i32
        %dma_wait3A_287 = arith.constant 0 : i32
        %dma_wait3A_288 = tpu.memref_slice %arg17[%dma_wait3A_286, %dma_wait3A_287] : memref<10112x32xbf16, #tpu.memory_space<vmem_shared>> -> memref<125x32xbf16, #tpu.memory_space<vmem_shared>>
        tpu.wait_dma2 semaphore(%arg32 : memref<!tpu.dma_semaphore, #tpu.memory_space<semaphore_mem>>) src(%arg15 : memref<125x32xbf16, #tpu.memory_space<vmem>>) dst(%dma_wait3A_288 : memref<125x32xbf16, #tpu.memory_space<vmem_shared>>)
        %add3A_289 = arith.constant 8 : i32
        %add3A_290 = arith.addi %mul3A_131, %add3A_289 : i32
        %add3A_291 = arith.constant 6 : i32
        %add3A_292 = arith.addi %add3A_290, %add3A_291 : i32
        %dma_start3A_293 = arith.constant 0 : i32
        %dma_start3A_294 = tpu.memref_slice %arg7[%add3A_292, %dma_start3A_293] : memref<80x125xi32, #tpu.memory_space<vmem>> -> memref<1x125xi32, #tpu.memory_space<vmem>>
        %dma_start3A_295 = tpu.memref_squeeze %dma_start3A_294 : memref<1x125xi32, #tpu.memory_space<vmem>> -> memref<125xi32, #tpu.memory_space<vmem>>
        %dma_start3A_296 = arith.constant 0 : i32
        %dma_start3A_297 = arith.constant 0 : i32
        %dma_start3A_298 = tpu.memref_slice %arg2[%dma_start3A_296, %dma_start3A_297] : memref<10000x32xbf16, #tpu.memory_space<hbm>> -> memref<10000x32xbf16, #tpu.memory_space<hbm>>
        tpu.enqueue_indirect_dma source(%dma_start3A_298 : memref<10000x32xbf16, #tpu.memory_space<hbm>>) target(%arg15 : memref<125x32xbf16, #tpu.memory_space<vmem>>) offsets(%dma_start3A_295 : memref<125xi32, #tpu.memory_space<vmem>>) semaphore(%arg24 : memref<!tpu.dma_semaphore, #tpu.memory_space<semaphore_mem>>)
      } else {
      }
      %lt3A_278 = arith.constant 9 : i32
      %lt3A_279 = arith.cmpi slt, %scan3A_129, %lt3A_278 : i32
      %convert_element_type3A_280 = arith.extui %lt3A_279 : i1 to i32
      %cond3A_281 = arith.constant 0 : i32
      %cond3A_282 = arith.cmpi ne, %convert_element_type3A_280, %cond3A_281 : i32
      scf.if %cond3A_282 {
        %dma_wait3A_283 = arith.constant 0 : i32
        %dma_wait3A_284 = arith.constant 0 : i32
        %dma_wait3A_285 = tpu.memref_slice %arg17[%dma_wait3A_283, %dma_wait3A_284] : memref<10112x32xbf16, #tpu.memory_space<vmem_shared>> -> memref<125x32xbf16, #tpu.memory_space<vmem_shared>>
        %dma_wait3A_286 = arith.constant 0 : i32
        %dma_wait3A_287 = arith.constant 0 : i32
        %dma_wait3A_288 = tpu.memref_slice %arg17[%dma_wait3A_286, %dma_wait3A_287] : memref<10112x32xbf16, #tpu.memory_space<vmem_shared>> -> memref<125x32xbf16, #tpu.memory_space<vmem_shared>>
        tpu.wait_dma2 semaphore(%arg33 : memref<!tpu.dma_semaphore, #tpu.memory_space<semaphore_mem>>) src(%arg16 : memref<125x32xbf16, #tpu.memory_space<vmem>>) dst(%dma_wait3A_288 : memref<125x32xbf16, #tpu.memory_space<vmem_shared>>)
        %add3A_289 = arith.constant 8 : i32
        %add3A_290 = arith.addi %mul3A_131, %add3A_289 : i32
        %add3A_291 = arith.constant 7 : i32
        %add3A_292 = arith.addi %add3A_290, %add3A_291 : i32
        %dma_start3A_293 = arith.constant 0 : i32
        %dma_start3A_294 = tpu.memref_slice %arg7[%add3A_292, %dma_start3A_293] : memref<80x125xi32, #tpu.memory_space<vmem>> -> memref<1x125xi32, #tpu.memory_space<vmem>>
        %dma_start3A_295 = tpu.memref_squeeze %dma_start3A_294 : memref<1x125xi32, #tpu.memory_space<vmem>> -> memref<125xi32, #tpu.memory_space<vmem>>
        %dma_start3A_296 = arith.constant 0 : i32
        %dma_start3A_297 = arith.constant 0 : i32
        %dma_start3A_298 = tpu.memref_slice %arg2[%dma_start3A_296, %dma_start3A_297] : memref<10000x32xbf16, #tpu.memory_space<hbm>> -> memref<10000x32xbf16, #tpu.memory_space<hbm>>
        tpu.enqueue_indirect_dma source(%dma_start3A_298 : memref<10000x32xbf16, #tpu.memory_space<hbm>>) target(%arg16 : memref<125x32xbf16, #tpu.memory_space<vmem>>) offsets(%dma_start3A_295 : memref<125xi32, #tpu.memory_space<vmem>>) semaphore(%arg25 : memref<!tpu.dma_semaphore, #tpu.memory_space<semaphore_mem>>)
      } else {
      }
    }
    %scan3A_73 = arith.constant 10 : i32
    %dma_wait3A = arith.constant 0 : i32
    %dma_wait3A_74 = arith.constant 0 : i32
    %dma_wait3A_75 = tpu.memref_slice %arg17[%dma_wait3A, %dma_wait3A_74] : memref<10112x32xbf16, #tpu.memory_space<vmem_shared>> -> memref<125x32xbf16, #tpu.memory_space<vmem_shared>>
    %dma_wait3A_76 = arith.constant 0 : i32
    %dma_wait3A_77 = arith.constant 0 : i32
    %dma_wait3A_78 = tpu.memref_slice %arg17[%dma_wait3A_76, %dma_wait3A_77] : memref<10112x32xbf16, #tpu.memory_space<vmem_shared>> -> memref<125x32xbf16, #tpu.memory_space<vmem_shared>>
    tpu.wait_dma2 semaphore(%arg26 : memref<!tpu.dma_semaphore, #tpu.memory_space<semaphore_mem>>) src(%arg9 : memref<125x32xbf16, #tpu.memory_space<vmem>>) dst(%dma_wait3A_78 : memref<125x32xbf16, #tpu.memory_space<vmem_shared>>)
    %dma_wait3A_79 = arith.constant 0 : i32
    %dma_wait3A_80 = arith.constant 0 : i32
    %dma_wait3A_81 = tpu.memref_slice %arg17[%dma_wait3A_79, %dma_wait3A_80] : memref<10112x32xbf16, #tpu.memory_space<vmem_shared>> -> memref<125x32xbf16, #tpu.memory_space<vmem_shared>>
    %dma_wait3A_82 = arith.constant 0 : i32
    %dma_wait3A_83 = arith.constant 0 : i32
    %dma_wait3A_84 = tpu.memref_slice %arg17[%dma_wait3A_82, %dma_wait3A_83] : memref<10112x32xbf16, #tpu.memory_space<vmem_shared>> -> memref<125x32xbf16, #tpu.memory_space<vmem_shared>>
    tpu.wait_dma2 semaphore(%arg27 : memref<!tpu.dma_semaphore, #tpu.memory_space<semaphore_mem>>) src(%arg10 : memref<125x32xbf16, #tpu.memory_space<vmem>>) dst(%dma_wait3A_84 : memref<125x32xbf16, #tpu.memory_space<vmem_shared>>)
    %dma_wait3A_85 = arith.constant 0 : i32
    %dma_wait3A_86 = arith.constant 0 : i32
    %dma_wait3A_87 = tpu.memref_slice %arg17[%dma_wait3A_85, %dma_wait3A_86] : memref<10112x32xbf16, #tpu.memory_space<vmem_shared>> -> memref<125x32xbf16, #tpu.memory_space<vmem_shared>>
    %dma_wait3A_88 = arith.constant 0 : i32
    %dma_wait3A_89 = arith.constant 0 : i32
    %dma_wait3A_90 = tpu.memref_slice %arg17[%dma_wait3A_88, %dma_wait3A_89] : memref<10112x32xbf16, #tpu.memory_space<vmem_shared>> -> memref<125x32xbf16, #tpu.memory_space<vmem_shared>>
    tpu.wait_dma2 semaphore(%arg28 : memref<!tpu.dma_semaphore, #tpu.memory_space<semaphore_mem>>) src(%arg11 : memref<125x32xbf16, #tpu.memory_space<vmem>>) dst(%dma_wait3A_90 : memref<125x32xbf16, #tpu.memory_space<vmem_shared>>)
    %dma_wait3A_91 = arith.constant 0 : i32
    %dma_wait3A_92 = arith.constant 0 : i32
    %dma_wait3A_93 = tpu.memref_slice %arg17[%dma_wait3A_91, %dma_wait3A_92] : memref<10112x32xbf16, #tpu.memory_space<vmem_shared>> -> memref<125x32xbf16, #tpu.memory_space<vmem_shared>>
    %dma_wait3A_94 = arith.constant 0 : i32
    %dma_wait3A_95 = arith.constant 0 : i32
    %dma_wait3A_96 = tpu.memref_slice %arg17[%dma_wait3A_94, %dma_wait3A_95] : memref<10112x32xbf16, #tpu.memory_space<vmem_shared>> -> memref<125x32xbf16, #tpu.memory_space<vmem_shared>>
    tpu.wait_dma2 semaphore(%arg29 : memref<!tpu.dma_semaphore, #tpu.memory_space<semaphore_mem>>) src(%arg12 : memref<125x32xbf16, #tpu.memory_space<vmem>>) dst(%dma_wait3A_96 : memref<125x32xbf16, #tpu.memory_space<vmem_shared>>)
    %dma_wait3A_97 = arith.constant 0 : i32
    %dma_wait3A_98 = arith.constant 0 : i32
    %dma_wait3A_99 = tpu.memref_slice %arg17[%dma_wait3A_97, %dma_wait3A_98] : memref<10112x32xbf16, #tpu.memory_space<vmem_shared>> -> memref<125x32xbf16, #tpu.memory_space<vmem_shared>>
    %dma_wait3A_100 = arith.constant 0 : i32
    %dma_wait3A_101 = arith.constant 0 : i32
    %dma_wait3A_102 = tpu.memref_slice %arg17[%dma_wait3A_100, %dma_wait3A_101] : memref<10112x32xbf16, #tpu.memory_space<vmem_shared>> -> memref<125x32xbf16, #tpu.memory_space<vmem_shared>>
    tpu.wait_dma2 semaphore(%arg30 : memref<!tpu.dma_semaphore, #tpu.memory_space<semaphore_mem>>) src(%arg13 : memref<125x32xbf16, #tpu.memory_space<vmem>>) dst(%dma_wait3A_102 : memref<125x32xbf16, #tpu.memory_space<vmem_shared>>)
    %dma_wait3A_103 = arith.constant 0 : i32
    %dma_wait3A_104 = arith.constant 0 : i32
    %dma_wait3A_105 = tpu.memref_slice %arg17[%dma_wait3A_103, %dma_wait3A_104] : memref<10112x32xbf16, #tpu.memory_space<vmem_shared>> -> memref<125x32xbf16, #tpu.memory_space<vmem_shared>>
    %dma_wait3A_106 = arith.constant 0 : i32
    %dma_wait3A_107 = arith.constant 0 : i32
    %dma_wait3A_108 = tpu.memref_slice %arg17[%dma_wait3A_106, %dma_wait3A_107] : memref<10112x32xbf16, #tpu.memory_space<vmem_shared>> -> memref<125x32xbf16, #tpu.memory_space<vmem_shared>>
    tpu.wait_dma2 semaphore(%arg31 : memref<!tpu.dma_semaphore, #tpu.memory_space<semaphore_mem>>) src(%arg14 : memref<125x32xbf16, #tpu.memory_space<vmem>>) dst(%dma_wait3A_108 : memref<125x32xbf16, #tpu.memory_space<vmem_shared>>)
    %dma_wait3A_109 = arith.constant 0 : i32
    %dma_wait3A_110 = arith.constant 0 : i32
    %dma_wait3A_111 = tpu.memref_slice %arg17[%dma_wait3A_109, %dma_wait3A_110] : memref<10112x32xbf16, #tpu.memory_space<vmem_shared>> -> memref<125x32xbf16, #tpu.memory_space<vmem_shared>>
    %dma_wait3A_112 = arith.constant 0 : i32
    %dma_wait3A_113 = arith.constant 0 : i32
    %dma_wait3A_114 = tpu.memref_slice %arg17[%dma_wait3A_112, %dma_wait3A_113] : memref<10112x32xbf16, #tpu.memory_space<vmem_shared>> -> memref<125x32xbf16, #tpu.memory_space<vmem_shared>>
    tpu.wait_dma2 semaphore(%arg32 : memref<!tpu.dma_semaphore, #tpu.memory_space<semaphore_mem>>) src(%arg15 : memref<125x32xbf16, #tpu.memory_space<vmem>>) dst(%dma_wait3A_114 : memref<125x32xbf16, #tpu.memory_space<vmem_shared>>)
    %dma_wait3A_115 = arith.constant 0 : i32
    %dma_wait3A_116 = arith.constant 0 : i32
    %dma_wait3A_117 = tpu.memref_slice %arg17[%dma_wait3A_115, %dma_wait3A_116] : memref<10112x32xbf16, #tpu.memory_space<vmem_shared>> -> memref<125x32xbf16, #tpu.memory_space<vmem_shared>>
    %dma_wait3A_118 = arith.constant 0 : i32
    %dma_wait3A_119 = arith.constant 0 : i32
    %dma_wait3A_120 = tpu.memref_slice %arg17[%dma_wait3A_118, %dma_wait3A_119] : memref<10112x32xbf16, #tpu.memory_space<vmem_shared>> -> memref<125x32xbf16, #tpu.memory_space<vmem_shared>>
    tpu.wait_dma2 semaphore(%arg33 : memref<!tpu.dma_semaphore, #tpu.memory_space<semaphore_mem>>) src(%arg16 : memref<125x32xbf16, #tpu.memory_space<vmem>>) dst(%dma_wait3A_120 : memref<125x32xbf16, #tpu.memory_space<vmem_shared>>)
    %barrier3A_121 = arith.constant 0 : index
    tpu.barrier barrier_id(%barrier3A_121)
    %eq3A = arith.constant 0 : i32
    %eq3A_122 = arith.cmpi eq, %arg0, %eq3A : i32
    %convert_element_type3A = arith.extui %eq3A_122 : i1 to i32
    %cond3A = arith.constant 0 : i32
    %cond3A_123 = arith.cmpi ne, %convert_element_type3A, %cond3A : i32
    scf.if %cond3A_123 {
      "tpu.region"() ({
        %run_scoped3A_129 = tpu.sem_alloc : memref<!tpu.dma_semaphore, #tpu.memory_space<semaphore_mem>>
        %dma_start3A_130 = arith.constant 0 : i32
        %dma_start3A_131 = tpu.memref_slice %arg5[%mul3A_2, %dma_start3A_130] : memref<10112x32xbf16, #tpu.memory_space<hbm>> -> memref<632x32xbf16, #tpu.memory_space<hbm>>
        %dma_start3A_132 = arith.constant 0 : i32
        %dma_start3A_133 = tpu.memref_slice %arg17[%mul3A_2, %dma_start3A_132] : memref<10112x32xbf16, #tpu.memory_space<vmem_shared>> -> memref<632x32xbf16, #tpu.memory_space<vmem_shared>>
        tpu.enqueue_dma source(%dma_start3A_133 : memref<632x32xbf16, #tpu.memory_space<vmem_shared>>) target(%dma_start3A_131 : memref<632x32xbf16, #tpu.memory_space<hbm>>) target_semaphore(%run_scoped3A_129 : memref<!tpu.dma_semaphore, #tpu.memory_space<semaphore_mem>>)
        %dma_wait3A_134 = arith.constant 0 : i32
        %dma_wait3A_135 = tpu.memref_slice %arg5[%mul3A_2, %dma_wait3A_134] : memref<10112x32xbf16, #tpu.memory_space<hbm>> -> memref<632x32xbf16, #tpu.memory_space<hbm>>
        %dma_wait3A_136 = arith.constant 0 : i32
        %dma_wait3A_137 = tpu.memref_slice %arg17[%mul3A_2, %dma_wait3A_136] : memref<10112x32xbf16, #tpu.memory_space<vmem_shared>> -> memref<632x32xbf16, #tpu.memory_space<vmem_shared>>
        tpu.wait_dma2 semaphore(%run_scoped3A_129 : memref<!tpu.dma_semaphore, #tpu.memory_space<semaphore_mem>>) src(%dma_wait3A_137 : memref<632x32xbf16, #tpu.memory_space<vmem_shared>>) dst(%dma_wait3A_135 : memref<632x32xbf16, #tpu.memory_space<hbm>>)
        tpu.yield
      }) : () -> ()
    } else {
    }
    %eq3A_124 = arith.constant 1 : i32
    %eq3A_125 = arith.cmpi eq, %arg0, %eq3A_124 : i32
    %convert_element_type3A_126 = arith.extui %eq3A_125 : i1 to i32
    %cond3A_127 = arith.constant 0 : i32
    %cond3A_128 = arith.cmpi ne, %convert_element_type3A_126, %cond3A_127 : i32
    scf.if %cond3A_128 {
      "tpu.region"() ({
        %run_scoped3A_129 = tpu.sem_alloc : memref<!tpu.dma_semaphore, #tpu.memory_space<semaphore_mem>>
        %dma_start3A_130 = arith.constant 0 : i32
        %dma_start3A_131 = tpu.memref_slice %arg6[%mul3A_2, %dma_start3A_130] : memref<10112x32xbf16, #tpu.memory_space<hbm>> -> memref<632x32xbf16, #tpu.memory_space<hbm>>
        %dma_start3A_132 = arith.constant 0 : i32
        %dma_start3A_133 = tpu.memref_slice %arg17[%mul3A_2, %dma_start3A_132] : memref<10112x32xbf16, #tpu.memory_space<vmem_shared>> -> memref<632x32xbf16, #tpu.memory_space<vmem_shared>>
        tpu.enqueue_dma source(%dma_start3A_133 : memref<632x32xbf16, #tpu.memory_space<vmem_shared>>) target(%dma_start3A_131 : memref<632x32xbf16, #tpu.memory_space<hbm>>) target_semaphore(%run_scoped3A_129 : memref<!tpu.dma_semaphore, #tpu.memory_space<semaphore_mem>>)
        %dma_wait3A_134 = arith.constant 0 : i32
        %dma_wait3A_135 = tpu.memref_slice %arg6[%mul3A_2, %dma_wait3A_134] : memref<10112x32xbf16, #tpu.memory_space<hbm>> -> memref<632x32xbf16, #tpu.memory_space<hbm>>
        %dma_wait3A_136 = arith.constant 0 : i32
        %dma_wait3A_137 = tpu.memref_slice %arg17[%mul3A_2, %dma_wait3A_136] : memref<10112x32xbf16, #tpu.memory_space<vmem_shared>> -> memref<632x32xbf16, #tpu.memory_space<vmem_shared>>
        tpu.wait_dma2 semaphore(%run_scoped3A_129 : memref<!tpu.dma_semaphore, #tpu.memory_space<semaphore_mem>>) src(%dma_wait3A_137 : memref<632x32xbf16, #tpu.memory_space<vmem_shared>>) dst(%dma_wait3A_135 : memref<632x32xbf16, #tpu.memory_space<hbm>>)
        tpu.yield
      }) : () -> ()
    } else {
    }
    return
  }
}

#map = affine_map<(d0, d1) -> (0, 0)>
#map1 = affine_map<(d0, d1) -> (0, 0, 0, 0)>
module attributes {stable_mosaic.version = 14 : i64} {
  func.func @k(%arg0: i32, %arg1: i32, %arg2: memref<10000x160xbf16, #tpu.memory_space<hbm>>, %arg3: memref<2x32x80x125xi32, #tpu.memory_space<hbm>>, %arg4: memref<128x160xbf16, #tpu.memory_space<hbm>>, %arg5: memref<10112x160xbf16, #tpu.memory_space<hbm>>, %arg6: memref<10112x160xbf16, #tpu.memory_space<hbm>>, %arg7: memref<80x125xi32, #tpu.memory_space<vmem>>, %arg8: memref<80x125xi32, #tpu.memory_space<vmem>>, %arg9: memref<125x160xbf16, #tpu.memory_space<vmem>>, %arg10: memref<125x160xbf16, #tpu.memory_space<vmem>>, %arg11: memref<125x160xbf16, #tpu.memory_space<vmem>>, %arg12: memref<125x160xbf16, #tpu.memory_space<vmem>>, %arg13: memref<125x160xbf16, #tpu.memory_space<vmem>>, %arg14: memref<10112x160xbf16, #tpu.memory_space<vmem_shared>>, %arg15: memref<!tpu.dma_semaphore, #tpu.memory_space<semaphore_mem>>, %arg16: memref<!tpu.dma_semaphore, #tpu.memory_space<semaphore_mem>>, %arg17: memref<!tpu.dma_semaphore, #tpu.memory_space<semaphore_mem>>, %arg18: memref<!tpu.dma_semaphore, #tpu.memory_space<semaphore_mem>>, %arg19: memref<!tpu.dma_semaphore, #tpu.memory_space<semaphore_mem>>, %arg20: memref<!tpu.dma_semaphore, #tpu.memory_space<semaphore_mem>>, %arg21: memref<!tpu.dma_semaphore, #tpu.memory_space<semaphore_mem>>, %arg22: memref<!tpu.dma_semaphore, #tpu.memory_space<semaphore_mem>>, %arg23: memref<!tpu.dma_semaphore, #tpu.memory_space<semaphore_mem>>, %arg24: memref<!tpu.dma_semaphore, #tpu.memory_space<semaphore_mem>>) attributes {dimension_semantics = [#tpu.dimension_semantics<core_parallel>, #tpu.dimension_semantics<subcore_parallel>], iteration_bounds = array<i64: 2, 16>, scalar_prefetch = 0 : i64, scratch_operands = 18 : i64, tpu.core_type = #tpu.core_type<sc_vector_subcore>, window_params = [{transform_indices = #map}, {transform_indices = #map1}, {transform_indices = #map}, {transform_indices = #map}, {transform_indices = #map}]} {
    %mul3A = arith.constant 2 : i32
    %mul3A_0 = arith.muli %arg1, %mul3A : i32
    %add3A = arith.addi %mul3A_0, %arg0 : i32
    %mul3A_1 = arith.constant 632 : i32
    %mul3A_2 = arith.muli %arg1, %mul3A_1 : i32
    %add3A_3 = arith.constant 0 : i32
    %add3A_4 = arith.addi %mul3A_2, %add3A_3 : i32
    "tpu.region"() ({
      %run_scoped3A_90 = tpu.sem_alloc : memref<!tpu.dma_semaphore, #tpu.memory_space<semaphore_mem>>
      %dma_start3A_91 = arith.constant 0 : i32
      %dma_start3A_92 = tpu.memref_slice %arg14[%add3A_4, %dma_start3A_91] : memref<10112x160xbf16, #tpu.memory_space<vmem_shared>> -> memref<128x160xbf16, #tpu.memory_space<vmem_shared>>
      %dma_start3A_93 = arith.constant 0 : i32
      %dma_start3A_94 = arith.constant 0 : i32
      %dma_start3A_95 = tpu.memref_slice %arg4[%dma_start3A_93, %dma_start3A_94] : memref<128x160xbf16, #tpu.memory_space<hbm>> -> memref<128x160xbf16, #tpu.memory_space<hbm>>
      tpu.enqueue_dma source(%dma_start3A_95 : memref<128x160xbf16, #tpu.memory_space<hbm>>) target(%dma_start3A_92 : memref<128x160xbf16, #tpu.memory_space<vmem_shared>>) target_semaphore(%run_scoped3A_90 : memref<!tpu.dma_semaphore, #tpu.memory_space<semaphore_mem>>)
      %dma_wait3A_96 = arith.constant 0 : i32
      %dma_wait3A_97 = tpu.memref_slice %arg14[%add3A_4, %dma_wait3A_96] : memref<10112x160xbf16, #tpu.memory_space<vmem_shared>> -> memref<128x160xbf16, #tpu.memory_space<vmem_shared>>
      %dma_wait3A_98 = arith.constant 0 : i32
      %dma_wait3A_99 = arith.constant 0 : i32
      %dma_wait3A_100 = tpu.memref_slice %arg4[%dma_wait3A_98, %dma_wait3A_99] : memref<128x160xbf16, #tpu.memory_space<hbm>> -> memref<128x160xbf16, #tpu.memory_space<hbm>>
      tpu.wait_dma2 semaphore(%run_scoped3A_90 : memref<!tpu.dma_semaphore, #tpu.memory_space<semaphore_mem>>) src(%dma_wait3A_100 : memref<128x160xbf16, #tpu.memory_space<hbm>>) dst(%dma_wait3A_97 : memref<128x160xbf16, #tpu.memory_space<vmem_shared>>)
      tpu.yield
    }) : () -> ()
    %add3A_5 = arith.constant 128 : i32
    %add3A_6 = arith.addi %mul3A_2, %add3A_5 : i32
    "tpu.region"() ({
      %run_scoped3A_90 = tpu.sem_alloc : memref<!tpu.dma_semaphore, #tpu.memory_space<semaphore_mem>>
      %dma_start3A_91 = arith.constant 0 : i32
      %dma_start3A_92 = tpu.memref_slice %arg14[%add3A_6, %dma_start3A_91] : memref<10112x160xbf16, #tpu.memory_space<vmem_shared>> -> memref<128x160xbf16, #tpu.memory_space<vmem_shared>>
      %dma_start3A_93 = arith.constant 0 : i32
      %dma_start3A_94 = arith.constant 0 : i32
      %dma_start3A_95 = tpu.memref_slice %arg4[%dma_start3A_93, %dma_start3A_94] : memref<128x160xbf16, #tpu.memory_space<hbm>> -> memref<128x160xbf16, #tpu.memory_space<hbm>>
      tpu.enqueue_dma source(%dma_start3A_95 : memref<128x160xbf16, #tpu.memory_space<hbm>>) target(%dma_start3A_92 : memref<128x160xbf16, #tpu.memory_space<vmem_shared>>) target_semaphore(%run_scoped3A_90 : memref<!tpu.dma_semaphore, #tpu.memory_space<semaphore_mem>>)
      %dma_wait3A_96 = arith.constant 0 : i32
      %dma_wait3A_97 = tpu.memref_slice %arg14[%add3A_6, %dma_wait3A_96] : memref<10112x160xbf16, #tpu.memory_space<vmem_shared>> -> memref<128x160xbf16, #tpu.memory_space<vmem_shared>>
      %dma_wait3A_98 = arith.constant 0 : i32
      %dma_wait3A_99 = arith.constant 0 : i32
      %dma_wait3A_100 = tpu.memref_slice %arg4[%dma_wait3A_98, %dma_wait3A_99] : memref<128x160xbf16, #tpu.memory_space<hbm>> -> memref<128x160xbf16, #tpu.memory_space<hbm>>
      tpu.wait_dma2 semaphore(%run_scoped3A_90 : memref<!tpu.dma_semaphore, #tpu.memory_space<semaphore_mem>>) src(%dma_wait3A_100 : memref<128x160xbf16, #tpu.memory_space<hbm>>) dst(%dma_wait3A_97 : memref<128x160xbf16, #tpu.memory_space<vmem_shared>>)
      tpu.yield
    }) : () -> ()
    %add3A_7 = arith.constant 256 : i32
    %add3A_8 = arith.addi %mul3A_2, %add3A_7 : i32
    "tpu.region"() ({
      %run_scoped3A_90 = tpu.sem_alloc : memref<!tpu.dma_semaphore, #tpu.memory_space<semaphore_mem>>
      %dma_start3A_91 = arith.constant 0 : i32
      %dma_start3A_92 = tpu.memref_slice %arg14[%add3A_8, %dma_start3A_91] : memref<10112x160xbf16, #tpu.memory_space<vmem_shared>> -> memref<128x160xbf16, #tpu.memory_space<vmem_shared>>
      %dma_start3A_93 = arith.constant 0 : i32
      %dma_start3A_94 = arith.constant 0 : i32
      %dma_start3A_95 = tpu.memref_slice %arg4[%dma_start3A_93, %dma_start3A_94] : memref<128x160xbf16, #tpu.memory_space<hbm>> -> memref<128x160xbf16, #tpu.memory_space<hbm>>
      tpu.enqueue_dma source(%dma_start3A_95 : memref<128x160xbf16, #tpu.memory_space<hbm>>) target(%dma_start3A_92 : memref<128x160xbf16, #tpu.memory_space<vmem_shared>>) target_semaphore(%run_scoped3A_90 : memref<!tpu.dma_semaphore, #tpu.memory_space<semaphore_mem>>)
      %dma_wait3A_96 = arith.constant 0 : i32
      %dma_wait3A_97 = tpu.memref_slice %arg14[%add3A_8, %dma_wait3A_96] : memref<10112x160xbf16, #tpu.memory_space<vmem_shared>> -> memref<128x160xbf16, #tpu.memory_space<vmem_shared>>
      %dma_wait3A_98 = arith.constant 0 : i32
      %dma_wait3A_99 = arith.constant 0 : i32
      %dma_wait3A_100 = tpu.memref_slice %arg4[%dma_wait3A_98, %dma_wait3A_99] : memref<128x160xbf16, #tpu.memory_space<hbm>> -> memref<128x160xbf16, #tpu.memory_space<hbm>>
      tpu.wait_dma2 semaphore(%run_scoped3A_90 : memref<!tpu.dma_semaphore, #tpu.memory_space<semaphore_mem>>) src(%dma_wait3A_100 : memref<128x160xbf16, #tpu.memory_space<hbm>>) dst(%dma_wait3A_97 : memref<128x160xbf16, #tpu.memory_space<vmem_shared>>)
      tpu.yield
    }) : () -> ()
    %add3A_9 = arith.constant 384 : i32
    %add3A_10 = arith.addi %mul3A_2, %add3A_9 : i32
    "tpu.region"() ({
      %run_scoped3A_90 = tpu.sem_alloc : memref<!tpu.dma_semaphore, #tpu.memory_space<semaphore_mem>>
      %dma_start3A_91 = arith.constant 0 : i32
      %dma_start3A_92 = tpu.memref_slice %arg14[%add3A_10, %dma_start3A_91] : memref<10112x160xbf16, #tpu.memory_space<vmem_shared>> -> memref<128x160xbf16, #tpu.memory_space<vmem_shared>>
      %dma_start3A_93 = arith.constant 0 : i32
      %dma_start3A_94 = arith.constant 0 : i32
      %dma_start3A_95 = tpu.memref_slice %arg4[%dma_start3A_93, %dma_start3A_94] : memref<128x160xbf16, #tpu.memory_space<hbm>> -> memref<128x160xbf16, #tpu.memory_space<hbm>>
      tpu.enqueue_dma source(%dma_start3A_95 : memref<128x160xbf16, #tpu.memory_space<hbm>>) target(%dma_start3A_92 : memref<128x160xbf16, #tpu.memory_space<vmem_shared>>) target_semaphore(%run_scoped3A_90 : memref<!tpu.dma_semaphore, #tpu.memory_space<semaphore_mem>>)
      %dma_wait3A_96 = arith.constant 0 : i32
      %dma_wait3A_97 = tpu.memref_slice %arg14[%add3A_10, %dma_wait3A_96] : memref<10112x160xbf16, #tpu.memory_space<vmem_shared>> -> memref<128x160xbf16, #tpu.memory_space<vmem_shared>>
      %dma_wait3A_98 = arith.constant 0 : i32
      %dma_wait3A_99 = arith.constant 0 : i32
      %dma_wait3A_100 = tpu.memref_slice %arg4[%dma_wait3A_98, %dma_wait3A_99] : memref<128x160xbf16, #tpu.memory_space<hbm>> -> memref<128x160xbf16, #tpu.memory_space<hbm>>
      tpu.wait_dma2 semaphore(%run_scoped3A_90 : memref<!tpu.dma_semaphore, #tpu.memory_space<semaphore_mem>>) src(%dma_wait3A_100 : memref<128x160xbf16, #tpu.memory_space<hbm>>) dst(%dma_wait3A_97 : memref<128x160xbf16, #tpu.memory_space<vmem_shared>>)
      tpu.yield
    }) : () -> ()
    %add3A_11 = arith.constant 512 : i32
    %add3A_12 = arith.addi %mul3A_2, %add3A_11 : i32
    "tpu.region"() ({
      %run_scoped3A_90 = tpu.sem_alloc : memref<!tpu.dma_semaphore, #tpu.memory_space<semaphore_mem>>
      %dma_start3A_91 = arith.constant 0 : i32
      %dma_start3A_92 = tpu.memref_slice %arg14[%add3A_12, %dma_start3A_91] : memref<10112x160xbf16, #tpu.memory_space<vmem_shared>> -> memref<120x160xbf16, #tpu.memory_space<vmem_shared>>
      %dma_start3A_93 = arith.constant 0 : i32
      %dma_start3A_94 = arith.constant 0 : i32
      %dma_start3A_95 = tpu.memref_slice %arg4[%dma_start3A_93, %dma_start3A_94] : memref<128x160xbf16, #tpu.memory_space<hbm>> -> memref<120x160xbf16, #tpu.memory_space<hbm>>
      tpu.enqueue_dma source(%dma_start3A_95 : memref<120x160xbf16, #tpu.memory_space<hbm>>) target(%dma_start3A_92 : memref<120x160xbf16, #tpu.memory_space<vmem_shared>>) target_semaphore(%run_scoped3A_90 : memref<!tpu.dma_semaphore, #tpu.memory_space<semaphore_mem>>)
      %dma_wait3A_96 = arith.constant 0 : i32
      %dma_wait3A_97 = tpu.memref_slice %arg14[%add3A_12, %dma_wait3A_96] : memref<10112x160xbf16, #tpu.memory_space<vmem_shared>> -> memref<120x160xbf16, #tpu.memory_space<vmem_shared>>
      %dma_wait3A_98 = arith.constant 0 : i32
      %dma_wait3A_99 = arith.constant 0 : i32
      %dma_wait3A_100 = tpu.memref_slice %arg4[%dma_wait3A_98, %dma_wait3A_99] : memref<128x160xbf16, #tpu.memory_space<hbm>> -> memref<120x160xbf16, #tpu.memory_space<hbm>>
      tpu.wait_dma2 semaphore(%run_scoped3A_90 : memref<!tpu.dma_semaphore, #tpu.memory_space<semaphore_mem>>) src(%dma_wait3A_100 : memref<120x160xbf16, #tpu.memory_space<hbm>>) dst(%dma_wait3A_97 : memref<120x160xbf16, #tpu.memory_space<vmem_shared>>)
      tpu.yield
    }) : () -> ()
    %run_scoped3A = arith.constant 0 : i32
    "tpu.region"() ({
      %run_scoped3A_90 = tpu.sem_alloc : memref<!tpu.dma_semaphore, #tpu.memory_space<semaphore_mem>>
      %dma_start3A_91 = arith.constant 0 : i32
      %dma_start3A_92 = arith.constant 0 : i32
      %dma_start3A_93 = tpu.memref_slice %arg3[%run_scoped3A, %add3A, %dma_start3A_91, %dma_start3A_92] : memref<2x32x80x125xi32, #tpu.memory_space<hbm>> -> memref<1x1x80x125xi32, #tpu.memory_space<hbm>>
      %dma_start3A_94 = tpu.memref_squeeze %dma_start3A_93 : memref<1x1x80x125xi32, #tpu.memory_space<hbm>> -> memref<80x125xi32, #tpu.memory_space<hbm>>
      %dma_start3A_95 = arith.constant 0 : i32
      %dma_start3A_96 = arith.constant 0 : i32
      %dma_start3A_97 = tpu.memref_slice %arg3[%run_scoped3A, %add3A, %dma_start3A_95, %dma_start3A_96] : memref<2x32x80x125xi32, #tpu.memory_space<hbm>> -> memref<1x1x80x125xi32, #tpu.memory_space<hbm>>
      %dma_start3A_98 = tpu.memref_squeeze %dma_start3A_97 : memref<1x1x80x125xi32, #tpu.memory_space<hbm>> -> memref<80x125xi32, #tpu.memory_space<hbm>>
      tpu.enqueue_dma source(%dma_start3A_98 : memref<80x125xi32, #tpu.memory_space<hbm>>) target(%arg7 : memref<80x125xi32, #tpu.memory_space<vmem>>) target_semaphore(%run_scoped3A_90 : memref<!tpu.dma_semaphore, #tpu.memory_space<semaphore_mem>>)
      %dma_wait3A_99 = arith.constant 0 : i32
      %dma_wait3A_100 = arith.constant 0 : i32
      %dma_wait3A_101 = tpu.memref_slice %arg3[%run_scoped3A, %add3A, %dma_wait3A_99, %dma_wait3A_100] : memref<2x32x80x125xi32, #tpu.memory_space<hbm>> -> memref<1x1x80x125xi32, #tpu.memory_space<hbm>>
      %dma_wait3A_102 = tpu.memref_squeeze %dma_wait3A_101 : memref<1x1x80x125xi32, #tpu.memory_space<hbm>> -> memref<80x125xi32, #tpu.memory_space<hbm>>
      %dma_wait3A_103 = arith.constant 0 : i32
      %dma_wait3A_104 = arith.constant 0 : i32
      %dma_wait3A_105 = tpu.memref_slice %arg3[%run_scoped3A, %add3A, %dma_wait3A_103, %dma_wait3A_104] : memref<2x32x80x125xi32, #tpu.memory_space<hbm>> -> memref<1x1x80x125xi32, #tpu.memory_space<hbm>>
      %dma_wait3A_106 = tpu.memref_squeeze %dma_wait3A_105 : memref<1x1x80x125xi32, #tpu.memory_space<hbm>> -> memref<80x125xi32, #tpu.memory_space<hbm>>
      tpu.wait_dma2 semaphore(%run_scoped3A_90 : memref<!tpu.dma_semaphore, #tpu.memory_space<semaphore_mem>>) src(%dma_wait3A_106 : memref<80x125xi32, #tpu.memory_space<hbm>>) dst(%arg7 : memref<80x125xi32, #tpu.memory_space<vmem>>)
      tpu.yield
    }) : () -> ()
    %run_scoped3A_13 = arith.constant 1 : i32
    "tpu.region"() ({
      %run_scoped3A_90 = tpu.sem_alloc : memref<!tpu.dma_semaphore, #tpu.memory_space<semaphore_mem>>
      %dma_start3A_91 = arith.constant 0 : i32
      %dma_start3A_92 = arith.constant 0 : i32
      %dma_start3A_93 = tpu.memref_slice %arg3[%run_scoped3A_13, %add3A, %dma_start3A_91, %dma_start3A_92] : memref<2x32x80x125xi32, #tpu.memory_space<hbm>> -> memref<1x1x80x125xi32, #tpu.memory_space<hbm>>
      %dma_start3A_94 = tpu.memref_squeeze %dma_start3A_93 : memref<1x1x80x125xi32, #tpu.memory_space<hbm>> -> memref<80x125xi32, #tpu.memory_space<hbm>>
      %dma_start3A_95 = arith.constant 0 : i32
      %dma_start3A_96 = arith.constant 0 : i32
      %dma_start3A_97 = tpu.memref_slice %arg3[%run_scoped3A_13, %add3A, %dma_start3A_95, %dma_start3A_96] : memref<2x32x80x125xi32, #tpu.memory_space<hbm>> -> memref<1x1x80x125xi32, #tpu.memory_space<hbm>>
      %dma_start3A_98 = tpu.memref_squeeze %dma_start3A_97 : memref<1x1x80x125xi32, #tpu.memory_space<hbm>> -> memref<80x125xi32, #tpu.memory_space<hbm>>
      tpu.enqueue_dma source(%dma_start3A_98 : memref<80x125xi32, #tpu.memory_space<hbm>>) target(%arg8 : memref<80x125xi32, #tpu.memory_space<vmem>>) target_semaphore(%run_scoped3A_90 : memref<!tpu.dma_semaphore, #tpu.memory_space<semaphore_mem>>)
      %dma_wait3A_99 = arith.constant 0 : i32
      %dma_wait3A_100 = arith.constant 0 : i32
      %dma_wait3A_101 = tpu.memref_slice %arg3[%run_scoped3A_13, %add3A, %dma_wait3A_99, %dma_wait3A_100] : memref<2x32x80x125xi32, #tpu.memory_space<hbm>> -> memref<1x1x80x125xi32, #tpu.memory_space<hbm>>
      %dma_wait3A_102 = tpu.memref_squeeze %dma_wait3A_101 : memref<1x1x80x125xi32, #tpu.memory_space<hbm>> -> memref<80x125xi32, #tpu.memory_space<hbm>>
      %dma_wait3A_103 = arith.constant 0 : i32
      %dma_wait3A_104 = arith.constant 0 : i32
      %dma_wait3A_105 = tpu.memref_slice %arg3[%run_scoped3A_13, %add3A, %dma_wait3A_103, %dma_wait3A_104] : memref<2x32x80x125xi32, #tpu.memory_space<hbm>> -> memref<1x1x80x125xi32, #tpu.memory_space<hbm>>
      %dma_wait3A_106 = tpu.memref_squeeze %dma_wait3A_105 : memref<1x1x80x125xi32, #tpu.memory_space<hbm>> -> memref<80x125xi32, #tpu.memory_space<hbm>>
      tpu.wait_dma2 semaphore(%run_scoped3A_90 : memref<!tpu.dma_semaphore, #tpu.memory_space<semaphore_mem>>) src(%dma_wait3A_106 : memref<80x125xi32, #tpu.memory_space<hbm>>) dst(%arg8 : memref<80x125xi32, #tpu.memory_space<vmem>>)
      tpu.yield
    }) : () -> ()
    %barrier3A = arith.constant 0 : index
    tpu.barrier barrier_id(%barrier3A)
    %dma_start3A = arith.constant 0 : i32
    %dma_start3A_14 = arith.constant 0 : i32
    %dma_start3A_15 = tpu.memref_slice %arg7[%dma_start3A, %dma_start3A_14] : memref<80x125xi32, #tpu.memory_space<vmem>> -> memref<1x125xi32, #tpu.memory_space<vmem>>
    %dma_start3A_16 = tpu.memref_squeeze %dma_start3A_15 : memref<1x125xi32, #tpu.memory_space<vmem>> -> memref<125xi32, #tpu.memory_space<vmem>>
    %dma_start3A_17 = arith.constant 0 : i32
    %dma_start3A_18 = arith.constant 0 : i32
    %dma_start3A_19 = tpu.memref_slice %arg2[%dma_start3A_17, %dma_start3A_18] : memref<10000x160xbf16, #tpu.memory_space<hbm>> -> memref<10000x160xbf16, #tpu.memory_space<hbm>>
    tpu.enqueue_indirect_dma source(%dma_start3A_19 : memref<10000x160xbf16, #tpu.memory_space<hbm>>) target(%arg9 : memref<125x160xbf16, #tpu.memory_space<vmem>>) offsets(%dma_start3A_16 : memref<125xi32, #tpu.memory_space<vmem>>) semaphore(%arg15 : memref<!tpu.dma_semaphore, #tpu.memory_space<semaphore_mem>>)
    %dma_start3A_20 = arith.constant 1 : i32
    %dma_start3A_21 = arith.constant 0 : i32
    %dma_start3A_22 = tpu.memref_slice %arg7[%dma_start3A_20, %dma_start3A_21] : memref<80x125xi32, #tpu.memory_space<vmem>> -> memref<1x125xi32, #tpu.memory_space<vmem>>
    %dma_start3A_23 = tpu.memref_squeeze %dma_start3A_22 : memref<1x125xi32, #tpu.memory_space<vmem>> -> memref<125xi32, #tpu.memory_space<vmem>>
    %dma_start3A_24 = arith.constant 0 : i32
    %dma_start3A_25 = arith.constant 0 : i32
    %dma_start3A_26 = tpu.memref_slice %arg2[%dma_start3A_24, %dma_start3A_25] : memref<10000x160xbf16, #tpu.memory_space<hbm>> -> memref<10000x160xbf16, #tpu.memory_space<hbm>>
    tpu.enqueue_indirect_dma source(%dma_start3A_26 : memref<10000x160xbf16, #tpu.memory_space<hbm>>) target(%arg10 : memref<125x160xbf16, #tpu.memory_space<vmem>>) offsets(%dma_start3A_23 : memref<125xi32, #tpu.memory_space<vmem>>) semaphore(%arg16 : memref<!tpu.dma_semaphore, #tpu.memory_space<semaphore_mem>>)
    %dma_start3A_27 = arith.constant 2 : i32
    %dma_start3A_28 = arith.constant 0 : i32
    %dma_start3A_29 = tpu.memref_slice %arg7[%dma_start3A_27, %dma_start3A_28] : memref<80x125xi32, #tpu.memory_space<vmem>> -> memref<1x125xi32, #tpu.memory_space<vmem>>
    %dma_start3A_30 = tpu.memref_squeeze %dma_start3A_29 : memref<1x125xi32, #tpu.memory_space<vmem>> -> memref<125xi32, #tpu.memory_space<vmem>>
    %dma_start3A_31 = arith.constant 0 : i32
    %dma_start3A_32 = arith.constant 0 : i32
    %dma_start3A_33 = tpu.memref_slice %arg2[%dma_start3A_31, %dma_start3A_32] : memref<10000x160xbf16, #tpu.memory_space<hbm>> -> memref<10000x160xbf16, #tpu.memory_space<hbm>>
    tpu.enqueue_indirect_dma source(%dma_start3A_33 : memref<10000x160xbf16, #tpu.memory_space<hbm>>) target(%arg11 : memref<125x160xbf16, #tpu.memory_space<vmem>>) offsets(%dma_start3A_30 : memref<125xi32, #tpu.memory_space<vmem>>) semaphore(%arg17 : memref<!tpu.dma_semaphore, #tpu.memory_space<semaphore_mem>>)
    %dma_start3A_34 = arith.constant 3 : i32
    %dma_start3A_35 = arith.constant 0 : i32
    %dma_start3A_36 = tpu.memref_slice %arg7[%dma_start3A_34, %dma_start3A_35] : memref<80x125xi32, #tpu.memory_space<vmem>> -> memref<1x125xi32, #tpu.memory_space<vmem>>
    %dma_start3A_37 = tpu.memref_squeeze %dma_start3A_36 : memref<1x125xi32, #tpu.memory_space<vmem>> -> memref<125xi32, #tpu.memory_space<vmem>>
    %dma_start3A_38 = arith.constant 0 : i32
    %dma_start3A_39 = arith.constant 0 : i32
    %dma_start3A_40 = tpu.memref_slice %arg2[%dma_start3A_38, %dma_start3A_39] : memref<10000x160xbf16, #tpu.memory_space<hbm>> -> memref<10000x160xbf16, #tpu.memory_space<hbm>>
    tpu.enqueue_indirect_dma source(%dma_start3A_40 : memref<10000x160xbf16, #tpu.memory_space<hbm>>) target(%arg12 : memref<125x160xbf16, #tpu.memory_space<vmem>>) offsets(%dma_start3A_37 : memref<125xi32, #tpu.memory_space<vmem>>) semaphore(%arg18 : memref<!tpu.dma_semaphore, #tpu.memory_space<semaphore_mem>>)
    %dma_start3A_41 = arith.constant 4 : i32
    %dma_start3A_42 = arith.constant 0 : i32
    %dma_start3A_43 = tpu.memref_slice %arg7[%dma_start3A_41, %dma_start3A_42] : memref<80x125xi32, #tpu.memory_space<vmem>> -> memref<1x125xi32, #tpu.memory_space<vmem>>
    %dma_start3A_44 = tpu.memref_squeeze %dma_start3A_43 : memref<1x125xi32, #tpu.memory_space<vmem>> -> memref<125xi32, #tpu.memory_space<vmem>>
    %dma_start3A_45 = arith.constant 0 : i32
    %dma_start3A_46 = arith.constant 0 : i32
    %dma_start3A_47 = tpu.memref_slice %arg2[%dma_start3A_45, %dma_start3A_46] : memref<10000x160xbf16, #tpu.memory_space<hbm>> -> memref<10000x160xbf16, #tpu.memory_space<hbm>>
    tpu.enqueue_indirect_dma source(%dma_start3A_47 : memref<10000x160xbf16, #tpu.memory_space<hbm>>) target(%arg13 : memref<125x160xbf16, #tpu.memory_space<vmem>>) offsets(%dma_start3A_44 : memref<125xi32, #tpu.memory_space<vmem>>) semaphore(%arg19 : memref<!tpu.dma_semaphore, #tpu.memory_space<semaphore_mem>>)
    %scan3A = arith.constant 0 : i32
    %scan3A_48 = arith.constant 0 : i32
    %scan3A_49 = arith.constant 16 : i32
    %scan3A_50 = arith.addi %scan3A_48, %scan3A_49 : i32
    %scan3A_51 = arith.constant 1 : i32
    scf.for %scan3A_90 = %scan3A_48 to %scan3A_50 step %scan3A_51  : i32 {
      %mul3A_91 = arith.constant 5 : i32
      %mul3A_92 = arith.muli %scan3A_90, %mul3A_91 : i32
      %dma_wait3A_93 = arith.constant 0 : i32
      %dma_wait3A_94 = arith.constant 0 : i32
      %dma_wait3A_95 = tpu.memref_slice %arg2[%dma_wait3A_93, %dma_wait3A_94] : memref<10000x160xbf16, #tpu.memory_space<hbm>> -> memref<125x160xbf16, #tpu.memory_space<hbm>>
      %dma_wait3A_96 = arith.constant 0 : i32
      %dma_wait3A_97 = arith.constant 0 : i32
      %dma_wait3A_98 = tpu.memref_slice %arg2[%dma_wait3A_96, %dma_wait3A_97] : memref<10000x160xbf16, #tpu.memory_space<hbm>> -> memref<125x160xbf16, #tpu.memory_space<hbm>>
      tpu.wait_dma2 semaphore(%arg15 : memref<!tpu.dma_semaphore, #tpu.memory_space<semaphore_mem>>) src(%dma_wait3A_98 : memref<125x160xbf16, #tpu.memory_space<hbm>>) dst(%arg9 : memref<125x160xbf16, #tpu.memory_space<vmem>>)
      %add3A_99 = arith.constant 0 : i32
      %add3A_100 = arith.addi %mul3A_92, %add3A_99 : i32
      %dma_start3A_101 = arith.constant 0 : i32
      %dma_start3A_102 = tpu.memref_slice %arg8[%add3A_100, %dma_start3A_101] : memref<80x125xi32, #tpu.memory_space<vmem>> -> memref<1x125xi32, #tpu.memory_space<vmem>>
      %dma_start3A_103 = tpu.memref_squeeze %dma_start3A_102 : memref<1x125xi32, #tpu.memory_space<vmem>> -> memref<125xi32, #tpu.memory_space<vmem>>
      %dma_start3A_104 = arith.constant 0 : i32
      %dma_start3A_105 = arith.constant 0 : i32
      %dma_start3A_106 = tpu.memref_slice %arg14[%dma_start3A_104, %dma_start3A_105] : memref<10112x160xbf16, #tpu.memory_space<vmem_shared>> -> memref<10112x160xbf16, #tpu.memory_space<vmem_shared>>
      tpu.enqueue_indirect_dma source(%arg9 : memref<125x160xbf16, #tpu.memory_space<vmem>>) target(%dma_start3A_106 : memref<10112x160xbf16, #tpu.memory_space<vmem_shared>>) offsets(%dma_start3A_103 : memref<125xi32, #tpu.memory_space<vmem>>) semaphore(%arg20 : memref<!tpu.dma_semaphore, #tpu.memory_space<semaphore_mem>>) {add = true}
      %dma_wait3A_107 = arith.constant 0 : i32
      %dma_wait3A_108 = arith.constant 0 : i32
      %dma_wait3A_109 = tpu.memref_slice %arg2[%dma_wait3A_107, %dma_wait3A_108] : memref<10000x160xbf16, #tpu.memory_space<hbm>> -> memref<125x160xbf16, #tpu.memory_space<hbm>>
      %dma_wait3A_110 = arith.constant 0 : i32
      %dma_wait3A_111 = arith.constant 0 : i32
      %dma_wait3A_112 = tpu.memref_slice %arg2[%dma_wait3A_110, %dma_wait3A_111] : memref<10000x160xbf16, #tpu.memory_space<hbm>> -> memref<125x160xbf16, #tpu.memory_space<hbm>>
      tpu.wait_dma2 semaphore(%arg16 : memref<!tpu.dma_semaphore, #tpu.memory_space<semaphore_mem>>) src(%dma_wait3A_112 : memref<125x160xbf16, #tpu.memory_space<hbm>>) dst(%arg10 : memref<125x160xbf16, #tpu.memory_space<vmem>>)
      %add3A_113 = arith.constant 1 : i32
      %add3A_114 = arith.addi %mul3A_92, %add3A_113 : i32
      %dma_start3A_115 = arith.constant 0 : i32
      %dma_start3A_116 = tpu.memref_slice %arg8[%add3A_114, %dma_start3A_115] : memref<80x125xi32, #tpu.memory_space<vmem>> -> memref<1x125xi32, #tpu.memory_space<vmem>>
      %dma_start3A_117 = tpu.memref_squeeze %dma_start3A_116 : memref<1x125xi32, #tpu.memory_space<vmem>> -> memref<125xi32, #tpu.memory_space<vmem>>
      %dma_start3A_118 = arith.constant 0 : i32
      %dma_start3A_119 = arith.constant 0 : i32
      %dma_start3A_120 = tpu.memref_slice %arg14[%dma_start3A_118, %dma_start3A_119] : memref<10112x160xbf16, #tpu.memory_space<vmem_shared>> -> memref<10112x160xbf16, #tpu.memory_space<vmem_shared>>
      tpu.enqueue_indirect_dma source(%arg10 : memref<125x160xbf16, #tpu.memory_space<vmem>>) target(%dma_start3A_120 : memref<10112x160xbf16, #tpu.memory_space<vmem_shared>>) offsets(%dma_start3A_117 : memref<125xi32, #tpu.memory_space<vmem>>) semaphore(%arg21 : memref<!tpu.dma_semaphore, #tpu.memory_space<semaphore_mem>>) {add = true}
      %dma_wait3A_121 = arith.constant 0 : i32
      %dma_wait3A_122 = arith.constant 0 : i32
      %dma_wait3A_123 = tpu.memref_slice %arg2[%dma_wait3A_121, %dma_wait3A_122] : memref<10000x160xbf16, #tpu.memory_space<hbm>> -> memref<125x160xbf16, #tpu.memory_space<hbm>>
      %dma_wait3A_124 = arith.constant 0 : i32
      %dma_wait3A_125 = arith.constant 0 : i32
      %dma_wait3A_126 = tpu.memref_slice %arg2[%dma_wait3A_124, %dma_wait3A_125] : memref<10000x160xbf16, #tpu.memory_space<hbm>> -> memref<125x160xbf16, #tpu.memory_space<hbm>>
      tpu.wait_dma2 semaphore(%arg17 : memref<!tpu.dma_semaphore, #tpu.memory_space<semaphore_mem>>) src(%dma_wait3A_126 : memref<125x160xbf16, #tpu.memory_space<hbm>>) dst(%arg11 : memref<125x160xbf16, #tpu.memory_space<vmem>>)
      %add3A_127 = arith.constant 2 : i32
      %add3A_128 = arith.addi %mul3A_92, %add3A_127 : i32
      %dma_start3A_129 = arith.constant 0 : i32
      %dma_start3A_130 = tpu.memref_slice %arg8[%add3A_128, %dma_start3A_129] : memref<80x125xi32, #tpu.memory_space<vmem>> -> memref<1x125xi32, #tpu.memory_space<vmem>>
      %dma_start3A_131 = tpu.memref_squeeze %dma_start3A_130 : memref<1x125xi32, #tpu.memory_space<vmem>> -> memref<125xi32, #tpu.memory_space<vmem>>
      %dma_start3A_132 = arith.constant 0 : i32
      %dma_start3A_133 = arith.constant 0 : i32
      %dma_start3A_134 = tpu.memref_slice %arg14[%dma_start3A_132, %dma_start3A_133] : memref<10112x160xbf16, #tpu.memory_space<vmem_shared>> -> memref<10112x160xbf16, #tpu.memory_space<vmem_shared>>
      tpu.enqueue_indirect_dma source(%arg11 : memref<125x160xbf16, #tpu.memory_space<vmem>>) target(%dma_start3A_134 : memref<10112x160xbf16, #tpu.memory_space<vmem_shared>>) offsets(%dma_start3A_131 : memref<125xi32, #tpu.memory_space<vmem>>) semaphore(%arg22 : memref<!tpu.dma_semaphore, #tpu.memory_space<semaphore_mem>>) {add = true}
      %dma_wait3A_135 = arith.constant 0 : i32
      %dma_wait3A_136 = arith.constant 0 : i32
      %dma_wait3A_137 = tpu.memref_slice %arg2[%dma_wait3A_135, %dma_wait3A_136] : memref<10000x160xbf16, #tpu.memory_space<hbm>> -> memref<125x160xbf16, #tpu.memory_space<hbm>>
      %dma_wait3A_138 = arith.constant 0 : i32
      %dma_wait3A_139 = arith.constant 0 : i32
      %dma_wait3A_140 = tpu.memref_slice %arg2[%dma_wait3A_138, %dma_wait3A_139] : memref<10000x160xbf16, #tpu.memory_space<hbm>> -> memref<125x160xbf16, #tpu.memory_space<hbm>>
      tpu.wait_dma2 semaphore(%arg18 : memref<!tpu.dma_semaphore, #tpu.memory_space<semaphore_mem>>) src(%dma_wait3A_140 : memref<125x160xbf16, #tpu.memory_space<hbm>>) dst(%arg12 : memref<125x160xbf16, #tpu.memory_space<vmem>>)
      %add3A_141 = arith.constant 3 : i32
      %add3A_142 = arith.addi %mul3A_92, %add3A_141 : i32
      %dma_start3A_143 = arith.constant 0 : i32
      %dma_start3A_144 = tpu.memref_slice %arg8[%add3A_142, %dma_start3A_143] : memref<80x125xi32, #tpu.memory_space<vmem>> -> memref<1x125xi32, #tpu.memory_space<vmem>>
      %dma_start3A_145 = tpu.memref_squeeze %dma_start3A_144 : memref<1x125xi32, #tpu.memory_space<vmem>> -> memref<125xi32, #tpu.memory_space<vmem>>
      %dma_start3A_146 = arith.constant 0 : i32
      %dma_start3A_147 = arith.constant 0 : i32
      %dma_start3A_148 = tpu.memref_slice %arg14[%dma_start3A_146, %dma_start3A_147] : memref<10112x160xbf16, #tpu.memory_space<vmem_shared>> -> memref<10112x160xbf16, #tpu.memory_space<vmem_shared>>
      tpu.enqueue_indirect_dma source(%arg12 : memref<125x160xbf16, #tpu.memory_space<vmem>>) target(%dma_start3A_148 : memref<10112x160xbf16, #tpu.memory_space<vmem_shared>>) offsets(%dma_start3A_145 : memref<125xi32, #tpu.memory_space<vmem>>) semaphore(%arg23 : memref<!tpu.dma_semaphore, #tpu.memory_space<semaphore_mem>>) {add = true}
      %dma_wait3A_149 = arith.constant 0 : i32
      %dma_wait3A_150 = arith.constant 0 : i32
      %dma_wait3A_151 = tpu.memref_slice %arg2[%dma_wait3A_149, %dma_wait3A_150] : memref<10000x160xbf16, #tpu.memory_space<hbm>> -> memref<125x160xbf16, #tpu.memory_space<hbm>>
      %dma_wait3A_152 = arith.constant 0 : i32
      %dma_wait3A_153 = arith.constant 0 : i32
      %dma_wait3A_154 = tpu.memref_slice %arg2[%dma_wait3A_152, %dma_wait3A_153] : memref<10000x160xbf16, #tpu.memory_space<hbm>> -> memref<125x160xbf16, #tpu.memory_space<hbm>>
      tpu.wait_dma2 semaphore(%arg19 : memref<!tpu.dma_semaphore, #tpu.memory_space<semaphore_mem>>) src(%dma_wait3A_154 : memref<125x160xbf16, #tpu.memory_space<hbm>>) dst(%arg13 : memref<125x160xbf16, #tpu.memory_space<vmem>>)
      %add3A_155 = arith.constant 4 : i32
      %add3A_156 = arith.addi %mul3A_92, %add3A_155 : i32
      %dma_start3A_157 = arith.constant 0 : i32
      %dma_start3A_158 = tpu.memref_slice %arg8[%add3A_156, %dma_start3A_157] : memref<80x125xi32, #tpu.memory_space<vmem>> -> memref<1x125xi32, #tpu.memory_space<vmem>>
      %dma_start3A_159 = tpu.memref_squeeze %dma_start3A_158 : memref<1x125xi32, #tpu.memory_space<vmem>> -> memref<125xi32, #tpu.memory_space<vmem>>
      %dma_start3A_160 = arith.constant 0 : i32
      %dma_start3A_161 = arith.constant 0 : i32
      %dma_start3A_162 = tpu.memref_slice %arg14[%dma_start3A_160, %dma_start3A_161] : memref<10112x160xbf16, #tpu.memory_space<vmem_shared>> -> memref<10112x160xbf16, #tpu.memory_space<vmem_shared>>
      tpu.enqueue_indirect_dma source(%arg13 : memref<125x160xbf16, #tpu.memory_space<vmem>>) target(%dma_start3A_162 : memref<10112x160xbf16, #tpu.memory_space<vmem_shared>>) offsets(%dma_start3A_159 : memref<125xi32, #tpu.memory_space<vmem>>) semaphore(%arg24 : memref<!tpu.dma_semaphore, #tpu.memory_space<semaphore_mem>>) {add = true}
      %lt3A = arith.constant 15 : i32
      %lt3A_163 = arith.cmpi slt, %scan3A_90, %lt3A : i32
      %convert_element_type3A_164 = arith.extui %lt3A_163 : i1 to i32
      %cond3A_165 = arith.constant 0 : i32
      %cond3A_166 = arith.cmpi ne, %convert_element_type3A_164, %cond3A_165 : i32
      scf.if %cond3A_166 {
        %dma_wait3A_187 = arith.constant 0 : i32
        %dma_wait3A_188 = arith.constant 0 : i32
        %dma_wait3A_189 = tpu.memref_slice %arg14[%dma_wait3A_187, %dma_wait3A_188] : memref<10112x160xbf16, #tpu.memory_space<vmem_shared>> -> memref<125x160xbf16, #tpu.memory_space<vmem_shared>>
        %dma_wait3A_190 = arith.constant 0 : i32
        %dma_wait3A_191 = arith.constant 0 : i32
        %dma_wait3A_192 = tpu.memref_slice %arg14[%dma_wait3A_190, %dma_wait3A_191] : memref<10112x160xbf16, #tpu.memory_space<vmem_shared>> -> memref<125x160xbf16, #tpu.memory_space<vmem_shared>>
        tpu.wait_dma2 semaphore(%arg20 : memref<!tpu.dma_semaphore, #tpu.memory_space<semaphore_mem>>) src(%arg9 : memref<125x160xbf16, #tpu.memory_space<vmem>>) dst(%dma_wait3A_192 : memref<125x160xbf16, #tpu.memory_space<vmem_shared>>)
        %add3A_193 = arith.constant 5 : i32
        %add3A_194 = arith.addi %mul3A_92, %add3A_193 : i32
        %add3A_195 = arith.constant 0 : i32
        %add3A_196 = arith.addi %add3A_194, %add3A_195 : i32
        %dma_start3A_197 = arith.constant 0 : i32
        %dma_start3A_198 = tpu.memref_slice %arg7[%add3A_196, %dma_start3A_197] : memref<80x125xi32, #tpu.memory_space<vmem>> -> memref<1x125xi32, #tpu.memory_space<vmem>>
        %dma_start3A_199 = tpu.memref_squeeze %dma_start3A_198 : memref<1x125xi32, #tpu.memory_space<vmem>> -> memref<125xi32, #tpu.memory_space<vmem>>
        %dma_start3A_200 = arith.constant 0 : i32
        %dma_start3A_201 = arith.constant 0 : i32
        %dma_start3A_202 = tpu.memref_slice %arg2[%dma_start3A_200, %dma_start3A_201] : memref<10000x160xbf16, #tpu.memory_space<hbm>> -> memref<10000x160xbf16, #tpu.memory_space<hbm>>
        tpu.enqueue_indirect_dma source(%dma_start3A_202 : memref<10000x160xbf16, #tpu.memory_space<hbm>>) target(%arg9 : memref<125x160xbf16, #tpu.memory_space<vmem>>) offsets(%dma_start3A_199 : memref<125xi32, #tpu.memory_space<vmem>>) semaphore(%arg15 : memref<!tpu.dma_semaphore, #tpu.memory_space<semaphore_mem>>)
      } else {
      }
      %lt3A_167 = arith.constant 15 : i32
      %lt3A_168 = arith.cmpi slt, %scan3A_90, %lt3A_167 : i32
      %convert_element_type3A_169 = arith.extui %lt3A_168 : i1 to i32
      %cond3A_170 = arith.constant 0 : i32
      %cond3A_171 = arith.cmpi ne, %convert_element_type3A_169, %cond3A_170 : i32
      scf.if %cond3A_171 {
        %dma_wait3A_187 = arith.constant 0 : i32
        %dma_wait3A_188 = arith.constant 0 : i32
        %dma_wait3A_189 = tpu.memref_slice %arg14[%dma_wait3A_187, %dma_wait3A_188] : memref<10112x160xbf16, #tpu.memory_space<vmem_shared>> -> memref<125x160xbf16, #tpu.memory_space<vmem_shared>>
        %dma_wait3A_190 = arith.constant 0 : i32
        %dma_wait3A_191 = arith.constant 0 : i32
        %dma_wait3A_192 = tpu.memref_slice %arg14[%dma_wait3A_190, %dma_wait3A_191] : memref<10112x160xbf16, #tpu.memory_space<vmem_shared>> -> memref<125x160xbf16, #tpu.memory_space<vmem_shared>>
        tpu.wait_dma2 semaphore(%arg21 : memref<!tpu.dma_semaphore, #tpu.memory_space<semaphore_mem>>) src(%arg10 : memref<125x160xbf16, #tpu.memory_space<vmem>>) dst(%dma_wait3A_192 : memref<125x160xbf16, #tpu.memory_space<vmem_shared>>)
        %add3A_193 = arith.constant 5 : i32
        %add3A_194 = arith.addi %mul3A_92, %add3A_193 : i32
        %add3A_195 = arith.constant 1 : i32
        %add3A_196 = arith.addi %add3A_194, %add3A_195 : i32
        %dma_start3A_197 = arith.constant 0 : i32
        %dma_start3A_198 = tpu.memref_slice %arg7[%add3A_196, %dma_start3A_197] : memref<80x125xi32, #tpu.memory_space<vmem>> -> memref<1x125xi32, #tpu.memory_space<vmem>>
        %dma_start3A_199 = tpu.memref_squeeze %dma_start3A_198 : memref<1x125xi32, #tpu.memory_space<vmem>> -> memref<125xi32, #tpu.memory_space<vmem>>
        %dma_start3A_200 = arith.constant 0 : i32
        %dma_start3A_201 = arith.constant 0 : i32
        %dma_start3A_202 = tpu.memref_slice %arg2[%dma_start3A_200, %dma_start3A_201] : memref<10000x160xbf16, #tpu.memory_space<hbm>> -> memref<10000x160xbf16, #tpu.memory_space<hbm>>
        tpu.enqueue_indirect_dma source(%dma_start3A_202 : memref<10000x160xbf16, #tpu.memory_space<hbm>>) target(%arg10 : memref<125x160xbf16, #tpu.memory_space<vmem>>) offsets(%dma_start3A_199 : memref<125xi32, #tpu.memory_space<vmem>>) semaphore(%arg16 : memref<!tpu.dma_semaphore, #tpu.memory_space<semaphore_mem>>)
      } else {
      }
      %lt3A_172 = arith.constant 15 : i32
      %lt3A_173 = arith.cmpi slt, %scan3A_90, %lt3A_172 : i32
      %convert_element_type3A_174 = arith.extui %lt3A_173 : i1 to i32
      %cond3A_175 = arith.constant 0 : i32
      %cond3A_176 = arith.cmpi ne, %convert_element_type3A_174, %cond3A_175 : i32
      scf.if %cond3A_176 {
        %dma_wait3A_187 = arith.constant 0 : i32
        %dma_wait3A_188 = arith.constant 0 : i32
        %dma_wait3A_189 = tpu.memref_slice %arg14[%dma_wait3A_187, %dma_wait3A_188] : memref<10112x160xbf16, #tpu.memory_space<vmem_shared>> -> memref<125x160xbf16, #tpu.memory_space<vmem_shared>>
        %dma_wait3A_190 = arith.constant 0 : i32
        %dma_wait3A_191 = arith.constant 0 : i32
        %dma_wait3A_192 = tpu.memref_slice %arg14[%dma_wait3A_190, %dma_wait3A_191] : memref<10112x160xbf16, #tpu.memory_space<vmem_shared>> -> memref<125x160xbf16, #tpu.memory_space<vmem_shared>>
        tpu.wait_dma2 semaphore(%arg22 : memref<!tpu.dma_semaphore, #tpu.memory_space<semaphore_mem>>) src(%arg11 : memref<125x160xbf16, #tpu.memory_space<vmem>>) dst(%dma_wait3A_192 : memref<125x160xbf16, #tpu.memory_space<vmem_shared>>)
        %add3A_193 = arith.constant 5 : i32
        %add3A_194 = arith.addi %mul3A_92, %add3A_193 : i32
        %add3A_195 = arith.constant 2 : i32
        %add3A_196 = arith.addi %add3A_194, %add3A_195 : i32
        %dma_start3A_197 = arith.constant 0 : i32
        %dma_start3A_198 = tpu.memref_slice %arg7[%add3A_196, %dma_start3A_197] : memref<80x125xi32, #tpu.memory_space<vmem>> -> memref<1x125xi32, #tpu.memory_space<vmem>>
        %dma_start3A_199 = tpu.memref_squeeze %dma_start3A_198 : memref<1x125xi32, #tpu.memory_space<vmem>> -> memref<125xi32, #tpu.memory_space<vmem>>
        %dma_start3A_200 = arith.constant 0 : i32
        %dma_start3A_201 = arith.constant 0 : i32
        %dma_start3A_202 = tpu.memref_slice %arg2[%dma_start3A_200, %dma_start3A_201] : memref<10000x160xbf16, #tpu.memory_space<hbm>> -> memref<10000x160xbf16, #tpu.memory_space<hbm>>
        tpu.enqueue_indirect_dma source(%dma_start3A_202 : memref<10000x160xbf16, #tpu.memory_space<hbm>>) target(%arg11 : memref<125x160xbf16, #tpu.memory_space<vmem>>) offsets(%dma_start3A_199 : memref<125xi32, #tpu.memory_space<vmem>>) semaphore(%arg17 : memref<!tpu.dma_semaphore, #tpu.memory_space<semaphore_mem>>)
      } else {
      }
      %lt3A_177 = arith.constant 15 : i32
      %lt3A_178 = arith.cmpi slt, %scan3A_90, %lt3A_177 : i32
      %convert_element_type3A_179 = arith.extui %lt3A_178 : i1 to i32
      %cond3A_180 = arith.constant 0 : i32
      %cond3A_181 = arith.cmpi ne, %convert_element_type3A_179, %cond3A_180 : i32
      scf.if %cond3A_181 {
        %dma_wait3A_187 = arith.constant 0 : i32
        %dma_wait3A_188 = arith.constant 0 : i32
        %dma_wait3A_189 = tpu.memref_slice %arg14[%dma_wait3A_187, %dma_wait3A_188] : memref<10112x160xbf16, #tpu.memory_space<vmem_shared>> -> memref<125x160xbf16, #tpu.memory_space<vmem_shared>>
        %dma_wait3A_190 = arith.constant 0 : i32
        %dma_wait3A_191 = arith.constant 0 : i32
        %dma_wait3A_192 = tpu.memref_slice %arg14[%dma_wait3A_190, %dma_wait3A_191] : memref<10112x160xbf16, #tpu.memory_space<vmem_shared>> -> memref<125x160xbf16, #tpu.memory_space<vmem_shared>>
        tpu.wait_dma2 semaphore(%arg23 : memref<!tpu.dma_semaphore, #tpu.memory_space<semaphore_mem>>) src(%arg12 : memref<125x160xbf16, #tpu.memory_space<vmem>>) dst(%dma_wait3A_192 : memref<125x160xbf16, #tpu.memory_space<vmem_shared>>)
        %add3A_193 = arith.constant 5 : i32
        %add3A_194 = arith.addi %mul3A_92, %add3A_193 : i32
        %add3A_195 = arith.constant 3 : i32
        %add3A_196 = arith.addi %add3A_194, %add3A_195 : i32
        %dma_start3A_197 = arith.constant 0 : i32
        %dma_start3A_198 = tpu.memref_slice %arg7[%add3A_196, %dma_start3A_197] : memref<80x125xi32, #tpu.memory_space<vmem>> -> memref<1x125xi32, #tpu.memory_space<vmem>>
        %dma_start3A_199 = tpu.memref_squeeze %dma_start3A_198 : memref<1x125xi32, #tpu.memory_space<vmem>> -> memref<125xi32, #tpu.memory_space<vmem>>
        %dma_start3A_200 = arith.constant 0 : i32
        %dma_start3A_201 = arith.constant 0 : i32
        %dma_start3A_202 = tpu.memref_slice %arg2[%dma_start3A_200, %dma_start3A_201] : memref<10000x160xbf16, #tpu.memory_space<hbm>> -> memref<10000x160xbf16, #tpu.memory_space<hbm>>
        tpu.enqueue_indirect_dma source(%dma_start3A_202 : memref<10000x160xbf16, #tpu.memory_space<hbm>>) target(%arg12 : memref<125x160xbf16, #tpu.memory_space<vmem>>) offsets(%dma_start3A_199 : memref<125xi32, #tpu.memory_space<vmem>>) semaphore(%arg18 : memref<!tpu.dma_semaphore, #tpu.memory_space<semaphore_mem>>)
      } else {
      }
      %lt3A_182 = arith.constant 15 : i32
      %lt3A_183 = arith.cmpi slt, %scan3A_90, %lt3A_182 : i32
      %convert_element_type3A_184 = arith.extui %lt3A_183 : i1 to i32
      %cond3A_185 = arith.constant 0 : i32
      %cond3A_186 = arith.cmpi ne, %convert_element_type3A_184, %cond3A_185 : i32
      scf.if %cond3A_186 {
        %dma_wait3A_187 = arith.constant 0 : i32
        %dma_wait3A_188 = arith.constant 0 : i32
        %dma_wait3A_189 = tpu.memref_slice %arg14[%dma_wait3A_187, %dma_wait3A_188] : memref<10112x160xbf16, #tpu.memory_space<vmem_shared>> -> memref<125x160xbf16, #tpu.memory_space<vmem_shared>>
        %dma_wait3A_190 = arith.constant 0 : i32
        %dma_wait3A_191 = arith.constant 0 : i32
        %dma_wait3A_192 = tpu.memref_slice %arg14[%dma_wait3A_190, %dma_wait3A_191] : memref<10112x160xbf16, #tpu.memory_space<vmem_shared>> -> memref<125x160xbf16, #tpu.memory_space<vmem_shared>>
        tpu.wait_dma2 semaphore(%arg24 : memref<!tpu.dma_semaphore, #tpu.memory_space<semaphore_mem>>) src(%arg13 : memref<125x160xbf16, #tpu.memory_space<vmem>>) dst(%dma_wait3A_192 : memref<125x160xbf16, #tpu.memory_space<vmem_shared>>)
        %add3A_193 = arith.constant 5 : i32
        %add3A_194 = arith.addi %mul3A_92, %add3A_193 : i32
        %add3A_195 = arith.constant 4 : i32
        %add3A_196 = arith.addi %add3A_194, %add3A_195 : i32
        %dma_start3A_197 = arith.constant 0 : i32
        %dma_start3A_198 = tpu.memref_slice %arg7[%add3A_196, %dma_start3A_197] : memref<80x125xi32, #tpu.memory_space<vmem>> -> memref<1x125xi32, #tpu.memory_space<vmem>>
        %dma_start3A_199 = tpu.memref_squeeze %dma_start3A_198 : memref<1x125xi32, #tpu.memory_space<vmem>> -> memref<125xi32, #tpu.memory_space<vmem>>
        %dma_start3A_200 = arith.constant 0 : i32
        %dma_start3A_201 = arith.constant 0 : i32
        %dma_start3A_202 = tpu.memref_slice %arg2[%dma_start3A_200, %dma_start3A_201] : memref<10000x160xbf16, #tpu.memory_space<hbm>> -> memref<10000x160xbf16, #tpu.memory_space<hbm>>
        tpu.enqueue_indirect_dma source(%dma_start3A_202 : memref<10000x160xbf16, #tpu.memory_space<hbm>>) target(%arg13 : memref<125x160xbf16, #tpu.memory_space<vmem>>) offsets(%dma_start3A_199 : memref<125xi32, #tpu.memory_space<vmem>>) semaphore(%arg19 : memref<!tpu.dma_semaphore, #tpu.memory_space<semaphore_mem>>)
      } else {
      }
    }
    %scan3A_52 = arith.constant 16 : i32
    %dma_wait3A = arith.constant 0 : i32
    %dma_wait3A_53 = arith.constant 0 : i32
    %dma_wait3A_54 = tpu.memref_slice %arg14[%dma_wait3A, %dma_wait3A_53] : memref<10112x160xbf16, #tpu.memory_space<vmem_shared>> -> memref<125x160xbf16, #tpu.memory_space<vmem_shared>>
    %dma_wait3A_55 = arith.constant 0 : i32
    %dma_wait3A_56 = arith.constant 0 : i32
    %dma_wait3A_57 = tpu.memref_slice %arg14[%dma_wait3A_55, %dma_wait3A_56] : memref<10112x160xbf16, #tpu.memory_space<vmem_shared>> -> memref<125x160xbf16, #tpu.memory_space<vmem_shared>>
    tpu.wait_dma2 semaphore(%arg20 : memref<!tpu.dma_semaphore, #tpu.memory_space<semaphore_mem>>) src(%arg9 : memref<125x160xbf16, #tpu.memory_space<vmem>>) dst(%dma_wait3A_57 : memref<125x160xbf16, #tpu.memory_space<vmem_shared>>)
    %dma_wait3A_58 = arith.constant 0 : i32
    %dma_wait3A_59 = arith.constant 0 : i32
    %dma_wait3A_60 = tpu.memref_slice %arg14[%dma_wait3A_58, %dma_wait3A_59] : memref<10112x160xbf16, #tpu.memory_space<vmem_shared>> -> memref<125x160xbf16, #tpu.memory_space<vmem_shared>>
    %dma_wait3A_61 = arith.constant 0 : i32
    %dma_wait3A_62 = arith.constant 0 : i32
    %dma_wait3A_63 = tpu.memref_slice %arg14[%dma_wait3A_61, %dma_wait3A_62] : memref<10112x160xbf16, #tpu.memory_space<vmem_shared>> -> memref<125x160xbf16, #tpu.memory_space<vmem_shared>>
    tpu.wait_dma2 semaphore(%arg21 : memref<!tpu.dma_semaphore, #tpu.memory_space<semaphore_mem>>) src(%arg10 : memref<125x160xbf16, #tpu.memory_space<vmem>>) dst(%dma_wait3A_63 : memref<125x160xbf16, #tpu.memory_space<vmem_shared>>)
    %dma_wait3A_64 = arith.constant 0 : i32
    %dma_wait3A_65 = arith.constant 0 : i32
    %dma_wait3A_66 = tpu.memref_slice %arg14[%dma_wait3A_64, %dma_wait3A_65] : memref<10112x160xbf16, #tpu.memory_space<vmem_shared>> -> memref<125x160xbf16, #tpu.memory_space<vmem_shared>>
    %dma_wait3A_67 = arith.constant 0 : i32
    %dma_wait3A_68 = arith.constant 0 : i32
    %dma_wait3A_69 = tpu.memref_slice %arg14[%dma_wait3A_67, %dma_wait3A_68] : memref<10112x160xbf16, #tpu.memory_space<vmem_shared>> -> memref<125x160xbf16, #tpu.memory_space<vmem_shared>>
    tpu.wait_dma2 semaphore(%arg22 : memref<!tpu.dma_semaphore, #tpu.memory_space<semaphore_mem>>) src(%arg11 : memref<125x160xbf16, #tpu.memory_space<vmem>>) dst(%dma_wait3A_69 : memref<125x160xbf16, #tpu.memory_space<vmem_shared>>)
    %dma_wait3A_70 = arith.constant 0 : i32
    %dma_wait3A_71 = arith.constant 0 : i32
    %dma_wait3A_72 = tpu.memref_slice %arg14[%dma_wait3A_70, %dma_wait3A_71] : memref<10112x160xbf16, #tpu.memory_space<vmem_shared>> -> memref<125x160xbf16, #tpu.memory_space<vmem_shared>>
    %dma_wait3A_73 = arith.constant 0 : i32
    %dma_wait3A_74 = arith.constant 0 : i32
    %dma_wait3A_75 = tpu.memref_slice %arg14[%dma_wait3A_73, %dma_wait3A_74] : memref<10112x160xbf16, #tpu.memory_space<vmem_shared>> -> memref<125x160xbf16, #tpu.memory_space<vmem_shared>>
    tpu.wait_dma2 semaphore(%arg23 : memref<!tpu.dma_semaphore, #tpu.memory_space<semaphore_mem>>) src(%arg12 : memref<125x160xbf16, #tpu.memory_space<vmem>>) dst(%dma_wait3A_75 : memref<125x160xbf16, #tpu.memory_space<vmem_shared>>)
    %dma_wait3A_76 = arith.constant 0 : i32
    %dma_wait3A_77 = arith.constant 0 : i32
    %dma_wait3A_78 = tpu.memref_slice %arg14[%dma_wait3A_76, %dma_wait3A_77] : memref<10112x160xbf16, #tpu.memory_space<vmem_shared>> -> memref<125x160xbf16, #tpu.memory_space<vmem_shared>>
    %dma_wait3A_79 = arith.constant 0 : i32
    %dma_wait3A_80 = arith.constant 0 : i32
    %dma_wait3A_81 = tpu.memref_slice %arg14[%dma_wait3A_79, %dma_wait3A_80] : memref<10112x160xbf16, #tpu.memory_space<vmem_shared>> -> memref<125x160xbf16, #tpu.memory_space<vmem_shared>>
    tpu.wait_dma2 semaphore(%arg24 : memref<!tpu.dma_semaphore, #tpu.memory_space<semaphore_mem>>) src(%arg13 : memref<125x160xbf16, #tpu.memory_space<vmem>>) dst(%dma_wait3A_81 : memref<125x160xbf16, #tpu.memory_space<vmem_shared>>)
    %barrier3A_82 = arith.constant 0 : index
    tpu.barrier barrier_id(%barrier3A_82)
    %eq3A = arith.constant 0 : i32
    %eq3A_83 = arith.cmpi eq, %arg0, %eq3A : i32
    %convert_element_type3A = arith.extui %eq3A_83 : i1 to i32
    %cond3A = arith.constant 0 : i32
    %cond3A_84 = arith.cmpi ne, %convert_element_type3A, %cond3A : i32
    scf.if %cond3A_84 {
      "tpu.region"() ({
        %run_scoped3A_90 = tpu.sem_alloc : memref<!tpu.dma_semaphore, #tpu.memory_space<semaphore_mem>>
        %dma_start3A_91 = arith.constant 0 : i32
        %dma_start3A_92 = tpu.memref_slice %arg5[%mul3A_2, %dma_start3A_91] : memref<10112x160xbf16, #tpu.memory_space<hbm>> -> memref<632x160xbf16, #tpu.memory_space<hbm>>
        %dma_start3A_93 = arith.constant 0 : i32
        %dma_start3A_94 = tpu.memref_slice %arg14[%mul3A_2, %dma_start3A_93] : memref<10112x160xbf16, #tpu.memory_space<vmem_shared>> -> memref<632x160xbf16, #tpu.memory_space<vmem_shared>>
        tpu.enqueue_dma source(%dma_start3A_94 : memref<632x160xbf16, #tpu.memory_space<vmem_shared>>) target(%dma_start3A_92 : memref<632x160xbf16, #tpu.memory_space<hbm>>) target_semaphore(%run_scoped3A_90 : memref<!tpu.dma_semaphore, #tpu.memory_space<semaphore_mem>>)
        %dma_wait3A_95 = arith.constant 0 : i32
        %dma_wait3A_96 = tpu.memref_slice %arg5[%mul3A_2, %dma_wait3A_95] : memref<10112x160xbf16, #tpu.memory_space<hbm>> -> memref<632x160xbf16, #tpu.memory_space<hbm>>
        %dma_wait3A_97 = arith.constant 0 : i32
        %dma_wait3A_98 = tpu.memref_slice %arg14[%mul3A_2, %dma_wait3A_97] : memref<10112x160xbf16, #tpu.memory_space<vmem_shared>> -> memref<632x160xbf16, #tpu.memory_space<vmem_shared>>
        tpu.wait_dma2 semaphore(%run_scoped3A_90 : memref<!tpu.dma_semaphore, #tpu.memory_space<semaphore_mem>>) src(%dma_wait3A_98 : memref<632x160xbf16, #tpu.memory_space<vmem_shared>>) dst(%dma_wait3A_96 : memref<632x160xbf16, #tpu.memory_space<hbm>>)
        tpu.yield
      }) : () -> ()
    } else {
    }
    %eq3A_85 = arith.constant 1 : i32
    %eq3A_86 = arith.cmpi eq, %arg0, %eq3A_85 : i32
    %convert_element_type3A_87 = arith.extui %eq3A_86 : i1 to i32
    %cond3A_88 = arith.constant 0 : i32
    %cond3A_89 = arith.cmpi ne, %convert_element_type3A_87, %cond3A_88 : i32
    scf.if %cond3A_89 {
      "tpu.region"() ({
        %run_scoped3A_90 = tpu.sem_alloc : memref<!tpu.dma_semaphore, #tpu.memory_space<semaphore_mem>>
        %dma_start3A_91 = arith.constant 0 : i32
        %dma_start3A_92 = tpu.memref_slice %arg6[%mul3A_2, %dma_start3A_91] : memref<10112x160xbf16, #tpu.memory_space<hbm>> -> memref<632x160xbf16, #tpu.memory_space<hbm>>
        %dma_start3A_93 = arith.constant 0 : i32
        %dma_start3A_94 = tpu.memref_slice %arg14[%mul3A_2, %dma_start3A_93] : memref<10112x160xbf16, #tpu.memory_space<vmem_shared>> -> memref<632x160xbf16, #tpu.memory_space<vmem_shared>>
        tpu.enqueue_dma source(%dma_start3A_94 : memref<632x160xbf16, #tpu.memory_space<vmem_shared>>) target(%dma_start3A_92 : memref<632x160xbf16, #tpu.memory_space<hbm>>) target_semaphore(%run_scoped3A_90 : memref<!tpu.dma_semaphore, #tpu.memory_space<semaphore_mem>>)
        %dma_wait3A_95 = arith.constant 0 : i32
        %dma_wait3A_96 = tpu.memref_slice %arg6[%mul3A_2, %dma_wait3A_95] : memref<10112x160xbf16, #tpu.memory_space<hbm>> -> memref<632x160xbf16, #tpu.memory_space<hbm>>
        %dma_wait3A_97 = arith.constant 0 : i32
        %dma_wait3A_98 = tpu.memref_slice %arg14[%mul3A_2, %dma_wait3A_97] : memref<10112x160xbf16, #tpu.memory_space<vmem_shared>> -> memref<632x160xbf16, #tpu.memory_space<vmem_shared>>
        tpu.wait_dma2 semaphore(%run_scoped3A_90 : memref<!tpu.dma_semaphore, #tpu.memory_space<semaphore_mem>>) src(%dma_wait3A_98 : memref<632x160xbf16, #tpu.memory_space<vmem_shared>>) dst(%dma_wait3A_96 : memref<632x160xbf16, #tpu.memory_space<hbm>>)
        tpu.yield
      }) : () -> ()
    } else {
    }
    return
  }
}

module attributes {stable_mosaic.version = 14 : i64} {
  func.func @body(%arg0: i32, %arg1: memref<1000x128xf32, #tpu.memory_space<vmem>>, %arg2: memref<1000x160xbf16, #tpu.memory_space<vmem>>, %arg3: memref<1000x160xbf16, #tpu.memory_space<vmem>>, %arg4: memref<128x32xf32, #tpu.memory_space<vmem>>, %arg5: memref<128x32xf32, #tpu.memory_space<vmem>>, %arg6: memref<1x32xf32, #tpu.memory_space<vmem>>, %arg7: memref<1000x1xf32, #tpu.memory_space<vmem>>, %arg8: memref<1000x32xbf16, #tpu.memory_space<vmem>>) attributes {dimension_semantics = [#tpu.dimension_semantics<arbitrary>], iteration_bounds = array<i64: 10>, scalar_prefetch = 0 : i64, scratch_operands = 0 : i64, tpu.core_type = #tpu.core_type<tc>, window_params = [{transform_indices = @transform_0, window_bounds = array<i64: 1000, 128>}, {transform_indices = @transform_1, window_bounds = array<i64: 1000, 160>}, {transform_indices = @transform_2, window_bounds = array<i64: 1000, 160>}, {pipeline_mode = #tpu.pipeline_mode<synchronous>, transform_indices = @transform_3, window_bounds = array<i64: 128, 32>}, {pipeline_mode = #tpu.pipeline_mode<synchronous>, transform_indices = @transform_4, window_bounds = array<i64: 128, 32>}, {pipeline_mode = #tpu.pipeline_mode<synchronous>, transform_indices = @transform_5, window_bounds = array<i64: 1, 32>}, {transform_indices = @transform_6, window_bounds = array<i64: 1000, 1>}, {transform_indices = @transform_7, window_bounds = array<i64: 1000, 32>}]} {
    %get3A = arith.constant 0 : index
    %get3A_0 = arith.constant 0 : index
    %get3A_1 = vector.load %arg2[%get3A, %get3A_0] : memref<1000x160xbf16, #tpu.memory_space<vmem>>, vector<1000x160xbf16>
    %convert_element_type3A = arith.extf %get3A_1 : vector<1000x160xbf16> to vector<1000x160xf32>
    %get3A_2 = arith.constant 0 : index
    %get3A_3 = arith.constant 0 : index
    %get3A_4 = vector.load %arg3[%get3A_2, %get3A_3] : memref<1000x160xbf16, #tpu.memory_space<vmem>>, vector<1000x160xbf16>
    %convert_element_type3A_5 = arith.extf %get3A_4 : vector<1000x160xbf16> to vector<1000x160xf32>
    %add3A = arith.addf %convert_element_type3A, %convert_element_type3A_5 : vector<1000x160xf32>
    %slice3A = vector.extract_strided_slice %add3A {offsets = [0, 128], sizes = [1000, 1], strides = [1, 1]} : vector<1000x160xf32> to vector<1000x1xf32>
    %max3A = arith.constant 1.000000e+00 : f32
    %max3A_6 = vector.broadcast %max3A : f32 to vector<1000x1xf32>
    %max3A_7 = arith.maximumf %slice3A, %max3A_6 : vector<1000x1xf32>
    %slice3A_8 = vector.extract_strided_slice %add3A {offsets = [0, 0], sizes = [1000, 128], strides = [1, 1]} : vector<1000x160xf32> to vector<1000x128xf32>
    %div3A = vector.broadcast %max3A_7 : vector<1000x1xf32> to vector<1000x128xf32>
    %div3A_9 = arith.divf %slice3A_8, %div3A : vector<1000x128xf32>
    %get3A_10 = arith.constant 0 : index
    %get3A_11 = arith.constant 0 : index
    %get3A_12 = vector.load %arg1[%get3A_10, %get3A_11] : memref<1000x128xf32, #tpu.memory_space<vmem>>, vector<1000x128xf32>
    %get3A_13 = arith.constant 0 : index
    %get3A_14 = arith.constant 0 : index
    %get3A_15 = vector.load %arg4[%get3A_13, %get3A_14] : memref<128x32xf32, #tpu.memory_space<vmem>>, vector<128x32xf32>
    %dot_general3A = arith.constant dense<0.000000e+00> : vector<1000x32xf32>
    %dot_general3A_16 = tpu.matmul %div3A_9, %get3A_15, %dot_general3A {dimension_numbers = #tpu.dot_dimension_numbers<[1], [0], [0], [1], [0, 0, 1, 1], [], []>, transpose_lhs_hint = false} : vector<1000x128xf32>, vector<128x32xf32>, vector<1000x32xf32> -> vector<1000x32xf32>
    %get3A_17 = arith.constant 0 : index
    %get3A_18 = arith.constant 0 : index
    %get3A_19 = vector.load %arg5[%get3A_17, %get3A_18] : memref<128x32xf32, #tpu.memory_space<vmem>>, vector<128x32xf32>
    %dot_general3A_20 = arith.constant dense<0.000000e+00> : vector<1000x32xf32>
    %dot_general3A_21 = tpu.matmul %get3A_12, %get3A_19, %dot_general3A_20 {dimension_numbers = #tpu.dot_dimension_numbers<[1], [0], [0], [1], [0, 0, 1, 1], [], []>, transpose_lhs_hint = false} : vector<1000x128xf32>, vector<128x32xf32>, vector<1000x32xf32> -> vector<1000x32xf32>
    %add3A_22 = arith.addf %dot_general3A_16, %dot_general3A_21 : vector<1000x32xf32>
    %get3A_23 = arith.constant 0 : index
    %get3A_24 = arith.constant 0 : index
    %get3A_25 = vector.load %arg6[%get3A_23, %get3A_24] : memref<1x32xf32, #tpu.memory_space<vmem>>, vector<1x32xf32>
    %add3A_26 = vector.broadcast %get3A_25 : vector<1x32xf32> to vector<1000x32xf32>
    %add3A_27 = arith.addf %add3A_22, %add3A_26 : vector<1000x32xf32>
    %max3A_28 = arith.constant 0.000000e+00 : f32
    %max3A_29 = vector.broadcast %max3A_28 : f32 to vector<1000x32xf32>
    %max3A_30 = arith.maximumf %add3A_27, %max3A_29 : vector<1000x32xf32>
    %swap3A = arith.constant 0 : index
    %swap3A_31 = arith.constant 0 : index
    %swap3A_32 = vector.load %arg7[%swap3A, %swap3A_31] : memref<1000x1xf32, #tpu.memory_space<vmem>>, vector<1000x1xf32>
    tpu.vector_store %arg7[%swap3A, %swap3A_31], %max3A_7 {strides = array<i32>} : memref<1000x1xf32, #tpu.memory_space<vmem>>, vector<1000x1xf32>,
    %convert_element_type3A_33 = arith.truncf %max3A_30 : vector<1000x32xf32> to vector<1000x32xbf16>
    %swap3A_34 = arith.constant 0 : index
    %swap3A_35 = arith.constant 0 : index
    %swap3A_36 = vector.load %arg8[%swap3A_34, %swap3A_35] : memref<1000x32xbf16, #tpu.memory_space<vmem>>, vector<1000x32xbf16>
    tpu.vector_store %arg8[%swap3A_34, %swap3A_35], %convert_element_type3A_33 {strides = array<i32>} : memref<1000x32xbf16, #tpu.memory_space<vmem>>, vector<1000x32xbf16>,
    return
  }
  func.func @transform_0(%arg0: i32) -> (i32, i32) {
    %c0_i32 = arith.constant 0 : i32
    %c0_i32_0 = arith.constant 0 : i32
    return %arg0, %c0_i32 : i32, i32
  }
  func.func @transform_1(%arg0: i32) -> (i32, i32) {
    %c0_i32 = arith.constant 0 : i32
    %c0_i32_0 = arith.constant 0 : i32
    return %arg0, %c0_i32 : i32, i32
  }
  func.func @transform_2(%arg0: i32) -> (i32, i32) {
    %c0_i32 = arith.constant 0 : i32
    %c0_i32_0 = arith.constant 0 : i32
    return %arg0, %c0_i32 : i32, i32
  }
  func.func @transform_3(%arg0: i32) -> (i32, i32) {
    %c0_i32 = arith.constant 0 : i32
    %c0_i32_0 = arith.constant 0 : i32
    %c0_i32_1 = arith.constant 0 : i32
    return %c0_i32, %c0_i32_0 : i32, i32
  }
  func.func @transform_4(%arg0: i32) -> (i32, i32) {
    %c0_i32 = arith.constant 0 : i32
    %c0_i32_0 = arith.constant 0 : i32
    %c0_i32_1 = arith.constant 0 : i32
    return %c0_i32, %c0_i32_0 : i32, i32
  }
  func.func @transform_5(%arg0: i32) -> (i32, i32) {
    %c0_i32 = arith.constant 0 : i32
    %c0_i32_0 = arith.constant 0 : i32
    %c0_i32_1 = arith.constant 0 : i32
    return %c0_i32, %c0_i32_0 : i32, i32
  }
  func.func @transform_6(%arg0: i32) -> (i32, i32) {
    %c0_i32 = arith.constant 0 : i32
    %c0_i32_0 = arith.constant 0 : i32
    return %arg0, %c0_i32 : i32, i32
  }
  func.func @transform_7(%arg0: i32) -> (i32, i32) {
    %c0_i32 = arith.constant 0 : i32
    %c0_i32_0 = arith.constant 0 : i32
    return %arg0, %c0_i32 : i32, i32
  }
}

module attributes {stable_mosaic.version = 14 : i64} {
  func.func @body(%arg0: i32, %arg1: memref<1000x128xf32, #tpu.memory_space<vmem>>, %arg2: memref<1000x160xbf16, #tpu.memory_space<vmem>>, %arg3: memref<1000x160xbf16, #tpu.memory_space<vmem>>, %arg4: memref<400x1xf32, #tpu.memory_space<vmem>>, %arg5: memref<1x1xf32, #tpu.memory_space<vmem>>, %arg6: memref<1000x400xf32, #tpu.memory_space<vmem>>, %arg7: memref<1000x1xf32, #tpu.memory_space<vmem>>) attributes {dimension_semantics = [#tpu.dimension_semantics<arbitrary>], iteration_bounds = array<i64: 10>, scalar_prefetch = 0 : i64, scratch_operands = 0 : i64, tpu.core_type = #tpu.core_type<tc>, window_params = [{transform_indices = @transform_0, window_bounds = array<i64: 1000, 128>}, {transform_indices = @transform_1, window_bounds = array<i64: 1000, 160>}, {transform_indices = @transform_2, window_bounds = array<i64: 1000, 160>}, {pipeline_mode = #tpu.pipeline_mode<synchronous>, transform_indices = @transform_3, window_bounds = array<i64: 400, 1>}, {pipeline_mode = #tpu.pipeline_mode<synchronous>, transform_indices = @transform_4, window_bounds = array<i64: 1, 1>}, {transform_indices = @transform_5, window_bounds = array<i64: 1000, 400>}, {transform_indices = @transform_6, window_bounds = array<i64: 1000, 1>}]} {
    %get3A = arith.constant 0 : index
    %get3A_0 = arith.constant 0 : index
    %get3A_1 = vector.load %arg2[%get3A, %get3A_0] : memref<1000x160xbf16, #tpu.memory_space<vmem>>, vector<1000x160xbf16>
    %convert_element_type3A = arith.extf %get3A_1 : vector<1000x160xbf16> to vector<1000x160xf32>
    %get3A_2 = arith.constant 0 : index
    %get3A_3 = arith.constant 0 : index
    %get3A_4 = vector.load %arg3[%get3A_2, %get3A_3] : memref<1000x160xbf16, #tpu.memory_space<vmem>>, vector<1000x160xbf16>
    %convert_element_type3A_5 = arith.extf %get3A_4 : vector<1000x160xbf16> to vector<1000x160xf32>
    %add3A = arith.addf %convert_element_type3A, %convert_element_type3A_5 : vector<1000x160xf32>
    %slice3A = vector.extract_strided_slice %add3A {offsets = [0, 128], sizes = [1000, 1], strides = [1, 1]} : vector<1000x160xf32> to vector<1000x1xf32>
    %max3A = arith.constant 1.000000e+00 : f32
    %max3A_6 = vector.broadcast %max3A : f32 to vector<1000x1xf32>
    %max3A_7 = arith.maximumf %slice3A, %max3A_6 : vector<1000x1xf32>
    %slice3A_8 = vector.extract_strided_slice %add3A {offsets = [0, 0], sizes = [1000, 128], strides = [1, 1]} : vector<1000x160xf32> to vector<1000x128xf32>
    %div3A = vector.broadcast %max3A_7 : vector<1000x1xf32> to vector<1000x128xf32>
    %div3A_9 = arith.divf %slice3A_8, %div3A : vector<1000x128xf32>
    %get3A_10 = arith.constant 0 : index
    %get3A_11 = arith.constant 0 : index
    %get3A_12 = vector.load %arg1[%get3A_10, %get3A_11] : memref<1000x128xf32, #tpu.memory_space<vmem>>, vector<1000x128xf32>
    %mul3A = arith.mulf %get3A_12, %div3A_9 : vector<1000x128xf32>
    %broadcast_in_dim3A = arith.constant 0.000000e+00 : f32
    %broadcast_in_dim3A_13 = vector.broadcast %broadcast_in_dim3A : f32 to vector<1000x16xf32>
    %concatenate3A = tpu.concatenate %get3A_12, %div3A_9, %mul3A, %broadcast_in_dim3A_13 in 1 : vector<1000x128xf32>, vector<1000x128xf32>, vector<1000x128xf32>, vector<1000x16xf32> -> vector<1000x400xf32>
    %swap3A = arith.constant 0 : index
    %swap3A_14 = arith.constant 0 : index
    %swap3A_15 = vector.load %arg6[%swap3A, %swap3A_14] : memref<1000x400xf32, #tpu.memory_space<vmem>>, vector<1000x400xf32>
    tpu.vector_store %arg6[%swap3A, %swap3A_14], %concatenate3A {strides = array<i32>} : memref<1000x400xf32, #tpu.memory_space<vmem>>, vector<1000x400xf32>,
    %get3A_16 = arith.constant 0 : index
    %get3A_17 = arith.constant 0 : index
    %get3A_18 = vector.load %arg4[%get3A_16, %get3A_17] : memref<400x1xf32, #tpu.memory_space<vmem>>, vector<400x1xf32>
    %dot_general3A = arith.constant dense<0.000000e+00> : vector<1000x1xf32>
    %dot_general3A_19 = tpu.matmul %concatenate3A, %get3A_18, %dot_general3A {dimension_numbers = #tpu.dot_dimension_numbers<[1], [0], [0], [1], [0, 0, 1, 1], [], []>, transpose_lhs_hint = false} : vector<1000x400xf32>, vector<400x1xf32>, vector<1000x1xf32> -> vector<1000x1xf32>
    %get3A_20 = arith.constant 0 : index
    %get3A_21 = arith.constant 0 : index
    %get3A_22 = vector.load %arg5[%get3A_20, %get3A_21] : memref<1x1xf32, #tpu.memory_space<vmem>>, vector<1x1xf32>
    %add3A_23 = vector.broadcast %get3A_22 : vector<1x1xf32> to vector<1000x1xf32>
    %add3A_24 = arith.addf %dot_general3A_19, %add3A_23 : vector<1000x1xf32>
    %swap3A_25 = arith.constant 0 : index
    %swap3A_26 = arith.constant 0 : index
    %swap3A_27 = vector.load %arg7[%swap3A_25, %swap3A_26] : memref<1000x1xf32, #tpu.memory_space<vmem>>, vector<1000x1xf32>
    tpu.vector_store %arg7[%swap3A_25, %swap3A_26], %add3A_24 {strides = array<i32>} : memref<1000x1xf32, #tpu.memory_space<vmem>>, vector<1000x1xf32>,
    return
  }
  func.func @transform_0(%arg0: i32) -> (i32, i32) {
    %c0_i32 = arith.constant 0 : i32
    %c0_i32_0 = arith.constant 0 : i32
    return %arg0, %c0_i32 : i32, i32
  }
  func.func @transform_1(%arg0: i32) -> (i32, i32) {
    %c0_i32 = arith.constant 0 : i32
    %c0_i32_0 = arith.constant 0 : i32
    return %arg0, %c0_i32 : i32, i32
  }
  func.func @transform_2(%arg0: i32) -> (i32, i32) {
    %c0_i32 = arith.constant 0 : i32
    %c0_i32_0 = arith.constant 0 : i32
    return %arg0, %c0_i32 : i32, i32
  }
  func.func @transform_3(%arg0: i32) -> (i32, i32) {
    %c0_i32 = arith.constant 0 : i32
    %c0_i32_0 = arith.constant 0 : i32
    %c0_i32_1 = arith.constant 0 : i32
    return %c0_i32, %c0_i32_0 : i32, i32
  }
  func.func @transform_4(%arg0: i32) -> (i32, i32) {
    %c0_i32 = arith.constant 0 : i32
    %c0_i32_0 = arith.constant 0 : i32
    %c0_i32_1 = arith.constant 0 : i32
    return %c0_i32, %c0_i32_0 : i32, i32
  }
  func.func @transform_5(%arg0: i32) -> (i32, i32) {
    %c0_i32 = arith.constant 0 : i32
    %c0_i32_0 = arith.constant 0 : i32
    return %arg0, %c0_i32 : i32, i32
  }
  func.func @transform_6(%arg0: i32) -> (i32, i32) {
    %c0_i32 = arith.constant 0 : i32
    %c0_i32_0 = arith.constant 0 : i32
    return %arg0, %c0_i32 : i32, i32
  }
}

module attributes {stable_mosaic.version = 14 : i64} {
  func.func @body(%arg0: i32, %arg1: memref<1000x1xf32, #tpu.memory_space<vmem>>, %arg2: memref<1000x32xbf16, #tpu.memory_space<vmem>>, %arg3: memref<1000x32xbf16, #tpu.memory_space<vmem>>, %arg4: memref<1000x1xf32, #tpu.memory_space<vmem>>, %arg5: memref<1000x32xbf16, #tpu.memory_space<vmem>>, %arg6: memref<32x16xf32, #tpu.memory_space<vmem>>, %arg7: memref<32x16xf32, #tpu.memory_space<vmem>>, %arg8: memref<1x16xf32, #tpu.memory_space<vmem>>, %arg9: memref<16x1xf32, #tpu.memory_space<vmem>>, %arg10: memref<1000x16xf32, #tpu.memory_space<vmem>>, %arg11: memref<1000x1xf32, #tpu.memory_space<vmem>>) attributes {dimension_semantics = [#tpu.dimension_semantics<arbitrary>], iteration_bounds = array<i64: 10>, scalar_prefetch = 0 : i64, scratch_operands = 0 : i64, tpu.core_type = #tpu.core_type<tc>, window_params = [{transform_indices = @transform_0, window_bounds = array<i64: 1000, 1>}, {transform_indices = @transform_1, window_bounds = array<i64: 1000, 32>}, {transform_indices = @transform_2, window_bounds = array<i64: 1000, 32>}, {transform_indices = @transform_3, window_bounds = array<i64: 1000, 1>}, {transform_indices = @transform_4, window_bounds = array<i64: 1000, 32>}, {pipeline_mode = #tpu.pipeline_mode<synchronous>, transform_indices = @transform_5, window_bounds = array<i64: 32, 16>}, {pipeline_mode = #tpu.pipeline_mode<synchronous>, transform_indices = @transform_6, window_bounds = array<i64: 32, 16>}, {pipeline_mode = #tpu.pipeline_mode<synchronous>, transform_indices = @transform_7, window_bounds = array<i64: 1, 16>}, {pipeline_mode = #tpu.pipeline_mode<synchronous>, transform_indices = @transform_8, window_bounds = array<i64: 16, 1>}, {transform_indices = @transform_9, window_bounds = array<i64: 1000, 16>}, {transform_indices = @transform_10, window_bounds = array<i64: 1000, 1>}]} {
    %get3A = arith.constant 0 : index
    %get3A_0 = arith.constant 0 : index
    %get3A_1 = vector.load %arg2[%get3A, %get3A_0] : memref<1000x32xbf16, #tpu.memory_space<vmem>>, vector<1000x32xbf16>
    %convert_element_type3A = arith.extf %get3A_1 : vector<1000x32xbf16> to vector<1000x32xf32>
    %get3A_2 = arith.constant 0 : index
    %get3A_3 = arith.constant 0 : index
    %get3A_4 = vector.load %arg3[%get3A_2, %get3A_3] : memref<1000x32xbf16, #tpu.memory_space<vmem>>, vector<1000x32xbf16>
    %convert_element_type3A_5 = arith.extf %get3A_4 : vector<1000x32xbf16> to vector<1000x32xf32>
    %add3A = arith.addf %convert_element_type3A, %convert_element_type3A_5 : vector<1000x32xf32>
    %get3A_6 = arith.constant 0 : index
    %get3A_7 = arith.constant 0 : index
    %get3A_8 = vector.load %arg4[%get3A_6, %get3A_7] : memref<1000x1xf32, #tpu.memory_space<vmem>>, vector<1000x1xf32>
    %div3A = vector.broadcast %get3A_8 : vector<1000x1xf32> to vector<1000x32xf32>
    %div3A_9 = arith.divf %add3A, %div3A : vector<1000x32xf32>
    %get3A_10 = arith.constant 0 : index
    %get3A_11 = arith.constant 0 : index
    %get3A_12 = vector.load %arg6[%get3A_10, %get3A_11] : memref<32x16xf32, #tpu.memory_space<vmem>>, vector<32x16xf32>
    %dot_general3A = arith.constant dense<0.000000e+00> : vector<1000x16xf32>
    %dot_general3A_13 = tpu.matmul %div3A_9, %get3A_12, %dot_general3A {dimension_numbers = #tpu.dot_dimension_numbers<[1], [0], [0], [1], [0, 0, 1, 1], [], []>, transpose_lhs_hint = false} : vector<1000x32xf32>, vector<32x16xf32>, vector<1000x16xf32> -> vector<1000x16xf32>
    %get3A_14 = arith.constant 0 : index
    %get3A_15 = arith.constant 0 : index
    %get3A_16 = vector.load %arg5[%get3A_14, %get3A_15] : memref<1000x32xbf16, #tpu.memory_space<vmem>>, vector<1000x32xbf16>
    %convert_element_type3A_17 = arith.extf %get3A_16 : vector<1000x32xbf16> to vector<1000x32xf32>
    %get3A_18 = arith.constant 0 : index
    %get3A_19 = arith.constant 0 : index
    %get3A_20 = vector.load %arg7[%get3A_18, %get3A_19] : memref<32x16xf32, #tpu.memory_space<vmem>>, vector<32x16xf32>
    %dot_general3A_21 = arith.constant dense<0.000000e+00> : vector<1000x16xf32>
    %dot_general3A_22 = tpu.matmul %convert_element_type3A_17, %get3A_20, %dot_general3A_21 {dimension_numbers = #tpu.dot_dimension_numbers<[1], [0], [0], [1], [0, 0, 1, 1], [], []>, transpose_lhs_hint = false} : vector<1000x32xf32>, vector<32x16xf32>, vector<1000x16xf32> -> vector<1000x16xf32>
    %add3A_23 = arith.addf %dot_general3A_13, %dot_general3A_22 : vector<1000x16xf32>
    %get3A_24 = arith.constant 0 : index
    %get3A_25 = arith.constant 0 : index
    %get3A_26 = vector.load %arg8[%get3A_24, %get3A_25] : memref<1x16xf32, #tpu.memory_space<vmem>>, vector<1x16xf32>
    %add3A_27 = vector.broadcast %get3A_26 : vector<1x16xf32> to vector<1000x16xf32>
    %add3A_28 = arith.addf %add3A_23, %add3A_27 : vector<1000x16xf32>
    %max3A = arith.constant 0.000000e+00 : f32
    %max3A_29 = vector.broadcast %max3A : f32 to vector<1000x16xf32>
    %max3A_30 = arith.maximumf %add3A_28, %max3A_29 : vector<1000x16xf32>
    %swap3A = arith.constant 0 : index
    %swap3A_31 = arith.constant 0 : index
    %swap3A_32 = vector.load %arg10[%swap3A, %swap3A_31] : memref<1000x16xf32, #tpu.memory_space<vmem>>, vector<1000x16xf32>
    tpu.vector_store %arg10[%swap3A, %swap3A_31], %max3A_30 {strides = array<i32>} : memref<1000x16xf32, #tpu.memory_space<vmem>>, vector<1000x16xf32>,
    %get3A_33 = arith.constant 0 : index
    %get3A_34 = arith.constant 0 : index
    %get3A_35 = vector.load %arg1[%get3A_33, %get3A_34] : memref<1000x1xf32, #tpu.memory_space<vmem>>, vector<1000x1xf32>
    %get3A_36 = arith.constant 0 : index
    %get3A_37 = arith.constant 0 : index
    %get3A_38 = vector.load %arg9[%get3A_36, %get3A_37] : memref<16x1xf32, #tpu.memory_space<vmem>>, vector<16x1xf32>
    %dot_general3A_39 = arith.constant dense<0.000000e+00> : vector<1000x1xf32>
    %dot_general3A_40 = tpu.matmul %max3A_30, %get3A_38, %dot_general3A_39 {dimension_numbers = #tpu.dot_dimension_numbers<[1], [0], [0], [1], [0, 0, 1, 1], [], []>, transpose_lhs_hint = false} : vector<1000x16xf32>, vector<16x1xf32>, vector<1000x1xf32> -> vector<1000x1xf32>
    %add3A_41 = arith.addf %get3A_35, %dot_general3A_40 : vector<1000x1xf32>
    %swap3A_42 = arith.constant 0 : index
    %swap3A_43 = arith.constant 0 : index
    %swap3A_44 = vector.load %arg11[%swap3A_42, %swap3A_43] : memref<1000x1xf32, #tpu.memory_space<vmem>>, vector<1000x1xf32>
    tpu.vector_store %arg11[%swap3A_42, %swap3A_43], %add3A_41 {strides = array<i32>} : memref<1000x1xf32, #tpu.memory_space<vmem>>, vector<1000x1xf32>,
    return
  }
  func.func @transform_0(%arg0: i32) -> (i32, i32) {
    %c0_i32 = arith.constant 0 : i32
    %c0_i32_0 = arith.constant 0 : i32
    return %arg0, %c0_i32 : i32, i32
  }
  func.func @transform_1(%arg0: i32) -> (i32, i32) {
    %c0_i32 = arith.constant 0 : i32
    %c0_i32_0 = arith.constant 0 : i32
    return %arg0, %c0_i32 : i32, i32
  }
  func.func @transform_2(%arg0: i32) -> (i32, i32) {
    %c0_i32 = arith.constant 0 : i32
    %c0_i32_0 = arith.constant 0 : i32
    return %arg0, %c0_i32 : i32, i32
  }
  func.func @transform_3(%arg0: i32) -> (i32, i32) {
    %c0_i32 = arith.constant 0 : i32
    %c0_i32_0 = arith.constant 0 : i32
    return %arg0, %c0_i32 : i32, i32
  }
  func.func @transform_4(%arg0: i32) -> (i32, i32) {
    %c0_i32 = arith.constant 0 : i32
    %c0_i32_0 = arith.constant 0 : i32
    return %arg0, %c0_i32 : i32, i32
  }
  func.func @transform_5(%arg0: i32) -> (i32, i32) {
    %c0_i32 = arith.constant 0 : i32
    %c0_i32_0 = arith.constant 0 : i32
    %c0_i32_1 = arith.constant 0 : i32
    return %c0_i32, %c0_i32_0 : i32, i32
  }
  func.func @transform_6(%arg0: i32) -> (i32, i32) {
    %c0_i32 = arith.constant 0 : i32
    %c0_i32_0 = arith.constant 0 : i32
    %c0_i32_1 = arith.constant 0 : i32
    return %c0_i32, %c0_i32_0 : i32, i32
  }
  func.func @transform_7(%arg0: i32) -> (i32, i32) {
    %c0_i32 = arith.constant 0 : i32
    %c0_i32_0 = arith.constant 0 : i32
    %c0_i32_1 = arith.constant 0 : i32
    return %c0_i32, %c0_i32_0 : i32, i32
  }
  func.func @transform_8(%arg0: i32) -> (i32, i32) {
    %c0_i32 = arith.constant 0 : i32
    %c0_i32_0 = arith.constant 0 : i32
    %c0_i32_1 = arith.constant 0 : i32
    return %c0_i32, %c0_i32_0 : i32, i32
  }
  func.func @transform_9(%arg0: i32) -> (i32, i32) {
    %c0_i32 = arith.constant 0 : i32
    %c0_i32_0 = arith.constant 0 : i32
    return %arg0, %c0_i32 : i32, i32
  }
  func.func @transform_10(%arg0: i32) -> (i32, i32) {
    %c0_i32 = arith.constant 0 : i32
    %c0_i32_0 = arith.constant 0 : i32
    return %arg0, %c0_i32 : i32, i32
  }
}

</mosaic_0001>

<sc_bundles>
// kernel: kernel.10.cloned.1.call-start
scs
__scs_entry_jumppad:
0x0: {  	(pc) =	sbr.rel $0x88, $3  }
0x1: {  	(tag) =	ssettag $0x0;
	lr =	simm.s32 $0x1  }
0x2: {  	[smem:$0x3F97] =	sst lr;
	_ =	strace $0xD0000000  }
0x3: {  	_ = 	snop  }
0x4: {  	_ = 	snop  }
0x5: {  	_ = 	snop  }
0x6: {  	_ = 	snop  }
0x7: {  	_ = 	snop  }
__scs_overlays_trampoline_lowered:
0x8: {  	[smem:$0x3FA6] =	sst s0  }
0x9: {  	[smem:$0x3FA7] =	sst s1  }
0xa: {  	[smem:$0x3FA8] =	sst s2  }
0xb: {  	[smem:$0x3FA9] =	sst s3  }
0xc: {  	[smem:$0x3FAA] =	sst s4  }
0xd: {  	[smem:$0x3FAB] =	sst s5  }
0xe: {  	[smem:$0x3FAC] =	sst s6  }
0xf: {  	[smem:$0x3FAD] =	sst s7  }
0x10: {  	[smem:$0x3FAE] =	sst s8  }
0x11: {  	[smem:$0x3FAF] =	sst s9;
	s0 =	simm.s32 @!p0 $0x0  }
0x12: {  	s1 =	sld [smem:$0x3F95];
	s0 =	simm.s32 @p0 $0x1  }
0x13: {  	[smem:$0x3FB0] =	sst s0;
	s0 =	simm.s32 @!p1 $0x0  }
0x14: {  	s2 =	sld [smem:$0x3F94];
	s0 =	simm.s32 @p1 $0x1  }
0x15: {  	[smem:$0x3FB1] =	sst s0;
	s0 =	simm.s32 @!p2 $0x0  }
0x16: {  	s3 =	sld [smem:$0x3FDB];
	s0 =	simm.s32 @p2 $0x1  }
0x17: {  	s4 =	simm.s32 $0x1BF5;
	[smem:$0x3FB3] =	sst s0  }
0x18: {  	s0 =	sld [smem:$0x3F96];
	_ =	swait.ge [sflag:s4], $0x0  }
0x19: {  	s7 =	sld [smem:$0x3F97]  }
0x1a: {  	s8 =	sadd.s32 $0xFFFFE003, lr  }
0x1b: {  	s9 =	sadd.s32 $0xFFFFFEF7, lr;
	s5 =	simm.s32 $0xFFFFFFFF;
	p2 =	slt.u32 s8, $0xFFFFF086  }
0x1c: {  	p1 =	slt.u32 s9, $0xF7A;
	s5 =	simm.s32 @!p2 $0x0  }
0x1d: {  	s5 =	simm.s32 @p1 $0x1;
	p0 =	seq.s32 s7, s2  }
0x1e: {  	s7 =	smul.u32 @!p0 $0xF7A, s2;
	p2 =	seq.s32 @!p0 s5, $0x0  }
0x1f: {  	s9 =	smul.u32 $0xF7A, s1;
	s8 =	simm.s32 @!p0 $0x1BF5;
	p2 =	por !p2, p0  }
0x20: {  	[sflag:s8] =	ssyncset.s32 @!p0 $0xFFFFF086;
	s6 =	sadd.s32 @!p0 s3, s7;
	s7 =	simm.s32 @!p0 $0x108  }
0x21: {  	s3 =	sadd.s32 s3, s9;
	s6 =	sadd.s32 @!p0 $0x88, s6;
	s7 =	simm.s32 @p2 $0x1082  }
0x22: {  	[simem:s7], [sflag:s8] =	dma.local @!p0 [hbm:s6], $0xF7A  }
0x23: {  	s9 =	sor.u32 $0xD0000000, s2;
	s6 =	simm.s32 $0x108;
	_ =	swait.ge @!p0 [sflag:s8], $0x0  }
0x24: {  	s3 =	sadd.s32 $0x88, s3;
	s6 =	simm.s32 @!p1 $0x1082;
	[sflag:s4] =	ssyncset.s32 $0xFFFFF086  }
0x25: {  	[simem:s6], [sflag:s4] =	dma.local [hbm:s3], $0xF7A  }
0x26: {  	[smem:$0x3F97] =	sst s1;
	(tag) =	ssettag s2;
	_ =	strace s9  }
0x27: {  	s1 =	sld [smem:$0x3FA7]  }
0x28: {  	s2 =	sld [smem:$0x3FA8]  }
0x29: {  	s4 =	sld [smem:$0x3FAA]  }
0x2a: {  	p0 =	seq.s32 s5, $0x0;
	s5 =	sld [smem:$0x3FAB]  }
0x2b: {  	s6 =	sld [smem:$0x3FAC]  }
0x2c: {  	s7 =	sld [smem:$0x3FAD]  }
0x2d: {  	s3 =	simm.s32 $0x108;
	s8 =	sld [smem:$0x3FAE]  }
0x2e: {  	s3 =	simm.s32 @!p0 $0x1082;
	s9 =	sld [smem:$0x3FAF]  }
0x2f: {  	lr =	sadd.s32 s0, s3;
	s0 =	sld [smem:$0x3FA6]  }
0x30: {  	s3 =	sld [smem:$0x3FA9]  }
0x31: {  	[smem:$0x3FB2] =	sst s10  }
0x32: {  	s10 =	sld [smem:$0x3FB0];
	_ =	sdelay $0x3  }
0x33: {  	p0 =	seq.s32 s10, $0x1;
	s10 =	sld [smem:$0x3FB2];
	_ =	sdelay $0x3  }
0x34: {  	[smem:$0x3FB2] =	sst s10  }
0x35: {  	s10 =	sld [smem:$0x3FB1];
	_ =	sdelay $0x3  }
0x36: {  	p1 =	seq.s32 s10, $0x1;
	s10 =	sld [smem:$0x3FB2];
	_ =	sdelay $0x3  }
0x37: {  	[smem:$0x3FB2] =	sst s10  }
0x38: {  	s10 =	sld [smem:$0x3FB3]  }
0x39: {  	_ = 	snop;
	(pc) =	sbr.ind lr, $3  }
0x3a: {  	_ = 	snop  }
0x3b: {  	_ = 	snop  }
0x3c: {  	p2 =	seq.s32 s10, $0x1;
	s10 =	sld [smem:$0x3FB2]  }
0x3d: {  	_ =	shalt  }
0x3e: {  	_ =	shalt  }
0x3f: {  	_ =	shalt  }
0x40: {  	_ =	shalt  }
0x41: {  	_ =	shalt  }
0x42: {  	_ =	shalt  }
0x43: {  	_ =	shalt  }
0x44: {  	_ =	shalt  }
0x45: {  	_ =	shalt  }
0x46: {  	_ =	shalt  }
0x47: {  	_ =	shalt  }
0x48: {  	_ =	shalt  }
0x49: {  	_ =	shalt  }
0x4a: {  	_ =	shalt  }
0x4b: {  	_ =	shalt  }
0x4c: {  	_ =	shalt  }
0x4d: {  	_ =	shalt  }
0x4e: {  	_ =	shalt  }
0x4f: {  	_ =	shalt  }
0x50: {  	_ =	shalt  }
0x51: {  	_ =	shalt  }
0x52: {  	_ =	shalt  }
0x53: {  	_ =	shalt  }
0x54: {  	_ =	shalt  }
0x55: {  	_ =	shalt  }
0x56: {  	_ =	shalt  }
0x57: {  	_ =	shalt  }
0x58: {  	_ =	shalt  }
0x59: {  	_ =	shalt  }
0x5a: {  	_ =	shalt  }
0x5b: {  	_ =	shalt  }
0x5c: {  	_ =	shalt  }
0x5d: {  	_ =	shalt  }
0x5e: {  	_ =	shalt  }
0x5f: {  	_ =	shalt  }
0x60: {  	_ =	shalt  }
0x61: {  	_ =	shalt  }
0x62: {  	_ =	shalt  }
0x63: {  	_ =	shalt  }
0x64: {  	_ =	shalt  }
0x65: {  	_ =	shalt  }
0x66: {  	_ =	shalt  }
0x67: {  	_ =	shalt  }
0x68: {  	_ =	shalt  }
0x69: {  	_ =	shalt  }
0x6a: {  	_ =	shalt  }
0x6b: {  	_ =	shalt  }
0x6c: {  	_ =	shalt  }
0x6d: {  	_ =	shalt  }
0x6e: {  	_ =	shalt  }
0x6f: {  	_ =	shalt  }
0x70: {  	_ =	shalt  }
0x71: {  	_ =	shalt  }
0x72: {  	_ =	shalt  }
0x73: {  	_ =	shalt  }
0x74: {  	_ =	shalt  }
0x75: {  	_ =	shalt  }
0x76: {  	_ =	shalt  }
0x77: {  	_ =	shalt  }
0x78: {  	_ =	shalt  }
0x79: {  	_ =	shalt  }
0x7a: {  	_ =	shalt  }
0x7b: {  	_ =	shalt  }
0x7c: {  	_ =	shalt  }
0x7d: {  	_ =	shalt  }
0x7e: {  	_ =	shalt  }
0x7f: {  	_ =	shalt  }
0x80: {  	_ =	shalt  }
0x81: {  	_ =	shalt  }
0x82: {  	_ =	shalt  }
0x83: {  	_ =	shalt  }
0x84: {  	_ =	shalt  }
0x85: {  	_ =	shalt  }
0x86: {  	_ =	shalt  }
0x87: {  	_ =	shalt  }
.Lfunc_end0:
.L_simem_size_0:
called_computation.1_lowered:
.L_overlay_start_0:
0x88: {  	s2 =	sld [smem:$0x3FD9]  }
0x89: {  	s3 =	sld [smem:$0x3FFE];
	_ =	sdelay $0x1  }
0x8a: {  	s1 =	srdreg.scid  }
0x8b: {  	s0 =	sand.u32 $0x1, s1  }
0x8c: {  	s14 =	sshll.u32 s0, $0xA;
	s2 =	sadd.s32 s3, s2  }
0x8d: {  	s2 =	sadd.s32 s2, s14  }
0x8e: {  	[smem:$0x3FBE] =	sst s2  }
0x8f: {  	_ = 	snop  }
0x90: {  	s2 =	sld [smem:$0x3FD0];
	_ =	sdelay $0x2  }
0x91: {  	s15 =	simm.s32 $0xA;
	s4 =	simm.s32 $0x10  }
0x92: {  	[smem:s4], [sflag:s15] =	dma.local [hbm:s2], $0x1  }
0x93: {  	_ =	swait.eq [sflag:s15], $0x1  }
0x94: {  	[sflag:s15] =	ssyncset.done $0x0  }
0x95: {  	[sflag:s15] =	ssyncadd.s32 $0xFFFFFFFF  }
0x96: {  	s16 =	sld [smem:$0x10];
	(tm) =	ssettm $0x1  }
0x97: {  	s17 =	sld [smem:$0x3FFB];
	_ =	sdelay $0x3  }
0x98: {  	_ =	strace s17  }
0x99: {  	s3 =	sld [smem:$0x3FFC];
	_ =	sdelay $0x3  }
0x9a: {  	_ =	strace s3  }
0x9b: {  	s3 =	sld [smem:$0x3FFD];
	_ =	sdelay $0x3  }
0x9c: {  	_ =	strace s3  }
0x9d: {  	_ =	strace $0x8FFFFFFF  }
0x9e: {  	s18 =	sld [smem:$0x3FDB];
	_ =	sdelay $0x1  }
0x9f: {  	s19 =	simm.s32 $_scs_section_size  }
0xa0: {  	s5 =	simm.s32 $_size__tile_overlayer_lowered;
	s6 =	simm.s32 $_tile_overlayer_lowered  }
0xa1: {  	s22 =	simm.s32 $0x1BFF;
	s21 =	sshll.u32 s6, $0x1;
	s3 =	sadd.s32 s19, s18  }
0xa2: {  	s7 =	simm.s32 $0x0;
	s20 =	sshll.u32 s5, $0x1;
	s5 =	sadd.s32 s21, s3  }
0xa3: {  	[timem:s7], [sflag:s22] =	dma.local [hbm:s5], s20  }
0xa4: {  	_ =	swait.ge [sflag:s22], s20  }
0xa5: {  	s4 =	ssub.s32 $0x0, s20;
	[sflag:s22] =	ssyncset.done $0x0  }
0xa6: {  	[sflag:s22] =	ssyncadd.s32 s4;
	_ =	sdelay $0x1  }
0xa7: {  	s23 =	simm.s32 $0x1B8B  }
0xa8: {  	_ =	swait.ge [sflag:s23], $0x1  }
0xa9: {  	[sflag:s23] =	ssyncset.done $0x0  }
0xaa: {  	s25 =	simm.s32 $0x1B8E;
	s24 =	sld [smem:$0x3FFE];
	[sflag:s23] =	ssyncadd.s32 $0xFFFFFFFF  }
0xab: {  	s26 =	simm.s32 $execute0_lowered;
	[smem:$0x3FD2] =	sst s25  }
0xac: {  	s5 =	sshll.u32 s26, $0x1;
	_ =	strace $0x80000049;
	[dreg:$0x1] =	wrdreg $0xFFFFFFFF  }
0xad: {  	s28 =	simm.s32 $_size_execute0_lowered;
	s3 =	sadd.s32 s3, s5;
	[dreg:$0x0] =	wrdreg $0x0  }
0xae: {  	s5 =	sshll.u32 s28, $0x1;
	[dreg:$0x2] =	wrdreg s3  }
0xaf: {  	[dreg:$0x3] =	wrdreg s5  }
0xb0: {  	[dreg:$0x4] =	wrdreg $0xC0  }
0xb1: {  	_ =	task [dreg:s7], $0x5FFFF  }
0xb2: {  	[dreg:$0x1] =	wrdreg $0xFFFFFFFF  }
0xb3: {  	[dreg:$0x0] =	wrdreg $0x60  }
0xb4: {  	[dreg:$0x2] =	wrdreg s24  }
0xb5: {  	[dreg:$0x3] =	wrdreg s16  }
0xb6: {  	[dreg:$0x4] =	wrdreg $0x8E800  }
0xb7: {  	[dreg:$0x5] =	wrdreg $0x9  }
0xb8: {  	_ =	task.clear_ibuf [dreg:s7], $0x6FFFF;
	_ =	strace $0x90000049  }
0xb9: {  	s29 =	simm.s32 $0x9;
	_ =	strace $0x8000004B  }
0xba: {  	_ =	swait.ge [sflag:s29], $0x1  }
0xbb: {  	[sflag:s29] =	ssyncadd.s32 $0xFFFFFFFF  }
0xbc: {  	_ =	strace $0x9000004B  }
0xbd: {  	_ =	sfence  }
0xbe: {  	s30 =	sld [smem:$0x0];
	_ =	sdelay $0x2  }
0xbf: {  	s31 =	sshll.u32 s1, $0xD;
	s1 =	sshrl.u32 s1, $0x2  }
0xc0: {  	s3 =	sand.u32 $0x4000, s31;
	s1 =	sadd.s32 s1, s30  }
0xc1: {  	s0 =	sor.u32 s3, s0;
	s1 =	sshll.u32 s1, $0x11  }
0xc2: {  	s0 =	sor.u32 s1, s0  }
0xc3: {  	s0 =	sadd.s32 $0x8F2B, s0  }
0xc4: {  	[sflag:s0] =	ssyncadd.remote.s32 $0x1  }
0xc5: {  	_ =	sfence.sel $0xFFFF  }
0xc6: {  	[dreg:$0x0] =	wrdreg $0xFFFFFFFF;
	(pc) =	sbr.abs _section_cstart, $3  }
0xc7: {  	[dreg:$0x1] =	wrdreg $0xFFFFFFFF  }
0xc8: {  	_ =	task.clear_ibuf [dreg:s7], $0x2FFFF;
	_ =	strace $0x9FFFFFFF  }
0xc9: {  	(tm) =	ssettm $0x7FFFFFFF  }
tec
execute0_lowered:
.L_overlay_start_1:
0x0: {  	(tag) =	ssettag $0x1  }
0x1: {  	s0 =	rddreg [dreg:$0x0]  }
0x2: {  	s3 =	rddreg [dreg:$0x2]  }
0x3: {  	s1 =	srdreg.scid;
	s9 =	stileid.u32;
	s4 =	simm.s32 $0x0  }
0x4: {  	s13 =	simm.s32 $0x2;
	s14 =	simm.s32 $0xA;
	s15 =	simm.s32 $0x11  }
0x5: {  	s29 =	simm.s32 $0x6770;
	s31 =	simm.s32 $0x6F40;
	s28 =	simm.s32 $0x86B0  }
0x6: {  	s30 =	simm.s32 $0x3;
	s1 =	sand.u32 $0x1, s1;
	s2 =	sshll.u32 s9, $0x1  }
0x7: {  	[smem:$0x7FF] =	sst s4;
	s5 =	sadd.s32 $0x57800, s0;
	s6 =	smul.u32 $0x9E00, s9  }
0x8: {  	s8 =	smul.u32 $0x4F00, s9;
	s9 =	sshll.u32 s9, $0x6;
	s2 =	sor.u32 s1, s2  }
0x9: {  	_ =	strace $0x8000004A;
	s17 =	ssub.s32 $0x2, s1;
	s16 =	sor.u32 $0x1C11, s9  }
0xa: {  	p0 =	seq.s32 s1, $0x1;
	s1 =	simm.s32 $0x61800;
	s9 =	simm.s32 $0x9  }
0xb: {  	s2 =	smul.u32 $0x2800, s2;
	s7 =	sshrl.u32 s17, $0x1;
	s6 =	sshrl.u32 s6, $0x2  }
0xc: {  	s18 =	sshrl.u32 s8, $0x1;
	s1 =	simm.s32 @!p0 $0x5C800;
	s8 =	sshrl.u32 s8, $0x4  }
0xd: {  	s4 =	ssub.s32 s17, s7;
	s6 =	sadd.s32 s6, s3;
	s7 =	sadd.s32 s18, s3  }
0xe: {  	s17 =	simm.s32 $0xD;
	s18 =	simm.s32 $0xE;
	s2 =	sshrl.u32 s2, $0x3  }
0xf: {  	s19 =	sadd.s32 $0x800, s6;
	s10 =	sadd.s32 $0x1000, s6;
	s11 =	sadd.s32 $0x1800, s6  }
0x10: {  	s6 =	sadd.s32 $0x2000, s6;
	s21 =	smax.u32 s4, $0x1;
	s22 =	sshrl.u32 s7, $0x3  }
0x11: {  	s7 =	simm.s32 $0x7;
	s4 =	simm.s32 $0x10;
	s2 =	sadd.s32 s2, s0  }
0x12: {  	s0 =	sadd.s32 s1, s0;
	[dreg:$0x7] =	wrdreg s21;
	s23 =	sshrl.u32 s19, $0x3  }
0x13: {  	s24 =	sshrl.u32 s10, $0x3;
	s25 =	sshrl.u32 s11, $0x3;
	s11 =	smov.u32 s22  }
0x14: {  	s26 =	sshrl.u32 s6, $0x3;
	s6 =	smov.u32 s16;
	[dreg:$0xa] =	wrdreg s23  }
0x15: {  	s21 =	simm.s32 $0x7D;
	s22 =	simm.s32 $0x5000;
	[dreg:$0xb] =	wrdreg s24  }
0x16: {  	s1 =	simm.s32 $0x7710;
	s10 =	simm.s32 $0xB;
	[dreg:$0xc] =	wrdreg s25  }
0x17: {  	s16 =	simm.s32 $0xC;
	s19 =	simm.s32 $0xF;
	[dreg:$0xd] =	wrdreg s26  }
0x18: {  	s12 =	sadd.s32 $0x1C600, s2;
	s20 =	sadd.s32 $0x26600, s2;
	[dreg:$0x4] =	wrdreg s6  }
0x19: {  	s0 =	sadd.s32 s0, s8;
	s24 =	simm.s32 $0x57D0;
	[dreg:$0x9] =	wrdreg s11  }
0x1a: {  	s26 =	simm.s32 $0x5FA0;
	s23 =	simm.s32 $0x7EE0;
	[dreg:$0x5] =	wrdreg s12  }
0x1b: {  	s25 =	simm.s32 $0x6;
	s8 =	simm.s32 $0x8;
	[dreg:$0x6] =	wrdreg s20  }
0x1c: {  	s2 =	simm.s32 $0x0;
	[dreg:$0x8] =	wrdreg s0;
	s12 =	simm.s32 $0x1  }
0x1d: {  	s0 =	simm.s32 $0x4;
	s20 =	simm.s32 $0x5;
	[dreg:$0xe] =	wrdreg s2  }
.LBB2_1:
0x1e: {  	s2 =	rddreg [dreg:$0x1]  }
0x1f: {  	[spmem:s11@s13], [sflag:s6] =	dma.strided [hbm:s2@s14], $0x100, s12, $0x2   }
0x20: {  	_ =	swait.ge [sflag:s15], $0x100  }
0x21: {  	[sflag:s15] =	ssyncset.done $0x0  }
0x22: {  	s11 =	rddreg [dreg:$0xa];
	[sflag:s15] =	ssyncadd.s32 $0xFFFFFF00  }
0x23: {  	[spmem:s11@s13], [sflag:s6] =	dma.strided [hbm:s2@s14], $0x100, s12, $0x2   }
0x24: {  	_ =	swait.ge [sflag:s15], $0x100  }
0x25: {  	[sflag:s15] =	ssyncset.done $0x0  }
0x26: {  	s11 =	rddreg [dreg:$0xb];
	[sflag:s15] =	ssyncadd.s32 $0xFFFFFF00  }
0x27: {  	[spmem:s11@s13], [sflag:s6] =	dma.strided [hbm:s2@s14], $0x100, s12, $0x2   }
0x28: {  	_ =	swait.ge [sflag:s15], $0x100  }
0x29: {  	[sflag:s15] =	ssyncset.done $0x0  }
0x2a: {  	s11 =	rddreg [dreg:$0xc];
	[sflag:s15] =	ssyncadd.s32 $0xFFFFFF00  }
0x2b: {  	[spmem:s11@s13], [sflag:s6] =	dma.strided [hbm:s2@s14], $0x100, s12, $0x2   }
0x2c: {  	_ =	swait.ge [sflag:s15], $0x100  }
0x2d: {  	[sflag:s15] =	ssyncset.done $0x0  }
0x2e: {  	s11 =	rddreg [dreg:$0xd];
	[sflag:s15] =	ssyncadd.s32 $0xFFFFFF00  }
0x2f: {  	[spmem:s11@s13], [sflag:s6] =	dma.strided [hbm:s2@s14], $0xF0, s12, $0x2   }
0x30: {  	_ =	swait.ge [sflag:s15], $0xF0  }
0x31: {  	[sflag:s15] =	ssyncset.done $0x0  }
0x32: {  	s2 =	simm.s32 $0x0;
	s11 =	rddreg [dreg:$0x5];
	[sflag:s15] =	ssyncadd.s32 $0xFFFFFF10  }
0x33: {  	[tilespmem:s2], [sflag:$0x11] =	stream.linear.gather [hbm4b:s11+s2], $0x2800, $0x38;
	[tilespmem:$0xB600] =	vst v63  }
0x34: {  	_ =	swait.ge [sflag:s15], $0x2800  }
0x35: {  	[sflag:s15] =	ssyncset.done $0x0  }
0x36: {  	s11 =	simm.s32 $0x2800;
	s6 =	rddreg [dreg:$0x6];
	[sflag:s15] =	ssyncadd.s32 $0xFFFFD800  }
0x37: {  	[tilespmem:s11], [sflag:$0x11] =	stream.linear.gather [hbm4b:s6+s2], $0x2800, $0x38;
	[tilespmem:$0xB600] =	vst v63  }
0x38: {  	_ =	swait.ge [sflag:s15], $0x2800  }
0x39: {  	[sflag:s15] =	ssyncset.done $0x0  }
0x3a: {  	[sflag:s15] =	ssyncadd.s32 $0xFFFFD800  }
0x3b: {  	[bflag:$0x0] =	sbarrier.arrive $0xFFFF  }
0x3c: {  	[tilespmem:s22], [sflag:$0x1] =	stream.indirect.gather [hbm4b:s5+s21], $0x10, s2, s21, $0xb8;
	[tilespmem:$0xB600] =	vst v63  }
0x3d: {  	s6 =	simm.s32 $0x80  }
0x3e: {  	[tilespmem:s24], [sflag:$0x2] =	stream.indirect.gather [hbm4b:s5+s21], $0x10, s6, s21, $0xb8;
	[tilespmem:$0xB600] =	vst v63  }
0x3f: {  	s11 =	simm.s32 $0x100  }
0x40: {  	[tilespmem:s26], [sflag:$0x3] =	stream.indirect.gather [hbm4b:s5+s21], $0x10, s11, s21, $0xb8;
	[tilespmem:$0xB600] =	vst v63  }
0x41: {  	s6 =	simm.s32 $0x180  }
0x42: {  	[tilespmem:s29], [sflag:$0x4] =	stream.indirect.gather [hbm4b:s5+s21], $0x10, s6, s21, $0xb8;
	[tilespmem:$0xB600] =	vst v63  }
0x43: {  	s11 =	simm.s32 $0x200  }
0x44: {  	[tilespmem:s31], [sflag:$0x5] =	stream.indirect.gather [hbm4b:s5+s21], $0x10, s11, s21, $0xb8;
	[tilespmem:$0xB600] =	vst v63  }
0x45: {  	s6 =	simm.s32 $0x280  }
0x46: {  	[tilespmem:s1], [sflag:$0x6] =	stream.indirect.gather [hbm4b:s5+s21], $0x10, s6, s21, $0xb8;
	[tilespmem:$0xB600] =	vst v63  }
0x47: {  	s11 =	simm.s32 $0x300  }
0x48: {  	[tilespmem:s23], [sflag:$0x7] =	stream.indirect.gather [hbm4b:s5+s21], $0x10, s11, s21, $0xb8;
	[tilespmem:$0xB600] =	vst v63  }
0x49: {  	s6 =	simm.s32 $0x380  }
0x4a: {  	[tilespmem:s28], [sflag:$0x8] =	stream.indirect.gather [hbm4b:s5+s21], $0x10, s6, s21, $0xb8;
	[tilespmem:$0xB600] =	vst v63  }
0x4b: {  	_ =	swait.ge [sflag:s12], $0x7D0  }
0x4c: {  	[sflag:s12] =	ssyncset.done $0x0  }
0x4d: {  	s11 =	simm.s32 $0x2800;
	[sflag:s12] =	ssyncadd.s32 $0xFFFFF830  }
0x4e: {  	[spmem:s3] =	stream.indirect.scatter.add.bf16 [tilespmem:s22], [sflag:$0x9], $0x10, s11, s21, $0xb8;
	[tilespmem:$0xB600] =	vst v63  }
0x4f: {  	_ =	swait.ge [sflag:s13], $0x7D0  }
0x50: {  	[sflag:s13] =	ssyncset.done $0x0  }
0x51: {  	s6 =	simm.s32 $0x2880;
	[sflag:s13] =	ssyncadd.s32 $0xFFFFF830  }
0x52: {  	[spmem:s3] =	stream.indirect.scatter.add.bf16 [tilespmem:s24], [sflag:$0xA], $0x10, s6, s21, $0xb8;
	[tilespmem:$0xB600] =	vst v63  }
0x53: {  	_ =	swait.ge [sflag:s30], $0x7D0  }
0x54: {  	[sflag:s30] =	ssyncset.done $0x0  }
0x55: {  	s11 =	simm.s32 $0x2900;
	[sflag:s30] =	ssyncadd.s32 $0xFFFFF830  }
0x56: {  	[spmem:s3] =	stream.indirect.scatter.add.bf16 [tilespmem:s26], [sflag:$0xB], $0x10, s11, s21, $0xb8;
	[tilespmem:$0xB600] =	vst v63  }
0x57: {  	_ =	swait.ge [sflag:s0], $0x7D0  }
0x58: {  	[sflag:s0] =	ssyncset.done $0x0  }
0x59: {  	s6 =	simm.s32 $0x2980;
	[sflag:s0] =	ssyncadd.s32 $0xFFFFF830  }
0x5a: {  	[spmem:s3] =	stream.indirect.scatter.add.bf16 [tilespmem:s29], [sflag:$0xC], $0x10, s6, s21, $0xb8;
	[tilespmem:$0xB600] =	vst v63  }
0x5b: {  	_ =	swait.ge [sflag:s20], $0x7D0  }
0x5c: {  	[sflag:s20] =	ssyncset.done $0x0  }
0x5d: {  	s11 =	simm.s32 $0x2A00;
	[sflag:s20] =	ssyncadd.s32 $0xFFFFF830  }
0x5e: {  	[spmem:s3] =	stream.indirect.scatter.add.bf16 [tilespmem:s31], [sflag:$0xD], $0x10, s11, s21, $0xb8;
	[tilespmem:$0xB600] =	vst v63  }
0x5f: {  	_ =	swait.ge [sflag:s25], $0x7D0  }
0x60: {  	[sflag:s25] =	ssyncset.done $0x0  }
0x61: {  	s6 =	simm.s32 $0x2A80;
	[sflag:s25] =	ssyncadd.s32 $0xFFFFF830  }
0x62: {  	[spmem:s3] =	stream.indirect.scatter.add.bf16 [tilespmem:s1], [sflag:$0xE], $0x10, s6, s21, $0xb8;
	[tilespmem:$0xB600] =	vst v63  }
0x63: {  	_ =	swait.ge [sflag:s7], $0x7D0  }
0x64: {  	[sflag:s7] =	ssyncset.done $0x0  }
0x65: {  	s11 =	simm.s32 $0x2B00;
	[sflag:s7] =	ssyncadd.s32 $0xFFFFF830  }
0x66: {  	[spmem:s3] =	stream.indirect.scatter.add.bf16 [tilespmem:s23], [sflag:$0xF], $0x10, s11, s21, $0xb8;
	[tilespmem:$0xB600] =	vst v63  }
0x67: {  	_ =	swait.ge [sflag:s8], $0x7D0  }
0x68: {  	[sflag:s8] =	ssyncset.done $0x0  }
0x69: {  	s6 =	simm.s32 $0x2B80;
	[sflag:s8] =	ssyncadd.s32 $0xFFFFF830  }
0x6a: {  	[spmem:s3] =	stream.indirect.scatter.add.bf16 [tilespmem:s28], [sflag:$0x10], $0x10, s6, s21, $0xb8;
	[tilespmem:$0xB600] =	vst v63  }
0x6b: {  	_ =	swait.ge [sflag:s9], $0x7D0  }
0x6c: {  	[sflag:s9] =	ssyncset.done $0x0  }
0x6d: {  	s11 =	simm.s32 $0x400;
	[sflag:s9] =	ssyncadd.s32 $0xFFFFF830  }
0x6e: {  	[tilespmem:s22], [sflag:$0x1] =	stream.indirect.gather [hbm4b:s5+s21], $0x10, s11, s21, $0xb8;
	[tilespmem:$0xB600] =	vst v63  }
0x6f: {  	_ =	swait.ge [sflag:s14], $0x7D0  }
0x70: {  	[sflag:s14] =	ssyncset.done $0x0  }
0x71: {  	s6 =	simm.s32 $0x480;
	[sflag:s14] =	ssyncadd.s32 $0xFFFFF830  }
0x72: {  	[tilespmem:s24], [sflag:$0x2] =	stream.indirect.gather [hbm4b:s5+s21], $0x10, s6, s21, $0xb8;
	[tilespmem:$0xB600] =	vst v63  }
0x73: {  	_ =	swait.ge [sflag:s10], $0x7D0  }
0x74: {  	[sflag:s10] =	ssyncset.done $0x0  }
0x75: {  	s11 =	simm.s32 $0x500;
	[sflag:s10] =	ssyncadd.s32 $0xFFFFF830  }
0x76: {  	[tilespmem:s26], [sflag:$0x3] =	stream.indirect.gather [hbm4b:s5+s21], $0x10, s11, s21, $0xb8;
	[tilespmem:$0xB600] =	vst v63  }
0x77: {  	_ =	swait.ge [sflag:s16], $0x7D0  }
0x78: {  	[sflag:s16] =	ssyncset.done $0x0  }
0x79: {  	s6 =	simm.s32 $0x580;
	[sflag:s16] =	ssyncadd.s32 $0xFFFFF830  }
0x7a: {  	[tilespmem:s29], [sflag:$0x4] =	stream.indirect.gather [hbm4b:s5+s21], $0x10, s6, s21, $0xb8;
	[tilespmem:$0xB600] =	vst v63  }
0x7b: {  	_ =	swait.ge [sflag:s17], $0x7D0  }
0x7c: {  	[sflag:s17] =	ssyncset.done $0x0  }
0x7d: {  	s11 =	simm.s32 $0x600;
	[sflag:s17] =	ssyncadd.s32 $0xFFFFF830  }
0x7e: {  	[tilespmem:s31], [sflag:$0x5] =	stream.indirect.gather [hbm4b:s5+s21], $0x10, s11, s21, $0xb8;
	[tilespmem:$0xB600] =	vst v63  }
0x7f: {  	_ =	swait.ge [sflag:s18], $0x7D0  }
0x80: {  	[sflag:s18] =	ssyncset.done $0x0  }
0x81: {  	s6 =	simm.s32 $0x680;
	[sflag:s18] =	ssyncadd.s32 $0xFFFFF830  }
0x82: {  	[tilespmem:s1], [sflag:$0x6] =	stream.indirect.gather [hbm4b:s5+s21], $0x10, s6, s21, $0xb8;
	[tilespmem:$0xB600] =	vst v63  }
0x83: {  	_ =	swait.ge [sflag:s19], $0x7D0  }
0x84: {  	[sflag:s19] =	ssyncset.done $0x0  }
0x85: {  	s11 =	simm.s32 $0x700;
	[sflag:s19] =	ssyncadd.s32 $0xFFFFF830  }
0x86: {  	[tilespmem:s23], [sflag:$0x7] =	stream.indirect.gather [hbm4b:s5+s21], $0x10, s11, s21, $0xb8;
	[tilespmem:$0xB600] =	vst v63  }
0x87: {  	_ =	swait.ge [sflag:s4], $0x7D0  }
0x88: {  	[sflag:s4] =	ssyncset.done $0x0  }
0x89: {  	s2 =	simm.s32 $0x1000;
	s6 =	simm.s32 $0x780;
	[sflag:s4] =	ssyncadd.s32 $0xFFFFF830  }
.LBB2_2:
0x8a: {  	[tilespmem:s28], [sflag:$0x8] =	stream.indirect.gather [hbm4b:s5+s21], $0x10, s6, s21, $0xb8;
	[tilespmem:$0xB600] =	vst v63  }
0x8b: {  	s6 =	smov.u32 s2  }
0x8c: {  	p0 =	sne.s32 s2, $0x8000;
	s2 =	sadd.s32 $0x1000, s2;
	_ =	swait.ge [sflag:s12], $0x7D0  }
0x8d: {  	s6 =	sshra.s32 s6, $0x2;
	[sflag:s12] =	ssyncset.done $0x0  }
0x8e: {  	s11 =	sadd.s32 $0x2800, s6;
	[sflag:s12] =	ssyncadd.s32 $0xFFFFF830  }
0x8f: {  	[spmem:s3] =	stream.indirect.scatter.add.bf16 [tilespmem:s22], [sflag:$0x9], $0x10, s11, s21, $0xb8;
	[tilespmem:$0xB600] =	vst v63  }
0x90: {  	_ =	swait.ge [sflag:s13], $0x7D0  }
0x91: {  	[sflag:s13] =	ssyncset.done $0x0  }
0x92: {  	s11 =	sadd.s32 $0x2880, s6;
	[sflag:s13] =	ssyncadd.s32 $0xFFFFF830  }
0x93: {  	[spmem:s3] =	stream.indirect.scatter.add.bf16 [tilespmem:s24], [sflag:$0xA], $0x10, s11, s21, $0xb8;
	[tilespmem:$0xB600] =	vst v63  }
0x94: {  	_ =	swait.ge [sflag:s30], $0x7D0  }
0x95: {  	[sflag:s30] =	ssyncset.done $0x0  }
0x96: {  	s11 =	sadd.s32 $0x2900, s6;
	[sflag:s30] =	ssyncadd.s32 $0xFFFFF830  }
0x97: {  	[spmem:s3] =	stream.indirect.scatter.add.bf16 [tilespmem:s26], [sflag:$0xB], $0x10, s11, s21, $0xb8;
	[tilespmem:$0xB600] =	vst v63  }
0x98: {  	_ =	swait.ge [sflag:s0], $0x7D0  }
0x99: {  	[sflag:s0] =	ssyncset.done $0x0  }
0x9a: {  	s11 =	sadd.s32 $0x2980, s6;
	[sflag:s0] =	ssyncadd.s32 $0xFFFFF830  }
0x9b: {  	[spmem:s3] =	stream.indirect.scatter.add.bf16 [tilespmem:s29], [sflag:$0xC], $0x10, s11, s21, $0xb8;
	[tilespmem:$0xB600] =	vst v63  }
0x9c: {  	_ =	swait.ge [sflag:s20], $0x7D0  }
0x9d: {  	[sflag:s20] =	ssyncset.done $0x0  }
0x9e: {  	s11 =	sadd.s32 $0x2A00, s6;
	[sflag:s20] =	ssyncadd.s32 $0xFFFFF830  }
0x9f: {  	[spmem:s3] =	stream.indirect.scatter.add.bf16 [tilespmem:s31], [sflag:$0xD], $0x10, s11, s21, $0xb8;
	[tilespmem:$0xB600] =	vst v63  }
0xa0: {  	_ =	swait.ge [sflag:s25], $0x7D0  }
0xa1: {  	[sflag:s25] =	ssyncset.done $0x0  }
0xa2: {  	s11 =	sadd.s32 $0x2A80, s6;
	[sflag:s25] =	ssyncadd.s32 $0xFFFFF830  }
0xa3: {  	[spmem:s3] =	stream.indirect.scatter.add.bf16 [tilespmem:s1], [sflag:$0xE], $0x10, s11, s21, $0xb8;
	[tilespmem:$0xB600] =	vst v63  }
0xa4: {  	_ =	swait.ge [sflag:s7], $0x7D0  }
0xa5: {  	[sflag:s7] =	ssyncset.done $0x0  }
0xa6: {  	s11 =	sadd.s32 $0x2B00, s6;
	[sflag:s7] =	ssyncadd.s32 $0xFFFFF830  }
0xa7: {  	[spmem:s3] =	stream.indirect.scatter.add.bf16 [tilespmem:s23], [sflag:$0xF], $0x10, s11, s21, $0xb8;
	[tilespmem:$0xB600] =	vst v63  }
0xa8: {  	_ =	swait.ge [sflag:s8], $0x7D0  }
0xa9: {  	[sflag:s8] =	ssyncset.done $0x0  }
0xaa: {  	s11 =	sadd.s32 $0x2B80, s6;
	[sflag:s8] =	ssyncadd.s32 $0xFFFFF830  }
0xab: {  	[spmem:s3] =	stream.indirect.scatter.add.bf16 [tilespmem:s28], [sflag:$0x10], $0x10, s11, s21, $0xb8;
	[tilespmem:$0xB600] =	vst v63  }
0xac: {  	_ =	swait.ge [sflag:s9], $0x7D0  }
0xad: {  	[sflag:s9] =	ssyncset.done $0x0  }
0xae: {  	s11 =	sadd.s32 $0x400, s6;
	[sflag:s9] =	ssyncadd.s32 $0xFFFFF830  }
0xaf: {  	[tilespmem:s22], [sflag:$0x1] =	stream.indirect.gather [hbm4b:s5+s21], $0x10, s11, s21, $0xb8;
	[tilespmem:$0xB600] =	vst v63  }
0xb0: {  	_ =	swait.ge [sflag:s14], $0x7D0  }
0xb1: {  	[sflag:s14] =	ssyncset.done $0x0  }
0xb2: {  	s11 =	sadd.s32 $0x480, s6;
	[sflag:s14] =	ssyncadd.s32 $0xFFFFF830  }
0xb3: {  	[tilespmem:s24], [sflag:$0x2] =	stream.indirect.gather [hbm4b:s5+s21], $0x10, s11, s21, $0xb8;
	[tilespmem:$0xB600] =	vst v63  }
0xb4: {  	_ =	swait.ge [sflag:s10], $0x7D0  }
0xb5: {  	[sflag:s10] =	ssyncset.done $0x0  }
0xb6: {  	s11 =	sadd.s32 $0x500, s6;
	[sflag:s10] =	ssyncadd.s32 $0xFFFFF830  }
0xb7: {  	[tilespmem:s26], [sflag:$0x3] =	stream.indirect.gather [hbm4b:s5+s21], $0x10, s11, s21, $0xb8;
	[tilespmem:$0xB600] =	vst v63  }
0xb8: {  	_ =	swait.ge [sflag:s16], $0x7D0  }
0xb9: {  	[sflag:s16] =	ssyncset.done $0x0  }
0xba: {  	s11 =	sadd.s32 $0x580, s6;
	[sflag:s16] =	ssyncadd.s32 $0xFFFFF830  }
0xbb: {  	[tilespmem:s29], [sflag:$0x4] =	stream.indirect.gather [hbm4b:s5+s21], $0x10, s11, s21, $0xb8;
	[tilespmem:$0xB600] =	vst v63  }
0xbc: {  	_ =	swait.ge [sflag:s17], $0x7D0  }
0xbd: {  	[sflag:s17] =	ssyncset.done $0x0  }
0xbe: {  	s11 =	sadd.s32 $0x600, s6;
	[sflag:s17] =	ssyncadd.s32 $0xFFFFF830  }
0xbf: {  	[tilespmem:s31], [sflag:$0x5] =	stream.indirect.gather [hbm4b:s5+s21], $0x10, s11, s21, $0xb8;
	[tilespmem:$0xB600] =	vst v63  }
0xc0: {  	_ =	swait.ge [sflag:s18], $0x7D0  }
0xc1: {  	[sflag:s18] =	ssyncset.done $0x0  }
0xc2: {  	s11 =	sadd.s32 $0x680, s6;
	[sflag:s18] =	ssyncadd.s32 $0xFFFFF830  }
0xc3: {  	[tilespmem:s1], [sflag:$0x6] =	stream.indirect.gather [hbm4b:s5+s21], $0x10, s11, s21, $0xb8;
	[tilespmem:$0xB600] =	vst v63  }
0xc4: {  	_ =	swait.ge [sflag:s19], $0x7D0  }
0xc5: {  	[sflag:s19] =	ssyncset.done $0x0  }
.Ltmp0:
0xc6: {  	s11 =	sadd.s32 $0x700, s6;
	[sflag:s19] =	ssyncadd.s32 $0xFFFFF830;
	(pc) =	sbr.rel @p0 .LBB2_2-.Ltmp0, $4  }
0xc7: {  	[tilespmem:s23], [sflag:$0x7] =	stream.indirect.gather [hbm4b:s5+s21], $0x10, s11, s21, $0xb8;
	[tilespmem:$0xB600] =	vst v63  }
0xc8: {  	_ =	swait.ge [sflag:s4], $0x7D0  }
0xc9: {  	[sflag:s4] =	ssyncset.done $0x0  }
0xca: {  	s6 =	sadd.s32 $0x780, s6;
	[sflag:s4] =	ssyncadd.s32 $0xFFFFF830  }
0xcb: {  	[tilespmem:s28], [sflag:$0x8] =	stream.indirect.gather [hbm4b:s5+s21], $0x10, s6, s21, $0xb8;
	[tilespmem:$0xB600] =	vst v63  }
0xcc: {  	_ =	swait.ge [sflag:s12], $0x7D0  }
0xcd: {  	[sflag:s12] =	ssyncset.done $0x0  }
0xce: {  	s2 =	simm.s32 $0x4C00;
	[sflag:s12] =	ssyncadd.s32 $0xFFFFF830  }
0xcf: {  	[spmem:s3] =	stream.indirect.scatter.add.bf16 [tilespmem:s22], [sflag:$0x9], $0x10, s2, s21, $0xb8;
	[tilespmem:$0xB600] =	vst v63  }
0xd0: {  	_ =	swait.ge [sflag:s13], $0x7D0  }
0xd1: {  	[sflag:s13] =	ssyncset.done $0x0  }
0xd2: {  	s11 =	simm.s32 $0x4C80;
	[sflag:s13] =	ssyncadd.s32 $0xFFFFF830  }
0xd3: {  	[spmem:s3] =	stream.indirect.scatter.add.bf16 [tilespmem:s24], [sflag:$0xA], $0x10, s11, s21, $0xb8;
	[tilespmem:$0xB600] =	vst v63  }
0xd4: {  	_ =	swait.ge [sflag:s30], $0x7D0  }
0xd5: {  	[sflag:s30] =	ssyncset.done $0x0  }
0xd6: {  	s6 =	simm.s32 $0x4D00;
	[sflag:s30] =	ssyncadd.s32 $0xFFFFF830  }
0xd7: {  	[spmem:s3] =	stream.indirect.scatter.add.bf16 [tilespmem:s26], [sflag:$0xB], $0x10, s6, s21, $0xb8;
	[tilespmem:$0xB600] =	vst v63  }
0xd8: {  	_ =	swait.ge [sflag:s0], $0x7D0  }
0xd9: {  	[sflag:s0] =	ssyncset.done $0x0  }
0xda: {  	s11 =	simm.s32 $0x4D80;
	[sflag:s0] =	ssyncadd.s32 $0xFFFFF830  }
0xdb: {  	[spmem:s3] =	stream.indirect.scatter.add.bf16 [tilespmem:s29], [sflag:$0xC], $0x10, s11, s21, $0xb8;
	[tilespmem:$0xB600] =	vst v63  }
0xdc: {  	_ =	swait.ge [sflag:s20], $0x7D0  }
0xdd: {  	[sflag:s20] =	ssyncset.done $0x0  }
0xde: {  	s6 =	simm.s32 $0x4E00;
	[sflag:s20] =	ssyncadd.s32 $0xFFFFF830  }
0xdf: {  	[spmem:s3] =	stream.indirect.scatter.add.bf16 [tilespmem:s31], [sflag:$0xD], $0x10, s6, s21, $0xb8;
	[tilespmem:$0xB600] =	vst v63  }
0xe0: {  	_ =	swait.ge [sflag:s25], $0x7D0  }
0xe1: {  	[sflag:s25] =	ssyncset.done $0x0  }
0xe2: {  	s11 =	simm.s32 $0x4E80;
	[sflag:s25] =	ssyncadd.s32 $0xFFFFF830  }
0xe3: {  	[spmem:s3] =	stream.indirect.scatter.add.bf16 [tilespmem:s1], [sflag:$0xE], $0x10, s11, s21, $0xb8;
	[tilespmem:$0xB600] =	vst v63  }
0xe4: {  	_ =	swait.ge [sflag:s7], $0x7D0  }
0xe5: {  	[sflag:s7] =	ssyncset.done $0x0  }
0xe6: {  	s6 =	simm.s32 $0x4F00;
	[sflag:s7] =	ssyncadd.s32 $0xFFFFF830  }
0xe7: {  	[spmem:s3] =	stream.indirect.scatter.add.bf16 [tilespmem:s23], [sflag:$0xF], $0x10, s6, s21, $0xb8;
	[tilespmem:$0xB600] =	vst v63  }
0xe8: {  	_ =	swait.ge [sflag:s8], $0x7D0  }
0xe9: {  	[sflag:s8] =	ssyncset.done $0x0  }
0xea: {  	s11 =	simm.s32 $0x4F80;
	[sflag:s8] =	ssyncadd.s32 $0xFFFFF830  }
0xeb: {  	[spmem:s3] =	stream.indirect.scatter.add.bf16 [tilespmem:s28], [sflag:$0x10], $0x10, s11, s21, $0xb8;
	[tilespmem:$0xB600] =	vst v63  }
0xec: {  	_ =	swait.ge [sflag:s9], $0x7D0  }
0xed: {  	[sflag:s9] =	ssyncset.done $0x0  }
0xee: {  	[sflag:s9] =	ssyncadd.s32 $0xFFFFF830  }
0xef: {  	_ =	swait.ge [sflag:s14], $0x7D0  }
0xf0: {  	[sflag:s14] =	ssyncset.done $0x0  }
0xf1: {  	[sflag:s14] =	ssyncadd.s32 $0xFFFFF830  }
0xf2: {  	_ =	swait.ge [sflag:s10], $0x7D0  }
0xf3: {  	[sflag:s10] =	ssyncset.done $0x0  }
0xf4: {  	[sflag:s10] =	ssyncadd.s32 $0xFFFFF830  }
0xf5: {  	_ =	swait.ge [sflag:s16], $0x7D0  }
0xf6: {  	[sflag:s16] =	ssyncset.done $0x0  }
0xf7: {  	[sflag:s16] =	ssyncadd.s32 $0xFFFFF830  }
0xf8: {  	_ =	swait.ge [sflag:s17], $0x7D0  }
0xf9: {  	[sflag:s17] =	ssyncset.done $0x0  }
0xfa: {  	[sflag:s17] =	ssyncadd.s32 $0xFFFFF830  }
0xfb: {  	_ =	swait.ge [sflag:s18], $0x7D0  }
0xfc: {  	[sflag:s18] =	ssyncset.done $0x0  }
0xfd: {  	[sflag:s18] =	ssyncadd.s32 $0xFFFFF830  }
0xfe: {  	_ =	swait.ge [sflag:s19], $0x7D0  }
0xff: {  	[sflag:s19] =	ssyncset.done $0x0  }
0x100: {  	[sflag:s19] =	ssyncadd.s32 $0xFFFFF830  }
0x101: {  	_ =	swait.ge [sflag:s4], $0x7D0  }
0x102: {  	[sflag:s4] =	ssyncset.done $0x0  }
0x103: {  	[sflag:s4] =	ssyncadd.s32 $0xFFFFF830  }
0x104: {  	[bflag:$0x0] =	sbarrier.arrive $0xFFFF  }
0x105: {  	s6 =	rddreg [dreg:$0x4]  }
0x106: {  	s2 =	rddreg [dreg:$0x8]  }
0x107: {  	s11 =	rddreg [dreg:$0x9]  }
0x108: {  	[hbm:s2], [sflag:s6] =	dma.local [spmem:s11], $0x4F0  }
0x109: {  	_ =	swait.ge [sflag:s15], $0x4F0  }
0x10a: {  	s2 =	simm.s32 $0x11;
	s15 =	rddreg [dreg:$0xe]  }
0x10b: {  	[sflag:s2] =	ssyncset.done $0x0;
	s2 =	rddreg [dreg:$0x7];
	s15 =	sadd.s32 $0x1, s15  }
0x10c: {  	p0 =	sne.s32 s15, s2  }
.Ltmp1:
0x10d: {  	_ = 	snop;
	(pc) =	sbr.rel @p0 .LBB2_1-.Ltmp1, $3  }
0x10e: {  	_ =	sdelay $0x1  }
0x10f: {  	[dreg:$0xe] =	wrdreg s15;
	s15 =	simm.s32 $0x11  }
0x110: {  	[sflag:s15] =	ssyncadd.s32 $0xFFFFFB10  }
0x111: {  	_ =	sfence.sel $0x180000  }
0x112: {  	[bflag:$0x0] =	sbarrier.arrive $0xFFFF  }
0x113: {  	_ =	strace $0x9000004A  }
0x114: {  	s0 =	stileid.u32;
	[bflag:$0x2] =	sbarrier.arrive $0xFFFF  }
0x115: {  	p0 =	sne.s32 s0, $0x0;
	s0 =	rddreg [dreg:$0x3]  }
0x116: {  	s0 =	sadd.s32 @!p0 $0x100000, s0  }
0x117: {  	[sflag:s0] =	ssyncadd.tile.s32 @!p0 $0x1;
	_ =	shalt  }
.Lfunc_end2:
_tile_overlayer_lowered:
.L_overlay_start_2:
0x118: {  	(tag) =	ssettag $0x2  }
0x119: {  	s0 =	rddreg [dreg:$0x0];
	s2 =	stileid.u32  }
0x11a: {  	s1 =	rddreg [dreg:$0x1];
	p0 =	sne.s32 s2, $0x0  }
0x11b: {  	s3 =	rddreg [dreg:$0x2];
	[bflag:$0x3] =	sbarrier.arrive $0xFFFF;
	s2 =	simm.s32 @!p0 $0x1C11  }
0x11c: {  	[timem:s3], [sflag:s2] =	dma.local @!p0 [hbm:s0], s1  }
0x11d: {  	s0 =	simm.s32 @!p0 $0x11  }
0x11e: {  	_ =	swait.ge @!p0 [sflag:s0], s1  }
0x11f: {  	s1 =	ssub.s32 @!p0 $0x0, s1;
	[sflag:s0] =	ssyncset.done @!p0 $0x0  }
0x120: {  	[sflag:s0] =	ssyncadd.s32 @!p0 s1  }
0x121: {  	[bflag:$0x3] =	sbarrier.arrive $0xFFFF  }
0x122: {  	_ =	shalt  }

// kernel: kernel.7.cloned.1.call-start
scs
__scs_entry_jumppad:
0x0: {  	(pc) =	sbr.rel $0x88, $3  }
0x1: {  	(tag) =	ssettag $0x0;
	lr =	simm.s32 $0x1  }
0x2: {  	[smem:$0x3F97] =	sst lr;
	_ =	strace $0xD0000000  }
0x3: {  	_ = 	snop  }
0x4: {  	_ = 	snop  }
0x5: {  	_ = 	snop  }
0x6: {  	_ = 	snop  }
0x7: {  	_ = 	snop  }
__scs_overlays_trampoline_lowered:
0x8: {  	[smem:$0x3FA6] =	sst s0  }
0x9: {  	[smem:$0x3FA7] =	sst s1  }
0xa: {  	[smem:$0x3FA8] =	sst s2  }
0xb: {  	[smem:$0x3FA9] =	sst s3  }
0xc: {  	[smem:$0x3FAA] =	sst s4  }
0xd: {  	[smem:$0x3FAB] =	sst s5  }
0xe: {  	[smem:$0x3FAC] =	sst s6  }
0xf: {  	[smem:$0x3FAD] =	sst s7  }
0x10: {  	[smem:$0x3FAE] =	sst s8  }
0x11: {  	[smem:$0x3FAF] =	sst s9;
	s0 =	simm.s32 @!p0 $0x0  }
0x12: {  	s1 =	sld [smem:$0x3F95];
	s0 =	simm.s32 @p0 $0x1  }
0x13: {  	[smem:$0x3FB0] =	sst s0;
	s0 =	simm.s32 @!p1 $0x0  }
0x14: {  	s2 =	sld [smem:$0x3F94];
	s0 =	simm.s32 @p1 $0x1  }
0x15: {  	[smem:$0x3FB1] =	sst s0;
	s0 =	simm.s32 @!p2 $0x0  }
0x16: {  	s3 =	sld [smem:$0x3FDB];
	s0 =	simm.s32 @p2 $0x1  }
0x17: {  	s4 =	simm.s32 $0x1BF5;
	[smem:$0x3FB3] =	sst s0  }
0x18: {  	s0 =	sld [smem:$0x3F96];
	_ =	swait.ge [sflag:s4], $0x0  }
0x19: {  	s7 =	sld [smem:$0x3F97]  }
0x1a: {  	s8 =	sadd.s32 $0xFFFFE003, lr  }
0x1b: {  	s9 =	sadd.s32 $0xFFFFFEF7, lr;
	s5 =	simm.s32 $0xFFFFFFFF;
	p2 =	slt.u32 s8, $0xFFFFF086  }
0x1c: {  	p1 =	slt.u32 s9, $0xF7A;
	s5 =	simm.s32 @!p2 $0x0  }
0x1d: {  	s5 =	simm.s32 @p1 $0x1;
	p0 =	seq.s32 s7, s2  }
0x1e: {  	s7 =	smul.u32 @!p0 $0xF7A, s2;
	p2 =	seq.s32 @!p0 s5, $0x0  }
0x1f: {  	s9 =	smul.u32 $0xF7A, s1;
	s8 =	simm.s32 @!p0 $0x1BF5;
	p2 =	por !p2, p0  }
0x20: {  	[sflag:s8] =	ssyncset.s32 @!p0 $0xFFFFF086;
	s6 =	sadd.s32 @!p0 s3, s7;
	s7 =	simm.s32 @!p0 $0x108  }
0x21: {  	s3 =	sadd.s32 s3, s9;
	s6 =	sadd.s32 @!p0 $0x88, s6;
	s7 =	simm.s32 @p2 $0x1082  }
0x22: {  	[simem:s7], [sflag:s8] =	dma.local @!p0 [hbm:s6], $0xF7A  }
0x23: {  	s9 =	sor.u32 $0xD0000000, s2;
	s6 =	simm.s32 $0x108;
	_ =	swait.ge @!p0 [sflag:s8], $0x0  }
0x24: {  	s3 =	sadd.s32 $0x88, s3;
	s6 =	simm.s32 @!p1 $0x1082;
	[sflag:s4] =	ssyncset.s32 $0xFFFFF086  }
0x25: {  	[simem:s6], [sflag:s4] =	dma.local [hbm:s3], $0xF7A  }
0x26: {  	[smem:$0x3F97] =	sst s1;
	(tag) =	ssettag s2;
	_ =	strace s9  }
0x27: {  	s1 =	sld [smem:$0x3FA7]  }
0x28: {  	s2 =	sld [smem:$0x3FA8]  }
0x29: {  	s4 =	sld [smem:$0x3FAA]  }
0x2a: {  	p0 =	seq.s32 s5, $0x0;
	s5 =	sld [smem:$0x3FAB]  }
0x2b: {  	s6 =	sld [smem:$0x3FAC]  }
0x2c: {  	s7 =	sld [smem:$0x3FAD]  }
0x2d: {  	s3 =	simm.s32 $0x108;
	s8 =	sld [smem:$0x3FAE]  }
0x2e: {  	s3 =	simm.s32 @!p0 $0x1082;
	s9 =	sld [smem:$0x3FAF]  }
0x2f: {  	lr =	sadd.s32 s0, s3;
	s0 =	sld [smem:$0x3FA6]  }
0x30: {  	s3 =	sld [smem:$0x3FA9]  }
0x31: {  	[smem:$0x3FB2] =	sst s10  }
0x32: {  	s10 =	sld [smem:$0x3FB0];
	_ =	sdelay $0x3  }
0x33: {  	p0 =	seq.s32 s10, $0x1;
	s10 =	sld [smem:$0x3FB2];
	_ =	sdelay $0x3  }
0x34: {  	[smem:$0x3FB2] =	sst s10  }
0x35: {  	s10 =	sld [smem:$0x3FB1];
	_ =	sdelay $0x3  }
0x36: {  	p1 =	seq.s32 s10, $0x1;
	s10 =	sld [smem:$0x3FB2];
	_ =	sdelay $0x3  }
0x37: {  	[smem:$0x3FB2] =	sst s10  }
0x38: {  	s10 =	sld [smem:$0x3FB3]  }
0x39: {  	_ = 	snop;
	(pc) =	sbr.ind lr, $3  }
0x3a: {  	_ = 	snop  }
0x3b: {  	_ = 	snop  }
0x3c: {  	p2 =	seq.s32 s10, $0x1;
	s10 =	sld [smem:$0x3FB2]  }
0x3d: {  	_ =	shalt  }
0x3e: {  	_ =	shalt  }
0x3f: {  	_ =	shalt  }
0x40: {  	_ =	shalt  }
0x41: {  	_ =	shalt  }
0x42: {  	_ =	shalt  }
0x43: {  	_ =	shalt  }
0x44: {  	_ =	shalt  }
0x45: {  	_ =	shalt  }
0x46: {  	_ =	shalt  }
0x47: {  	_ =	shalt  }
0x48: {  	_ =	shalt  }
0x49: {  	_ =	shalt  }
0x4a: {  	_ =	shalt  }
0x4b: {  	_ =	shalt  }
0x4c: {  	_ =	shalt  }
0x4d: {  	_ =	shalt  }
0x4e: {  	_ =	shalt  }
0x4f: {  	_ =	shalt  }
0x50: {  	_ =	shalt  }
0x51: {  	_ =	shalt  }
0x52: {  	_ =	shalt  }
0x53: {  	_ =	shalt  }
0x54: {  	_ =	shalt  }
0x55: {  	_ =	shalt  }
0x56: {  	_ =	shalt  }
0x57: {  	_ =	shalt  }
0x58: {  	_ =	shalt  }
0x59: {  	_ =	shalt  }
0x5a: {  	_ =	shalt  }
0x5b: {  	_ =	shalt  }
0x5c: {  	_ =	shalt  }
0x5d: {  	_ =	shalt  }
0x5e: {  	_ =	shalt  }
0x5f: {  	_ =	shalt  }
0x60: {  	_ =	shalt  }
0x61: {  	_ =	shalt  }
0x62: {  	_ =	shalt  }
0x63: {  	_ =	shalt  }
0x64: {  	_ =	shalt  }
0x65: {  	_ =	shalt  }
0x66: {  	_ =	shalt  }
0x67: {  	_ =	shalt  }
0x68: {  	_ =	shalt  }
0x69: {  	_ =	shalt  }
0x6a: {  	_ =	shalt  }
0x6b: {  	_ =	shalt  }
0x6c: {  	_ =	shalt  }
0x6d: {  	_ =	shalt  }
0x6e: {  	_ =	shalt  }
0x6f: {  	_ =	shalt  }
0x70: {  	_ =	shalt  }
0x71: {  	_ =	shalt  }
0x72: {  	_ =	shalt  }
0x73: {  	_ =	shalt  }
0x74: {  	_ =	shalt  }
0x75: {  	_ =	shalt  }
0x76: {  	_ =	shalt  }
0x77: {  	_ =	shalt  }
0x78: {  	_ =	shalt  }
0x79: {  	_ =	shalt  }
0x7a: {  	_ =	shalt  }
0x7b: {  	_ =	shalt  }
0x7c: {  	_ =	shalt  }
0x7d: {  	_ =	shalt  }
0x7e: {  	_ =	shalt  }
0x7f: {  	_ =	shalt  }
0x80: {  	_ =	shalt  }
0x81: {  	_ =	shalt  }
0x82: {  	_ =	shalt  }
0x83: {  	_ =	shalt  }
0x84: {  	_ =	shalt  }
0x85: {  	_ =	shalt  }
0x86: {  	_ =	shalt  }
0x87: {  	_ =	shalt  }
.Lfunc_end0:
.L_simem_size_0:
called_computation_lowered:
.L_overlay_start_0:
0x88: {  	s2 =	sld [smem:$0x3FD9]  }
0x89: {  	s3 =	sld [smem:$0x3FFE];
	_ =	sdelay $0x1  }
0x8a: {  	s1 =	srdreg.scid  }
0x8b: {  	s0 =	sand.u32 $0x1, s1  }
0x8c: {  	s14 =	sshll.u32 s0, $0xA;
	s2 =	sadd.s32 s3, s2  }
0x8d: {  	s2 =	sadd.s32 s2, s14  }
0x8e: {  	[smem:$0x3FBE] =	sst s2  }
0x8f: {  	_ = 	snop  }
0x90: {  	s2 =	sld [smem:$0x3FD0];
	_ =	sdelay $0x2  }
0x91: {  	s15 =	simm.s32 $0xA;
	s4 =	simm.s32 $0x10  }
0x92: {  	[smem:s4], [sflag:s15] =	dma.local [hbm:s2], $0x1  }
0x93: {  	_ =	swait.eq [sflag:s15], $0x1  }
0x94: {  	[sflag:s15] =	ssyncset.done $0x0  }
0x95: {  	s16 =	sld [smem:$0x10];
	[sflag:s15] =	ssyncadd.s32 $0xFFFFFFFF  }
0x96: {  	s17 =	sld [smem:$0x11];
	(tm) =	ssettm $0x1  }
0x97: {  	s18 =	sld [smem:$0x3FFB];
	_ =	sdelay $0x3  }
0x98: {  	_ =	strace s18  }
0x99: {  	s4 =	sld [smem:$0x3FFC];
	_ =	sdelay $0x3  }
0x9a: {  	_ =	strace s4  }
0x9b: {  	s4 =	sld [smem:$0x3FFD];
	_ =	sdelay $0x3  }
0x9c: {  	_ =	strace s4  }
0x9d: {  	_ =	strace $0x8FFFFFFF  }
0x9e: {  	s19 =	sld [smem:$0x3FDB];
	_ =	sdelay $0x1  }
0x9f: {  	s5 =	simm.s32 $_scs_section_size  }
0xa0: {  	s6 =	simm.s32 $_size__tile_overlayer_lowered;
	s7 =	simm.s32 $_tile_overlayer_lowered  }
0xa1: {  	s22 =	simm.s32 $0x1BFF;
	s21 =	sshll.u32 s7, $0x1;
	s4 =	sadd.s32 s5, s19  }
0xa2: {  	s8 =	simm.s32 $0x0;
	s20 =	sshll.u32 s6, $0x1;
	s6 =	sadd.s32 s21, s4  }
0xa3: {  	[timem:s8], [sflag:s22] =	dma.local [hbm:s6], s20  }
0xa4: {  	_ =	swait.ge [sflag:s22], s20  }
0xa5: {  	s5 =	ssub.s32 $0x0, s20;
	[sflag:s22] =	ssyncset.done $0x0  }
0xa6: {  	[sflag:s22] =	ssyncadd.s32 s5;
	_ =	sdelay $0x1  }
0xa7: {  	s23 =	simm.s32 $0x1B8B  }
0xa8: {  	_ =	swait.ge [sflag:s23], $0x1  }
0xa9: {  	[sflag:s23] =	ssyncset.done $0x0  }
0xaa: {  	s25 =	simm.s32 $0x1B8E;
	s24 =	sld [smem:$0x3FFE];
	[sflag:s23] =	ssyncadd.s32 $0xFFFFFFFF  }
0xab: {  	s26 =	simm.s32 $execute0_lowered;
	[smem:$0x3FD2] =	sst s25  }
0xac: {  	s6 =	sshll.u32 s26, $0x1;
	_ =	strace $0x80000046;
	[dreg:$0x1] =	wrdreg $0xFFFFFFFF  }
0xad: {  	s28 =	simm.s32 $_size_execute0_lowered;
	s4 =	sadd.s32 s4, s6;
	[dreg:$0x0] =	wrdreg $0x0  }
0xae: {  	s6 =	sshll.u32 s28, $0x1;
	[dreg:$0x2] =	wrdreg s4  }
0xaf: {  	[dreg:$0x3] =	wrdreg s6  }
0xb0: {  	[dreg:$0x4] =	wrdreg $0xC0  }
0xb1: {  	_ =	task [dreg:s8], $0x5FFFF  }
0xb2: {  	[dreg:$0x1] =	wrdreg $0xFFFFFFFF  }
0xb3: {  	[dreg:$0x0] =	wrdreg $0x60  }
0xb4: {  	[dreg:$0x2] =	wrdreg s24  }
0xb5: {  	[dreg:$0x3] =	wrdreg s16  }
0xb6: {  	[dreg:$0x4] =	wrdreg s17  }
0xb7: {  	[dreg:$0x5] =	wrdreg $0x113500  }
0xb8: {  	[dreg:$0x6] =	wrdreg $0x9  }
0xb9: {  	_ =	task.clear_ibuf [dreg:s8], $0x7FFFF;
	_ =	strace $0x90000046  }
0xba: {  	s29 =	simm.s32 $0x9;
	_ =	strace $0x80000048  }
0xbb: {  	_ =	swait.ge [sflag:s29], $0x1  }
0xbc: {  	[sflag:s29] =	ssyncadd.s32 $0xFFFFFFFF  }
0xbd: {  	_ =	strace $0x90000048  }
0xbe: {  	_ =	sfence  }
0xbf: {  	s30 =	sld [smem:$0x0];
	_ =	sdelay $0x2  }
0xc0: {  	s31 =	sshll.u32 s1, $0xD;
	s1 =	sshrl.u32 s1, $0x2  }
0xc1: {  	s3 =	sand.u32 $0x4000, s31;
	s1 =	sadd.s32 s1, s30  }
0xc2: {  	s0 =	sor.u32 s3, s0;
	s1 =	sshll.u32 s1, $0x11  }
0xc3: {  	s0 =	sor.u32 s1, s0  }
0xc4: {  	s0 =	sadd.s32 $0x8F2B, s0  }
0xc5: {  	[sflag:s0] =	ssyncadd.remote.s32 $0x1  }
0xc6: {  	_ =	sfence.sel $0xFFFF  }
0xc7: {  	[dreg:$0x0] =	wrdreg $0xFFFFFFFF;
	(pc) =	sbr.abs _section_cstart, $3  }
0xc8: {  	[dreg:$0x1] =	wrdreg $0xFFFFFFFF  }
0xc9: {  	_ =	task.clear_ibuf [dreg:s8], $0x2FFFF;
	_ =	strace $0x9FFFFFFF  }
0xca: {  	(tm) =	ssettm $0x7FFFFFFF  }
0xcb: {  	_ =	shalt  }
tec
execute0_lowered:
.L_overlay_start_1:
0x0: {  	(tag) =	ssettag $0x1  }
0x1: {  	s0 =	rddreg [dreg:$0x0]  }
0x2: {  	s1 =	rddreg [dreg:$0x1]  }
0x3: {  	s2 =	rddreg [dreg:$0x2];
	s4 =	srdreg.scid  }
0x4: {  	s13 =	stileid.u32;
	s3 =	rddreg [dreg:$0x3]  }
0x5: {  	s28 =	simm.s32 $0xEC40;
	s29 =	simm.s32 $0x1;
	s30 =	simm.s32 $0x2  }
0x6: {  	s31 =	simm.s32 $0x3;
	s17 =	simm.s32 $0x6;
	s7 =	sand.u32 $0x1, s4  }
0x7: {  	s5 =	sshll.u32 s13, $0x1;
	s4 =	simm.s32 $0x0;
	s8 =	smul.u32 $0x18B00, s13  }
0x8: {  	s10 =	smul.u32 $0x31600, s13;
	s20 =	sshll.u32 s13, $0x6;
	s5 =	sor.u32 s7, s5  }
0x9: {  	[smem:$0x7FF] =	sst s4;
	s9 =	ssub.s32 $0x2, s7;
	p0 =	seq.s32 s7, $0x1  }
0xa: {  	s7 =	simm.s32 $0x0;
	s6 =	smul.u32 $0x2800, s5;
	_ =	strace $0x80000047  }
0xb: {  	s5 =	sadd.s32 $0x3E00, s0;
	s18 =	sshrl.u32 s9, $0x1;
	s19 =	sshrl.u32 s8, $0x1  }
0xc: {  	s10 =	sshrl.u32 s10, $0x2;
	s23 =	sshrl.u32 s8, $0x4;
	s9 =	ssub.s32 s9, s18  }
0xd: {  	s12 =	sadd.s32 s19, s3;
	s10 =	sadd.s32 s10, s3;
	s18 =	simm.s32 $0x7D  }
0xe: {  	s19 =	simm.s32 $0x5000;
	s6 =	sshrl.u32 s6, $0x3;
	s21 =	sadd.s32 $0x2800, s10  }
0xf: {  	s14 =	sadd.s32 $0x5000, s10;
	s15 =	sadd.s32 $0x7800, s10;
	s16 =	sadd.s32 $0xA000, s10  }
0x10: {  	s25 =	smax.u32 s9, $0x1;
	s11 =	sadd.s32 s6, s0;
	s0 =	sadd.s32 $0x30600, s0  }
0x11: {  	s6 =	sor.u32 $0x1C0B, s20;
	[dreg:$0x7] =	wrdreg s25;
	s13 =	sshrl.u32 s21, $0x3  }
0x12: {  	s14 =	sshrl.u32 s14, $0x3;
	s15 =	sshrl.u32 s15, $0x3;
	s16 =	sshrl.u32 s16, $0x3  }
0x13: {  	s21 =	simm.s32 $0x7710;
	s25 =	simm.s32 $0xC530;
	s20 =	simm.s32 $0x7  }
0x14: {  	s22 =	sadd.s32 $0x1C600, s11;
	s2 =	smov.u32 @p0 s0;
	s24 =	sadd.s32 $0x26600, s11  }
0x15: {  	s11 =	sshrl.u32 s12, $0x3;
	s12 =	simm.s32 $0xB;
	[dreg:$0x5] =	wrdreg s22  }
0x16: {  	s0 =	simm.s32 $0x5;
	[dreg:$0x6] =	wrdreg s24;
	s26 =	sadd.s32 s2, s23  }
0x17: {  	s23 =	simm.s32 $0x9E20;
	s2 =	simm.s32 $0x4;
	s22 =	simm.s32 $0x8  }
0x18: {  	s24 =	simm.s32 $0x9;
	[dreg:$0x8] =	wrdreg s26;
	s26 =	simm.s32 $0xA  }
.LBB2_1:
0x19: {  	[spmem:s11], [sflag:s6] =	dma.local [hbm:s1], $0x500  }
0x1a: {  	_ =	swait.ge [sflag:s12], $0x500  }
0x1b: {  	[sflag:s12] =	ssyncset.done $0x0  }
0x1c: {  	[sflag:s12] =	ssyncadd.s32 $0xFFFFFB00  }
0x1d: {  	[spmem:s13], [sflag:s6] =	dma.local [hbm:s1], $0x500  }
0x1e: {  	_ =	swait.ge [sflag:s12], $0x500  }
0x1f: {  	[sflag:s12] =	ssyncset.done $0x0  }
0x20: {  	[sflag:s12] =	ssyncadd.s32 $0xFFFFFB00  }
0x21: {  	[spmem:s14], [sflag:s6] =	dma.local [hbm:s1], $0x500  }
0x22: {  	_ =	swait.ge [sflag:s12], $0x500  }
0x23: {  	[sflag:s12] =	ssyncset.done $0x0  }
0x24: {  	[sflag:s12] =	ssyncadd.s32 $0xFFFFFB00  }
0x25: {  	[spmem:s15], [sflag:s6] =	dma.local [hbm:s1], $0x500  }
0x26: {  	_ =	swait.ge [sflag:s12], $0x500  }
0x27: {  	[sflag:s12] =	ssyncset.done $0x0  }
0x28: {  	[sflag:s12] =	ssyncadd.s32 $0xFFFFFB00  }
0x29: {  	[spmem:s16], [sflag:s6] =	dma.local [hbm:s1], $0x4B0  }
0x2a: {  	_ =	swait.ge [sflag:s12], $0x4B0  }
0x2b: {  	[sflag:s12] =	ssyncset.done $0x0  }
0x2c: {  	s8 =	rddreg [dreg:$0x5];
	[sflag:s12] =	ssyncadd.s32 $0xFFFFFB50  }
0x2d: {  	[tilespmem:s4], [sflag:$0xB] =	stream.linear.gather [hbm4b:s8+s4], $0x2800, $0x38;
	[tilespmem:$0x1D8D0] =	vst v63  }
0x2e: {  	_ =	swait.ge [sflag:s12], $0x2800  }
0x2f: {  	[sflag:s12] =	ssyncset.done $0x0  }
0x30: {  	s9 =	simm.s32 $0x2800;
	s10 =	rddreg [dreg:$0x6];
	[sflag:s12] =	ssyncadd.s32 $0xFFFFD800  }
0x31: {  	[tilespmem:s9], [sflag:$0xB] =	stream.linear.gather [hbm4b:s10+s4], $0x2800, $0x38;
	[tilespmem:$0x1D8D0] =	vst v63  }
0x32: {  	_ =	swait.ge [sflag:s12], $0x2800  }
0x33: {  	[sflag:s12] =	ssyncset.done $0x0  }
0x34: {  	[sflag:s12] =	ssyncadd.s32 $0xFFFFD800  }
0x35: {  	[bflag:$0x0] =	sbarrier.arrive $0xFFFF  }
0x36: {  	[tilespmem:s19], [sflag:$0x1] =	stream.indirect.gather [hbm4b:s5+s18], $0x50, s4, s18, $0xb8;
	[tilespmem:$0x1D8D0] =	vst v63  }
0x37: {  	s10 =	simm.s32 $0x80  }
0x38: {  	[tilespmem:s21], [sflag:$0x2] =	stream.indirect.gather [hbm4b:s5+s18], $0x50, s10, s18, $0xb8;
	[tilespmem:$0x1D8D0] =	vst v63  }
0x39: {  	s9 =	simm.s32 $0x100  }
0x3a: {  	[tilespmem:s23], [sflag:$0x3] =	stream.indirect.gather [hbm4b:s5+s18], $0x50, s9, s18, $0xb8;
	[tilespmem:$0x1D8D0] =	vst v63  }
0x3b: {  	s10 =	simm.s32 $0x180  }
0x3c: {  	[tilespmem:s25], [sflag:$0x4] =	stream.indirect.gather [hbm4b:s5+s18], $0x50, s10, s18, $0xb8;
	[tilespmem:$0x1D8D0] =	vst v63  }
0x3d: {  	s9 =	simm.s32 $0x200  }
0x3e: {  	[tilespmem:s28], [sflag:$0x5] =	stream.indirect.gather [hbm4b:s5+s18], $0x50, s9, s18, $0xb8;
	[tilespmem:$0x1D8D0] =	vst v63  }
0x3f: {  	_ =	swait.ge [sflag:s29], $0x2710  }
0x40: {  	[sflag:s29] =	ssyncset.done $0x0  }
0x41: {  	s10 =	simm.s32 $0x2800;
	[sflag:s29] =	ssyncadd.s32 $0xFFFFD8F0  }
0x42: {  	[spmem:s3] =	stream.indirect.scatter.add.bf16 [tilespmem:s19], [sflag:$0x6], $0x50, s10, s18, $0xb8;
	[tilespmem:$0x1D8D0] =	vst v63  }
0x43: {  	_ =	swait.ge [sflag:s30], $0x2710  }
0x44: {  	[sflag:s30] =	ssyncset.done $0x0  }
0x45: {  	s9 =	simm.s32 $0x2880;
	[sflag:s30] =	ssyncadd.s32 $0xFFFFD8F0  }
0x46: {  	[spmem:s3] =	stream.indirect.scatter.add.bf16 [tilespmem:s21], [sflag:$0x7], $0x50, s9, s18, $0xb8;
	[tilespmem:$0x1D8D0] =	vst v63  }
0x47: {  	_ =	swait.ge [sflag:s31], $0x2710  }
0x48: {  	[sflag:s31] =	ssyncset.done $0x0  }
0x49: {  	s10 =	simm.s32 $0x2900;
	[sflag:s31] =	ssyncadd.s32 $0xFFFFD8F0  }
0x4a: {  	[spmem:s3] =	stream.indirect.scatter.add.bf16 [tilespmem:s23], [sflag:$0x8], $0x50, s10, s18, $0xb8;
	[tilespmem:$0x1D8D0] =	vst v63  }
0x4b: {  	_ =	swait.ge [sflag:s2], $0x2710  }
0x4c: {  	[sflag:s2] =	ssyncset.done $0x0  }
0x4d: {  	s9 =	simm.s32 $0x2980;
	[sflag:s2] =	ssyncadd.s32 $0xFFFFD8F0  }
0x4e: {  	[spmem:s3] =	stream.indirect.scatter.add.bf16 [tilespmem:s25], [sflag:$0x9], $0x50, s9, s18, $0xb8;
	[tilespmem:$0x1D8D0] =	vst v63  }
0x4f: {  	_ =	swait.ge [sflag:s0], $0x2710  }
0x50: {  	[sflag:s0] =	ssyncset.done $0x0  }
0x51: {  	s10 =	simm.s32 $0x2A00;
	[sflag:s0] =	ssyncadd.s32 $0xFFFFD8F0  }
0x52: {  	[spmem:s3] =	stream.indirect.scatter.add.bf16 [tilespmem:s28], [sflag:$0xA], $0x50, s10, s18, $0xb8;
	[tilespmem:$0x1D8D0] =	vst v63  }
0x53: {  	_ =	swait.ge [sflag:s17], $0x2710  }
0x54: {  	[sflag:s17] =	ssyncset.done $0x0  }
0x55: {  	s9 =	simm.s32 $0x280;
	[sflag:s17] =	ssyncadd.s32 $0xFFFFD8F0  }
0x56: {  	[tilespmem:s19], [sflag:$0x1] =	stream.indirect.gather [hbm4b:s5+s18], $0x50, s9, s18, $0xb8;
	[tilespmem:$0x1D8D0] =	vst v63  }
0x57: {  	_ =	swait.ge [sflag:s20], $0x2710  }
0x58: {  	[sflag:s20] =	ssyncset.done $0x0  }
0x59: {  	s10 =	simm.s32 $0x300;
	[sflag:s20] =	ssyncadd.s32 $0xFFFFD8F0  }
0x5a: {  	[tilespmem:s21], [sflag:$0x2] =	stream.indirect.gather [hbm4b:s5+s18], $0x50, s10, s18, $0xb8;
	[tilespmem:$0x1D8D0] =	vst v63  }
0x5b: {  	_ =	swait.ge [sflag:s22], $0x2710  }
0x5c: {  	[sflag:s22] =	ssyncset.done $0x0  }
0x5d: {  	s9 =	simm.s32 $0x380;
	[sflag:s22] =	ssyncadd.s32 $0xFFFFD8F0  }
0x5e: {  	[tilespmem:s23], [sflag:$0x3] =	stream.indirect.gather [hbm4b:s5+s18], $0x50, s9, s18, $0xb8;
	[tilespmem:$0x1D8D0] =	vst v63  }
0x5f: {  	_ =	swait.ge [sflag:s24], $0x2710  }
0x60: {  	[sflag:s24] =	ssyncset.done $0x0  }
0x61: {  	s10 =	simm.s32 $0x400;
	[sflag:s24] =	ssyncadd.s32 $0xFFFFD8F0  }
0x62: {  	[tilespmem:s25], [sflag:$0x4] =	stream.indirect.gather [hbm4b:s5+s18], $0x50, s10, s18, $0xb8;
	[tilespmem:$0x1D8D0] =	vst v63  }
0x63: {  	_ =	swait.ge [sflag:s26], $0x2710  }
0x64: {  	[sflag:s26] =	ssyncset.done $0x0  }
0x65: {  	s8 =	simm.s32 $0xA00;
	s9 =	simm.s32 $0x480;
	[sflag:s26] =	ssyncadd.s32 $0xFFFFD8F0  }
.LBB2_2:
0x66: {  	[tilespmem:s28], [sflag:$0x5] =	stream.indirect.gather [hbm4b:s5+s18], $0x50, s9, s18, $0xb8;
	[tilespmem:$0x1D8D0] =	vst v63  }
0x67: {  	s9 =	smov.u32 s8  }
0x68: {  	p0 =	sne.s32 s8, $0x8C00;
	s8 =	sadd.s32 $0xA00, s8;
	_ =	swait.ge [sflag:s29], $0x2710  }
0x69: {  	s9 =	sshra.s32 s9, $0x2;
	[sflag:s29] =	ssyncset.done $0x0  }
0x6a: {  	s10 =	sadd.s32 $0x2800, s9;
	[sflag:s29] =	ssyncadd.s32 $0xFFFFD8F0  }
0x6b: {  	[spmem:s3] =	stream.indirect.scatter.add.bf16 [tilespmem:s19], [sflag:$0x6], $0x50, s10, s18, $0xb8;
	[tilespmem:$0x1D8D0] =	vst v63  }
0x6c: {  	_ =	swait.ge [sflag:s30], $0x2710  }
0x6d: {  	[sflag:s30] =	ssyncset.done $0x0  }
0x6e: {  	s10 =	sadd.s32 $0x2880, s9;
	[sflag:s30] =	ssyncadd.s32 $0xFFFFD8F0  }
0x6f: {  	[spmem:s3] =	stream.indirect.scatter.add.bf16 [tilespmem:s21], [sflag:$0x7], $0x50, s10, s18, $0xb8;
	[tilespmem:$0x1D8D0] =	vst v63  }
0x70: {  	_ =	swait.ge [sflag:s31], $0x2710  }
0x71: {  	[sflag:s31] =	ssyncset.done $0x0  }
0x72: {  	s10 =	sadd.s32 $0x2900, s9;
	[sflag:s31] =	ssyncadd.s32 $0xFFFFD8F0  }
0x73: {  	[spmem:s3] =	stream.indirect.scatter.add.bf16 [tilespmem:s23], [sflag:$0x8], $0x50, s10, s18, $0xb8;
	[tilespmem:$0x1D8D0] =	vst v63  }
0x74: {  	_ =	swait.ge [sflag:s2], $0x2710  }
0x75: {  	[sflag:s2] =	ssyncset.done $0x0  }
0x76: {  	s10 =	sadd.s32 $0x2980, s9;
	[sflag:s2] =	ssyncadd.s32 $0xFFFFD8F0  }
0x77: {  	[spmem:s3] =	stream.indirect.scatter.add.bf16 [tilespmem:s25], [sflag:$0x9], $0x50, s10, s18, $0xb8;
	[tilespmem:$0x1D8D0] =	vst v63  }
0x78: {  	_ =	swait.ge [sflag:s0], $0x2710  }
0x79: {  	[sflag:s0] =	ssyncset.done $0x0  }
0x7a: {  	s10 =	sadd.s32 $0x2A00, s9;
	[sflag:s0] =	ssyncadd.s32 $0xFFFFD8F0  }
0x7b: {  	[spmem:s3] =	stream.indirect.scatter.add.bf16 [tilespmem:s28], [sflag:$0xA], $0x50, s10, s18, $0xb8;
	[tilespmem:$0x1D8D0] =	vst v63  }
0x7c: {  	_ =	swait.ge [sflag:s17], $0x2710  }
0x7d: {  	[sflag:s17] =	ssyncset.done $0x0  }
0x7e: {  	s10 =	sadd.s32 $0x280, s9;
	[sflag:s17] =	ssyncadd.s32 $0xFFFFD8F0  }
0x7f: {  	[tilespmem:s19], [sflag:$0x1] =	stream.indirect.gather [hbm4b:s5+s18], $0x50, s10, s18, $0xb8;
	[tilespmem:$0x1D8D0] =	vst v63  }
0x80: {  	_ =	swait.ge [sflag:s20], $0x2710  }
0x81: {  	[sflag:s20] =	ssyncset.done $0x0  }
0x82: {  	s10 =	sadd.s32 $0x300, s9;
	[sflag:s20] =	ssyncadd.s32 $0xFFFFD8F0  }
0x83: {  	[tilespmem:s21], [sflag:$0x2] =	stream.indirect.gather [hbm4b:s5+s18], $0x50, s10, s18, $0xb8;
	[tilespmem:$0x1D8D0] =	vst v63  }
0x84: {  	_ =	swait.ge [sflag:s22], $0x2710  }
0x85: {  	[sflag:s22] =	ssyncset.done $0x0  }
0x86: {  	s10 =	sadd.s32 $0x380, s9;
	[sflag:s22] =	ssyncadd.s32 $0xFFFFD8F0  }
0x87: {  	[tilespmem:s23], [sflag:$0x3] =	stream.indirect.gather [hbm4b:s5+s18], $0x50, s10, s18, $0xb8;
	[tilespmem:$0x1D8D0] =	vst v63  }
0x88: {  	_ =	swait.ge [sflag:s24], $0x2710  }
0x89: {  	[sflag:s24] =	ssyncset.done $0x0  }
.Ltmp0:
0x8a: {  	s10 =	sadd.s32 $0x400, s9;
	[sflag:s24] =	ssyncadd.s32 $0xFFFFD8F0;
	(pc) =	sbr.rel @p0 .LBB2_2-.Ltmp0, $4  }
0x8b: {  	[tilespmem:s25], [sflag:$0x4] =	stream.indirect.gather [hbm4b:s5+s18], $0x50, s10, s18, $0xb8;
	[tilespmem:$0x1D8D0] =	vst v63  }
0x8c: {  	_ =	swait.ge [sflag:s26], $0x2710  }
0x8d: {  	[sflag:s26] =	ssyncset.done $0x0  }
0x8e: {  	s9 =	sadd.s32 $0x480, s9;
	[sflag:s26] =	ssyncadd.s32 $0xFFFFD8F0  }
0x8f: {  	[tilespmem:s28], [sflag:$0x5] =	stream.indirect.gather [hbm4b:s5+s18], $0x50, s9, s18, $0xb8;
	[tilespmem:$0x1D8D0] =	vst v63  }
0x90: {  	_ =	swait.ge [sflag:s29], $0x2710  }
0x91: {  	[sflag:s29] =	ssyncset.done $0x0  }
0x92: {  	s8 =	simm.s32 $0x4D80;
	[sflag:s29] =	ssyncadd.s32 $0xFFFFD8F0  }
0x93: {  	[spmem:s3] =	stream.indirect.scatter.add.bf16 [tilespmem:s19], [sflag:$0x6], $0x50, s8, s18, $0xb8;
	[tilespmem:$0x1D8D0] =	vst v63  }
0x94: {  	_ =	swait.ge [sflag:s30], $0x2710  }
0x95: {  	[sflag:s30] =	ssyncset.done $0x0  }
0x96: {  	s9 =	simm.s32 $0x4E00;
	[sflag:s30] =	ssyncadd.s32 $0xFFFFD8F0  }
0x97: {  	[spmem:s3] =	stream.indirect.scatter.add.bf16 [tilespmem:s21], [sflag:$0x7], $0x50, s9, s18, $0xb8;
	[tilespmem:$0x1D8D0] =	vst v63  }
0x98: {  	_ =	swait.ge [sflag:s31], $0x2710  }
0x99: {  	[sflag:s31] =	ssyncset.done $0x0  }
0x9a: {  	s10 =	simm.s32 $0x4E80;
	[sflag:s31] =	ssyncadd.s32 $0xFFFFD8F0  }
0x9b: {  	[spmem:s3] =	stream.indirect.scatter.add.bf16 [tilespmem:s23], [sflag:$0x8], $0x50, s10, s18, $0xb8;
	[tilespmem:$0x1D8D0] =	vst v63  }
0x9c: {  	_ =	swait.ge [sflag:s2], $0x2710  }
0x9d: {  	[sflag:s2] =	ssyncset.done $0x0  }
0x9e: {  	s9 =	simm.s32 $0x4F00;
	[sflag:s2] =	ssyncadd.s32 $0xFFFFD8F0  }
0x9f: {  	[spmem:s3] =	stream.indirect.scatter.add.bf16 [tilespmem:s25], [sflag:$0x9], $0x50, s9, s18, $0xb8;
	[tilespmem:$0x1D8D0] =	vst v63  }
0xa0: {  	_ =	swait.ge [sflag:s0], $0x2710  }
0xa1: {  	[sflag:s0] =	ssyncset.done $0x0  }
0xa2: {  	s10 =	simm.s32 $0x4F80;
	[sflag:s0] =	ssyncadd.s32 $0xFFFFD8F0  }
0xa3: {  	[spmem:s3] =	stream.indirect.scatter.add.bf16 [tilespmem:s28], [sflag:$0xA], $0x50, s10, s18, $0xb8;
	[tilespmem:$0x1D8D0] =	vst v63  }
0xa4: {  	_ =	swait.ge [sflag:s17], $0x2710  }
0xa5: {  	[sflag:s17] =	ssyncset.done $0x0  }
0xa6: {  	[sflag:s17] =	ssyncadd.s32 $0xFFFFD8F0  }
0xa7: {  	_ =	swait.ge [sflag:s20], $0x2710  }
0xa8: {  	[sflag:s20] =	ssyncset.done $0x0  }
0xa9: {  	[sflag:s20] =	ssyncadd.s32 $0xFFFFD8F0  }
0xaa: {  	_ =	swait.ge [sflag:s22], $0x2710  }
0xab: {  	[sflag:s22] =	ssyncset.done $0x0  }
0xac: {  	[sflag:s22] =	ssyncadd.s32 $0xFFFFD8F0  }
0xad: {  	_ =	swait.ge [sflag:s24], $0x2710  }
0xae: {  	[sflag:s24] =	ssyncset.done $0x0  }
0xaf: {  	[sflag:s24] =	ssyncadd.s32 $0xFFFFD8F0  }
0xb0: {  	_ =	swait.ge [sflag:s26], $0x2710  }
0xb1: {  	[sflag:s26] =	ssyncset.done $0x0  }
0xb2: {  	[sflag:s26] =	ssyncadd.s32 $0xFFFFD8F0  }
0xb3: {  	[bflag:$0x0] =	sbarrier.arrive $0xFFFF  }
0xb4: {  	s9 =	rddreg [dreg:$0x8]  }
0xb5: {  	[hbm:s9], [sflag:s6] =	dma.local [spmem:s11], $0x18B0  }
0xb6: {  	_ =	swait.ge [sflag:s12], $0x18B0  }
0xb7: {  	s7 =	sadd.s32 $0x1, s7;
	s10 =	rddreg [dreg:$0x7]  }
0xb8: {  	p0 =	sne.s32 s7, s10  }
.Ltmp1:
0xb9: {  	_ = 	snop;
	(pc) =	sbr.rel @p0 .LBB2_1-.Ltmp1, $3  }
0xba: {  	_ =	sdelay $0x1  }
0xbb: {  	[sflag:s12] =	ssyncset.done $0x0  }
0xbc: {  	[sflag:s12] =	ssyncadd.s32 $0xFFFFE750  }
0xbd: {  	_ =	sfence.sel $0x180000  }
0xbe: {  	[bflag:$0x0] =	sbarrier.arrive $0xFFFF  }
0xbf: {  	_ =	strace $0x90000047  }
0xc0: {  	s0 =	stileid.u32;
	[bflag:$0x2] =	sbarrier.arrive $0xFFFF  }
0xc1: {  	p0 =	sne.s32 s0, $0x0;
	s0 =	rddreg [dreg:$0x4]  }
0xc2: {  	s0 =	sadd.s32 @!p0 $0x100000, s0  }
0xc3: {  	[sflag:s0] =	ssyncadd.tile.s32 @!p0 $0x1;
	_ =	shalt  }
.Lfunc_end2:
_tile_overlayer_lowered:
.L_overlay_start_2:
0xc4: {  	(tag) =	ssettag $0x2  }
0xc5: {  	s0 =	rddreg [dreg:$0x0];
	s2 =	stileid.u32  }
0xc6: {  	s1 =	rddreg [dreg:$0x1];
	p0 =	sne.s32 s2, $0x0  }
0xc7: {  	s3 =	rddreg [dreg:$0x2];
	[bflag:$0x3] =	sbarrier.arrive $0xFFFF;
	s2 =	simm.s32 @!p0 $0x1C0B  }
0xc8: {  	[timem:s3], [sflag:s2] =	dma.local @!p0 [hbm:s0], s1  }
0xc9: {  	s0 =	simm.s32 @!p0 $0xB  }
0xca: {  	_ =	swait.ge @!p0 [sflag:s0], s1  }
0xcb: {  	s1 =	ssub.s32 @!p0 $0x0, s1;
	[sflag:s0] =	ssyncset.done @!p0 $0x0  }
0xcc: {  	[sflag:s0] =	ssyncadd.s32 @!p0 s1  }
0xcd: {  	[bflag:$0x3] =	sbarrier.arrive $0xFFFF  }
0xce: {  	_ =	shalt  }

</sc_bundles>
